<compile_context>
chip_gen: v7x
topology: tpu7x:2x2x1
jax: 0.10.2.dev20260603
libtpu: 0.0.44.dev20260713+nightly
codegen_flags: <defaults>
</compile_context>

<pallas_src>
import jax
import jax.numpy as jnp
from jax import lax
from jax.experimental import pallas as pl
from jax.experimental.pallas import tpu as pltpu
from jax.experimental.pallas import tpu_sc as plsc

MAX_LEN = 8192
DIM = 1024
ROWS_PER_CORE = MAX_LEN // 2
CHUNK = 512
CHUNKS_PER_CORE = ROWS_PER_CORE // CHUNK
NBUF = 3

_mesh = plsc.VectorSubcoreMesh(core_axis_name="c", subcore_axis_name="s")


def _sc_body(t_hbm, pe_hbm, zeros_hbm, out_hbm,
             t_v, spmem, si0, si1, si2, so0, so1, so2):
    sid = lax.axis_index("s")
    cid = lax.axis_index("c")
    base = cid * ROWS_PER_CORE

    sin = (si0, si1, si2)
    sout = (so0, so1, so2)

    @pl.when(sid == 0)
    def _active():
        pltpu.sync_copy(t_hbm, t_v)
        t = t_v[...][0]
        bufs = tuple(spmem.at[b] for b in range(NBUF))

        @pl.when(base + ROWS_PER_CORE <= t)
        def _fast_copy():
            n = CHUNKS_PER_CORE
            h_in = [None] * n
            h_out = [None] * n
            for i in range(n):
                b = i % NBUF
                if i >= NBUF:
                    h_out[i - NBUF].wait()
                src = pe_hbm.at[pl.ds(base + i * CHUNK, CHUNK)]
                h_in[i] = pltpu.async_copy(src, bufs[b], sin[b])
                if i >= 1:
                    h_in[i - 1].wait()
                    pb = (i - 1) % NBUF
                    dst = out_hbm.at[pl.ds(base + (i - 1) * CHUNK, CHUNK)]
                    h_out[i - 1] = pltpu.async_copy(bufs[pb], dst, sout[pb])
            h_in[n - 1].wait()
            lb = (n - 1) % NBUF
            dst = out_hbm.at[pl.ds(base + (n - 1) * CHUNK, CHUNK)]
            h_out[n - 1] = pltpu.async_copy(bufs[lb], dst, sout[lb])
            for i in range(n - NBUF, n):
                if i >= 0:
                    h_out[i].wait()

        @pl.when(base + ROWS_PER_CORE > t)
        def _masked_path():
            buf0 = bufs[0]
            for ci in range(CHUNKS_PER_CORE):
                cbase = base + ci * CHUNK

                @pl.when(cbase + CHUNK <= t)
                def _copy_chunk():
                    pltpu.sync_copy(pe_hbm.at[pl.ds(cbase, CHUNK)], buf0)
                    pltpu.sync_copy(buf0, out_hbm.at[pl.ds(cbase, CHUNK)])

                @pl.when(cbase >= t)
                def _zero_chunk():
                    pltpu.sync_copy(zeros_hbm, buf0)
                    pltpu.sync_copy(buf0, out_hbm.at[pl.ds(cbase, CHUNK)])

                @pl.when(jnp.logical_and(cbase < t, cbase + CHUNK > t))
                def _straddle_chunk():
                    pltpu.sync_copy(pe_hbm.at[pl.ds(cbase, CHUNK)], buf0)

                    def row_body(r, carry):
                        @pl.when(cbase + r >= t)
                        def _zero_row():
                            pltpu.sync_copy(zeros_hbm.at[0], buf0.at[r])

                        return carry

                    lax.fori_loop(0, CHUNK, row_body, 0)
                    pltpu.sync_copy(buf0, out_hbm.at[pl.ds(cbase, CHUNK)])


_sc_call = pl.kernel(
    _sc_body,
    mesh=_mesh,
    out_type=jax.ShapeDtypeStruct((MAX_LEN, DIM), jnp.float32),
    scratch_types=(
        [pltpu.VMEM((16,), jnp.int32),
         pltpu.VMEM_SHARED((NBUF, CHUNK, DIM), jnp.float32)]
        + [pltpu.SemaphoreType.DMA] * (2 * NBUF)
    ),
)


def kernel(pe, T):
    t_arr = jnp.full((16,), T, dtype=jnp.int32)
    zeros = jnp.zeros((CHUNK, DIM), dtype=jnp.float32)
    out = _sc_call(t_arr, pe, zeros)
    return out[None, :, :]

# --- scband reference (transcript-rebuilt; emitter-appended) ---
"""Pipeline reference for scband-learnable-positional-encoding-65558380806422 (READ-ONLY COPY).

The authoritative reference and input builder live on the scoring server;
editing this copy changes nothing except your own understanding.
"""

import jax, jax.numpy as jnp
import numpy as np

MAX_LEN = 8192
DIM = 1024

def setup_inputs(seed: int = 0) -> dict:
    key = jax.random.key(seed)
    pe = jax.random.normal(key, (MAX_LEN, DIM), dtype=jnp.float32)
    T = 8192
    return {"pe": pe, "T": T}

def reference(pe, T):
    # Faithful translation of: self.pe[:T].unsqueeze(0)
    idx = jnp.arange(pe.shape[0])
    out = jnp.where(idx[:, None] < T, pe, jnp.zeros_like(pe))
    return out[None, :, :]

if __name__ == "__main__":
    import jax
    _d = setup_inputs()
    print(jax.jit(kernel)(*tuple(_d.values())))

</pallas_src>

<mosaic_0001>
#map = affine_map<(d0, d1) -> (0)>
#map1 = affine_map<(d0, d1) -> (0, 0)>
module attributes {stable_mosaic.version = 14 : i64} {
  func.func @_sc_body(%arg0: i32, %arg1: i32, %arg2: memref<16xi32, #tpu.memory_space<hbm>>, %arg3: memref<8192x1024xf32, #tpu.memory_space<hbm>>, %arg4: memref<512x1024xf32, #tpu.memory_space<hbm>>, %arg5: memref<8192x1024xf32, #tpu.memory_space<hbm>>, %arg6: memref<16xi32, #tpu.memory_space<vmem>>, %arg7: memref<3x512x1024xf32, #tpu.memory_space<vmem_shared>>, %arg8: memref<!tpu.dma_semaphore, #tpu.memory_space<semaphore_mem>>, %arg9: memref<!tpu.dma_semaphore, #tpu.memory_space<semaphore_mem>>, %arg10: memref<!tpu.dma_semaphore, #tpu.memory_space<semaphore_mem>>, %arg11: memref<!tpu.dma_semaphore, #tpu.memory_space<semaphore_mem>>, %arg12: memref<!tpu.dma_semaphore, #tpu.memory_space<semaphore_mem>>, %arg13: memref<!tpu.dma_semaphore, #tpu.memory_space<semaphore_mem>>) attributes {dimension_semantics = [#tpu.dimension_semantics<core_parallel>, #tpu.dimension_semantics<subcore_parallel>], iteration_bounds = array<i64: 2, 16>, scalar_prefetch = 0 : i64, scratch_operands = 8 : i64, tpu.core_type = #tpu.core_type<sc_vector_subcore>, window_params = [{transform_indices = #map}, {transform_indices = #map1}, {transform_indices = #map1}, {transform_indices = #map1}]} {
    %mul3A = arith.constant 4096 : i32
    %mul3A_0 = arith.muli %arg0, %mul3A : i32
    %eq3A = arith.constant 0 : i32
    %eq3A_1 = arith.cmpi eq, %arg1, %eq3A : i32
    %convert_element_type3A = arith.extui %eq3A_1 : i1 to i32
    %cond3A = arith.constant 0 : i32
    %cond3A_2 = arith.cmpi ne, %convert_element_type3A, %cond3A : i32
    scf.if %cond3A_2 {
      "tpu.region"() ({
        %run_scoped3A = tpu.sem_alloc : memref<!tpu.dma_semaphore, #tpu.memory_space<semaphore_mem>>
        tpu.enqueue_dma source(%arg2 : memref<16xi32, #tpu.memory_space<hbm>>) target(%arg6 : memref<16xi32, #tpu.memory_space<vmem>>) target_semaphore(%run_scoped3A : memref<!tpu.dma_semaphore, #tpu.memory_space<semaphore_mem>>)
        tpu.wait_dma2 semaphore(%run_scoped3A : memref<!tpu.dma_semaphore, #tpu.memory_space<semaphore_mem>>) src(%arg2 : memref<16xi32, #tpu.memory_space<hbm>>) dst(%arg6 : memref<16xi32, #tpu.memory_space<vmem>>)
        tpu.yield
      }) : () -> ()
      %get3A = arith.constant 0 : index
      %get3A_3 = tpu.vector_load %arg6[%get3A] {strides = array<i32>} : memref<16xi32, #tpu.memory_space<vmem>>, vector<16xi32>,
      %get3A_4 = vector.shape_cast %get3A_3 : vector<16xi32> to vector<16xi32>
      %slice3A = vector.extract_strided_slice %get3A_4 {offsets = [0], sizes = [1], strides = [1]} : vector<16xi32> to vector<1xi32>
      %squeeze3A = vector.extract %slice3A[0] : i32 from vector<1xi32>
      %add3A = arith.constant 4096 : i32
      %add3A_5 = arith.addi %mul3A_0, %add3A : i32
      %le3A = arith.cmpi sle, %add3A_5, %squeeze3A : i32
      %convert_element_type3A_6 = arith.extui %le3A : i1 to i32
      %cond3A_7 = arith.constant 0 : i32
      %cond3A_8 = arith.constant 1 : i32
      %cond3A_9 = arith.constant 2 : i32
      %cond3A_10 = arith.constant 0 : i32
      %cond3A_11 = arith.cmpi ne, %convert_element_type3A_6, %cond3A_10 : i32
      scf.if %cond3A_11 {
        %add3A_18 = arith.constant 0 : i32
        %add3A_19 = arith.addi %mul3A_0, %add3A_18 : i32
        %dma_start3A = arith.constant 0 : i32
        %dma_start3A_20 = arith.constant 0 : i32
        %dma_start3A_21 = tpu.memref_slice %arg7[%cond3A_7, %dma_start3A, %dma_start3A_20] : memref<3x512x1024xf32, #tpu.memory_space<vmem_shared>> -> memref<1x512x1024xf32, #tpu.memory_space<vmem_shared>>
        %dma_start3A_22 = tpu.memref_squeeze %dma_start3A_21 : memref<1x512x1024xf32, #tpu.memory_space<vmem_shared>> -> memref<512x1024xf32, #tpu.memory_space<vmem_shared>>
        %dma_start3A_23 = arith.constant 0 : i32
        %dma_start3A_24 = tpu.memref_slice %arg3[%add3A_19, %dma_start3A_23] : memref<8192x1024xf32, #tpu.memory_space<hbm>> -> memref<512x1024xf32, #tpu.memory_space<hbm>>
        tpu.enqueue_dma source(%dma_start3A_24 : memref<512x1024xf32, #tpu.memory_space<hbm>>) target(%dma_start3A_22 : memref<512x1024xf32, #tpu.memory_space<vmem_shared>>) target_semaphore(%arg8 : memref<!tpu.dma_semaphore, #tpu.memory_space<semaphore_mem>>)
        %add3A_25 = arith.constant 512 : i32
        %add3A_26 = arith.addi %mul3A_0, %add3A_25 : i32
        %dma_start3A_27 = arith.constant 0 : i32
        %dma_start3A_28 = arith.constant 0 : i32
        %dma_start3A_29 = tpu.memref_slice %arg7[%cond3A_8, %dma_start3A_27, %dma_start3A_28] : memref<3x512x1024xf32, #tpu.memory_space<vmem_shared>> -> memref<1x512x1024xf32, #tpu.memory_space<vmem_shared>>
        %dma_start3A_30 = tpu.memref_squeeze %dma_start3A_29 : memref<1x512x1024xf32, #tpu.memory_space<vmem_shared>> -> memref<512x1024xf32, #tpu.memory_space<vmem_shared>>
        %dma_start3A_31 = arith.constant 0 : i32
        %dma_start3A_32 = tpu.memref_slice %arg3[%add3A_26, %dma_start3A_31] : memref<8192x1024xf32, #tpu.memory_space<hbm>> -> memref<512x1024xf32, #tpu.memory_space<hbm>>
        tpu.enqueue_dma source(%dma_start3A_32 : memref<512x1024xf32, #tpu.memory_space<hbm>>) target(%dma_start3A_30 : memref<512x1024xf32, #tpu.memory_space<vmem_shared>>) target_semaphore(%arg9 : memref<!tpu.dma_semaphore, #tpu.memory_space<semaphore_mem>>)
        %dma_wait3A = arith.constant 0 : i32
        %dma_wait3A_33 = arith.constant 0 : i32
        %dma_wait3A_34 = tpu.memref_slice %arg7[%cond3A_7, %dma_wait3A, %dma_wait3A_33] : memref<3x512x1024xf32, #tpu.memory_space<vmem_shared>> -> memref<1x512x1024xf32, #tpu.memory_space<vmem_shared>>
        %dma_wait3A_35 = tpu.memref_squeeze %dma_wait3A_34 : memref<1x512x1024xf32, #tpu.memory_space<vmem_shared>> -> memref<512x1024xf32, #tpu.memory_space<vmem_shared>>
        %dma_wait3A_36 = arith.constant 0 : i32
        %dma_wait3A_37 = tpu.memref_slice %arg3[%add3A_19, %dma_wait3A_36] : memref<8192x1024xf32, #tpu.memory_space<hbm>> -> memref<512x1024xf32, #tpu.memory_space<hbm>>
        tpu.wait_dma2 semaphore(%arg8 : memref<!tpu.dma_semaphore, #tpu.memory_space<semaphore_mem>>) src(%dma_wait3A_37 : memref<512x1024xf32, #tpu.memory_space<hbm>>) dst(%dma_wait3A_35 : memref<512x1024xf32, #tpu.memory_space<vmem_shared>>)
        %add3A_38 = arith.constant 0 : i32
        %add3A_39 = arith.addi %mul3A_0, %add3A_38 : i32
        %dma_start3A_40 = arith.constant 0 : i32
        %dma_start3A_41 = tpu.memref_slice %arg5[%add3A_39, %dma_start3A_40] : memref<8192x1024xf32, #tpu.memory_space<hbm>> -> memref<512x1024xf32, #tpu.memory_space<hbm>>
        %dma_start3A_42 = arith.constant 0 : i32
        %dma_start3A_43 = arith.constant 0 : i32
        %dma_start3A_44 = tpu.memref_slice %arg7[%cond3A_7, %dma_start3A_42, %dma_start3A_43] : memref<3x512x1024xf32, #tpu.memory_space<vmem_shared>> -> memref<1x512x1024xf32, #tpu.memory_space<vmem_shared>>
        %dma_start3A_45 = tpu.memref_squeeze %dma_start3A_44 : memref<1x512x1024xf32, #tpu.memory_space<vmem_shared>> -> memref<512x1024xf32, #tpu.memory_space<vmem_shared>>
        tpu.enqueue_dma source(%dma_start3A_45 : memref<512x1024xf32, #tpu.memory_space<vmem_shared>>) target(%dma_start3A_41 : memref<512x1024xf32, #tpu.memory_space<hbm>>) target_semaphore(%arg11 : memref<!tpu.dma_semaphore, #tpu.memory_space<semaphore_mem>>)
        %add3A_46 = arith.constant 1024 : i32
        %add3A_47 = arith.addi %mul3A_0, %add3A_46 : i32
        %dma_start3A_48 = arith.constant 0 : i32
        %dma_start3A_49 = arith.constant 0 : i32
        %dma_start3A_50 = tpu.memref_slice %arg7[%cond3A_9, %dma_start3A_48, %dma_start3A_49] : memref<3x512x1024xf32, #tpu.memory_space<vmem_shared>> -> memref<1x512x1024xf32, #tpu.memory_space<vmem_shared>>
        %dma_start3A_51 = tpu.memref_squeeze %dma_start3A_50 : memref<1x512x1024xf32, #tpu.memory_space<vmem_shared>> -> memref<512x1024xf32, #tpu.memory_space<vmem_shared>>
        %dma_start3A_52 = arith.constant 0 : i32
        %dma_start3A_53 = tpu.memref_slice %arg3[%add3A_47, %dma_start3A_52] : memref<8192x1024xf32, #tpu.memory_space<hbm>> -> memref<512x1024xf32, #tpu.memory_space<hbm>>
        tpu.enqueue_dma source(%dma_start3A_53 : memref<512x1024xf32, #tpu.memory_space<hbm>>) target(%dma_start3A_51 : memref<512x1024xf32, #tpu.memory_space<vmem_shared>>) target_semaphore(%arg10 : memref<!tpu.dma_semaphore, #tpu.memory_space<semaphore_mem>>)
        %dma_wait3A_54 = arith.constant 0 : i32
        %dma_wait3A_55 = arith.constant 0 : i32
        %dma_wait3A_56 = tpu.memref_slice %arg7[%cond3A_8, %dma_wait3A_54, %dma_wait3A_55] : memref<3x512x1024xf32, #tpu.memory_space<vmem_shared>> -> memref<1x512x1024xf32, #tpu.memory_space<vmem_shared>>
        %dma_wait3A_57 = tpu.memref_squeeze %dma_wait3A_56 : memref<1x512x1024xf32, #tpu.memory_space<vmem_shared>> -> memref<512x1024xf32, #tpu.memory_space<vmem_shared>>
        %dma_wait3A_58 = arith.constant 0 : i32
        %dma_wait3A_59 = tpu.memref_slice %arg3[%add3A_26, %dma_wait3A_58] : memref<8192x1024xf32, #tpu.memory_space<hbm>> -> memref<512x1024xf32, #tpu.memory_space<hbm>>
        tpu.wait_dma2 semaphore(%arg9 : memref<!tpu.dma_semaphore, #tpu.memory_space<semaphore_mem>>) src(%dma_wait3A_59 : memref<512x1024xf32, #tpu.memory_space<hbm>>) dst(%dma_wait3A_57 : memref<512x1024xf32, #tpu.memory_space<vmem_shared>>)
        %add3A_60 = arith.constant 512 : i32
        %add3A_61 = arith.addi %mul3A_0, %add3A_60 : i32
        %dma_start3A_62 = arith.constant 0 : i32
        %dma_start3A_63 = tpu.memref_slice %arg5[%add3A_61, %dma_start3A_62] : memref<8192x1024xf32, #tpu.memory_space<hbm>> -> memref<512x1024xf32, #tpu.memory_space<hbm>>
        %dma_start3A_64 = arith.constant 0 : i32
        %dma_start3A_65 = arith.constant 0 : i32
        %dma_start3A_66 = tpu.memref_slice %arg7[%cond3A_8, %dma_start3A_64, %dma_start3A_65] : memref<3x512x1024xf32, #tpu.memory_space<vmem_shared>> -> memref<1x512x1024xf32, #tpu.memory_space<vmem_shared>>
        %dma_start3A_67 = tpu.memref_squeeze %dma_start3A_66 : memref<1x512x1024xf32, #tpu.memory_space<vmem_shared>> -> memref<512x1024xf32, #tpu.memory_space<vmem_shared>>
        tpu.enqueue_dma source(%dma_start3A_67 : memref<512x1024xf32, #tpu.memory_space<vmem_shared>>) target(%dma_start3A_63 : memref<512x1024xf32, #tpu.memory_space<hbm>>) target_semaphore(%arg12 : memref<!tpu.dma_semaphore, #tpu.memory_space<semaphore_mem>>)
        %dma_wait3A_68 = arith.constant 0 : i32
        %dma_wait3A_69 = tpu.memref_slice %arg5[%add3A_39, %dma_wait3A_68] : memref<8192x1024xf32, #tpu.memory_space<hbm>> -> memref<512x1024xf32, #tpu.memory_space<hbm>>
        %dma_wait3A_70 = arith.constant 0 : i32
        %dma_wait3A_71 = arith.constant 0 : i32
        %dma_wait3A_72 = tpu.memref_slice %arg7[%cond3A_7, %dma_wait3A_70, %dma_wait3A_71] : memref<3x512x1024xf32, #tpu.memory_space<vmem_shared>> -> memref<1x512x1024xf32, #tpu.memory_space<vmem_shared>>
        %dma_wait3A_73 = tpu.memref_squeeze %dma_wait3A_72 : memref<1x512x1024xf32, #tpu.memory_space<vmem_shared>> -> memref<512x1024xf32, #tpu.memory_space<vmem_shared>>
        tpu.wait_dma2 semaphore(%arg11 : memref<!tpu.dma_semaphore, #tpu.memory_space<semaphore_mem>>) src(%dma_wait3A_73 : memref<512x1024xf32, #tpu.memory_space<vmem_shared>>) dst(%dma_wait3A_69 : memref<512x1024xf32, #tpu.memory_space<hbm>>)
        %add3A_74 = arith.constant 1536 : i32
        %add3A_75 = arith.addi %mul3A_0, %add3A_74 : i32
        %dma_start3A_76 = arith.constant 0 : i32
        %dma_start3A_77 = arith.constant 0 : i32
        %dma_start3A_78 = tpu.memref_slice %arg7[%cond3A_7, %dma_start3A_76, %dma_start3A_77] : memref<3x512x1024xf32, #tpu.memory_space<vmem_shared>> -> memref<1x512x1024xf32, #tpu.memory_space<vmem_shared>>
        %dma_start3A_79 = tpu.memref_squeeze %dma_start3A_78 : memref<1x512x1024xf32, #tpu.memory_space<vmem_shared>> -> memref<512x1024xf32, #tpu.memory_space<vmem_shared>>
        %dma_start3A_80 = arith.constant 0 : i32
        %dma_start3A_81 = tpu.memref_slice %arg3[%add3A_75, %dma_start3A_80] : memref<8192x1024xf32, #tpu.memory_space<hbm>> -> memref<512x1024xf32, #tpu.memory_space<hbm>>
        tpu.enqueue_dma source(%dma_start3A_81 : memref<512x1024xf32, #tpu.memory_space<hbm>>) target(%dma_start3A_79 : memref<512x1024xf32, #tpu.memory_space<vmem_shared>>) target_semaphore(%arg8 : memref<!tpu.dma_semaphore, #tpu.memory_space<semaphore_mem>>)
        %dma_wait3A_82 = arith.constant 0 : i32
        %dma_wait3A_83 = arith.constant 0 : i32
        %dma_wait3A_84 = tpu.memref_slice %arg7[%cond3A_9, %dma_wait3A_82, %dma_wait3A_83] : memref<3x512x1024xf32, #tpu.memory_space<vmem_shared>> -> memref<1x512x1024xf32, #tpu.memory_space<vmem_shared>>
        %dma_wait3A_85 = tpu.memref_squeeze %dma_wait3A_84 : memref<1x512x1024xf32, #tpu.memory_space<vmem_shared>> -> memref<512x1024xf32, #tpu.memory_space<vmem_shared>>
        %dma_wait3A_86 = arith.constant 0 : i32
        %dma_wait3A_87 = tpu.memref_slice %arg3[%add3A_47, %dma_wait3A_86] : memref<8192x1024xf32, #tpu.memory_space<hbm>> -> memref<512x1024xf32, #tpu.memory_space<hbm>>
        tpu.wait_dma2 semaphore(%arg10 : memref<!tpu.dma_semaphore, #tpu.memory_space<semaphore_mem>>) src(%dma_wait3A_87 : memref<512x1024xf32, #tpu.memory_space<hbm>>) dst(%dma_wait3A_85 : memref<512x1024xf32, #tpu.memory_space<vmem_shared>>)
        %add3A_88 = arith.constant 1024 : i32
        %add3A_89 = arith.addi %mul3A_0, %add3A_88 : i32
        %dma_start3A_90 = arith.constant 0 : i32
        %dma_start3A_91 = tpu.memref_slice %arg5[%add3A_89, %dma_start3A_90] : memref<8192x1024xf32, #tpu.memory_space<hbm>> -> memref<512x1024xf32, #tpu.memory_space<hbm>>
        %dma_start3A_92 = arith.constant 0 : i32
        %dma_start3A_93 = arith.constant 0 : i32
        %dma_start3A_94 = tpu.memref_slice %arg7[%cond3A_9, %dma_start3A_92, %dma_start3A_93] : memref<3x512x1024xf32, #tpu.memory_space<vmem_shared>> -> memref<1x512x1024xf32, #tpu.memory_space<vmem_shared>>
        %dma_start3A_95 = tpu.memref_squeeze %dma_start3A_94 : memref<1x512x1024xf32, #tpu.memory_space<vmem_shared>> -> memref<512x1024xf32, #tpu.memory_space<vmem_shared>>
        tpu.enqueue_dma source(%dma_start3A_95 : memref<512x1024xf32, #tpu.memory_space<vmem_shared>>) target(%dma_start3A_91 : memref<512x1024xf32, #tpu.memory_space<hbm>>) target_semaphore(%arg13 : memref<!tpu.dma_semaphore, #tpu.memory_space<semaphore_mem>>)
        %dma_wait3A_96 = arith.constant 0 : i32
        %dma_wait3A_97 = tpu.memref_slice %arg5[%add3A_61, %dma_wait3A_96] : memref<8192x1024xf32, #tpu.memory_space<hbm>> -> memref<512x1024xf32, #tpu.memory_space<hbm>>
        %dma_wait3A_98 = arith.constant 0 : i32
        %dma_wait3A_99 = arith.constant 0 : i32
        %dma_wait3A_100 = tpu.memref_slice %arg7[%cond3A_8, %dma_wait3A_98, %dma_wait3A_99] : memref<3x512x1024xf32, #tpu.memory_space<vmem_shared>> -> memref<1x512x1024xf32, #tpu.memory_space<vmem_shared>>
        %dma_wait3A_101 = tpu.memref_squeeze %dma_wait3A_100 : memref<1x512x1024xf32, #tpu.memory_space<vmem_shared>> -> memref<512x1024xf32, #tpu.memory_space<vmem_shared>>
        tpu.wait_dma2 semaphore(%arg12 : memref<!tpu.dma_semaphore, #tpu.memory_space<semaphore_mem>>) src(%dma_wait3A_101 : memref<512x1024xf32, #tpu.memory_space<vmem_shared>>) dst(%dma_wait3A_97 : memref<512x1024xf32, #tpu.memory_space<hbm>>)
        %add3A_102 = arith.constant 2048 : i32
        %add3A_103 = arith.addi %mul3A_0, %add3A_102 : i32
        %dma_start3A_104 = arith.constant 0 : i32
        %dma_start3A_105 = arith.constant 0 : i32
        %dma_start3A_106 = tpu.memref_slice %arg7[%cond3A_8, %dma_start3A_104, %dma_start3A_105] : memref<3x512x1024xf32, #tpu.memory_space<vmem_shared>> -> memref<1x512x1024xf32, #tpu.memory_space<vmem_shared>>
        %dma_start3A_107 = tpu.memref_squeeze %dma_start3A_106 : memref<1x512x1024xf32, #tpu.memory_space<vmem_shared>> -> memref<512x1024xf32, #tpu.memory_space<vmem_shared>>
        %dma_start3A_108 = arith.constant 0 : i32
        %dma_start3A_109 = tpu.memref_slice %arg3[%add3A_103, %dma_start3A_108] : memref<8192x1024xf32, #tpu.memory_space<hbm>> -> memref<512x1024xf32, #tpu.memory_space<hbm>>
        tpu.enqueue_dma source(%dma_start3A_109 : memref<512x1024xf32, #tpu.memory_space<hbm>>) target(%dma_start3A_107 : memref<512x1024xf32, #tpu.memory_space<vmem_shared>>) target_semaphore(%arg9 : memref<!tpu.dma_semaphore, #tpu.memory_space<semaphore_mem>>)
        %dma_wait3A_110 = arith.constant 0 : i32
        %dma_wait3A_111 = arith.constant 0 : i32
        %dma_wait3A_112 = tpu.memref_slice %arg7[%cond3A_7, %dma_wait3A_110, %dma_wait3A_111] : memref<3x512x1024xf32, #tpu.memory_space<vmem_shared>> -> memref<1x512x1024xf32, #tpu.memory_space<vmem_shared>>
        %dma_wait3A_113 = tpu.memref_squeeze %dma_wait3A_112 : memref<1x512x1024xf32, #tpu.memory_space<vmem_shared>> -> memref<512x1024xf32, #tpu.memory_space<vmem_shared>>
        %dma_wait3A_114 = arith.constant 0 : i32
        %dma_wait3A_115 = tpu.memref_slice %arg3[%add3A_75, %dma_wait3A_114] : memref<8192x1024xf32, #tpu.memory_space<hbm>> -> memref<512x1024xf32, #tpu.memory_space<hbm>>
        tpu.wait_dma2 semaphore(%arg8 : memref<!tpu.dma_semaphore, #tpu.memory_space<semaphore_mem>>) src(%dma_wait3A_115 : memref<512x1024xf32, #tpu.memory_space<hbm>>) dst(%dma_wait3A_113 : memref<512x1024xf32, #tpu.memory_space<vmem_shared>>)
        %add3A_116 = arith.constant 1536 : i32
        %add3A_117 = arith.addi %mul3A_0, %add3A_116 : i32
        %dma_start3A_118 = arith.constant 0 : i32
        %dma_start3A_119 = tpu.memref_slice %arg5[%add3A_117, %dma_start3A_118] : memref<8192x1024xf32, #tpu.memory_space<hbm>> -> memref<512x1024xf32, #tpu.memory_space<hbm>>
        %dma_start3A_120 = arith.constant 0 : i32
        %dma_start3A_121 = arith.constant 0 : i32
        %dma_start3A_122 = tpu.memref_slice %arg7[%cond3A_7, %dma_start3A_120, %dma_start3A_121] : memref<3x512x1024xf32, #tpu.memory_space<vmem_shared>> -> memref<1x512x1024xf32, #tpu.memory_space<vmem_shared>>
        %dma_start3A_123 = tpu.memref_squeeze %dma_start3A_122 : memref<1x512x1024xf32, #tpu.memory_space<vmem_shared>> -> memref<512x1024xf32, #tpu.memory_space<vmem_shared>>
        tpu.enqueue_dma source(%dma_start3A_123 : memref<512x1024xf32, #tpu.memory_space<vmem_shared>>) target(%dma_start3A_119 : memref<512x1024xf32, #tpu.memory_space<hbm>>) target_semaphore(%arg11 : memref<!tpu.dma_semaphore, #tpu.memory_space<semaphore_mem>>)
        %dma_wait3A_124 = arith.constant 0 : i32
        %dma_wait3A_125 = tpu.memref_slice %arg5[%add3A_89, %dma_wait3A_124] : memref<8192x1024xf32, #tpu.memory_space<hbm>> -> memref<512x1024xf32, #tpu.memory_space<hbm>>
        %dma_wait3A_126 = arith.constant 0 : i32
        %dma_wait3A_127 = arith.constant 0 : i32
        %dma_wait3A_128 = tpu.memref_slice %arg7[%cond3A_9, %dma_wait3A_126, %dma_wait3A_127] : memref<3x512x1024xf32, #tpu.memory_space<vmem_shared>> -> memref<1x512x1024xf32, #tpu.memory_space<vmem_shared>>
        %dma_wait3A_129 = tpu.memref_squeeze %dma_wait3A_128 : memref<1x512x1024xf32, #tpu.memory_space<vmem_shared>> -> memref<512x1024xf32, #tpu.memory_space<vmem_shared>>
        tpu.wait_dma2 semaphore(%arg13 : memref<!tpu.dma_semaphore, #tpu.memory_space<semaphore_mem>>) src(%dma_wait3A_129 : memref<512x1024xf32, #tpu.memory_space<vmem_shared>>) dst(%dma_wait3A_125 : memref<512x1024xf32, #tpu.memory_space<hbm>>)
        %add3A_130 = arith.constant 2560 : i32
        %add3A_131 = arith.addi %mul3A_0, %add3A_130 : i32
        %dma_start3A_132 = arith.constant 0 : i32
        %dma_start3A_133 = arith.constant 0 : i32
        %dma_start3A_134 = tpu.memref_slice %arg7[%cond3A_9, %dma_start3A_132, %dma_start3A_133] : memref<3x512x1024xf32, #tpu.memory_space<vmem_shared>> -> memref<1x512x1024xf32, #tpu.memory_space<vmem_shared>>
        %dma_start3A_135 = tpu.memref_squeeze %dma_start3A_134 : memref<1x512x1024xf32, #tpu.memory_space<vmem_shared>> -> memref<512x1024xf32, #tpu.memory_space<vmem_shared>>
        %dma_start3A_136 = arith.constant 0 : i32
        %dma_start3A_137 = tpu.memref_slice %arg3[%add3A_131, %dma_start3A_136] : memref<8192x1024xf32, #tpu.memory_space<hbm>> -> memref<512x1024xf32, #tpu.memory_space<hbm>>
        tpu.enqueue_dma source(%dma_start3A_137 : memref<512x1024xf32, #tpu.memory_space<hbm>>) target(%dma_start3A_135 : memref<512x1024xf32, #tpu.memory_space<vmem_shared>>) target_semaphore(%arg10 : memref<!tpu.dma_semaphore, #tpu.memory_space<semaphore_mem>>)
        %dma_wait3A_138 = arith.constant 0 : i32
        %dma_wait3A_139 = arith.constant 0 : i32
        %dma_wait3A_140 = tpu.memref_slice %arg7[%cond3A_8, %dma_wait3A_138, %dma_wait3A_139] : memref<3x512x1024xf32, #tpu.memory_space<vmem_shared>> -> memref<1x512x1024xf32, #tpu.memory_space<vmem_shared>>
        %dma_wait3A_141 = tpu.memref_squeeze %dma_wait3A_140 : memref<1x512x1024xf32, #tpu.memory_space<vmem_shared>> -> memref<512x1024xf32, #tpu.memory_space<vmem_shared>>
        %dma_wait3A_142 = arith.constant 0 : i32
        %dma_wait3A_143 = tpu.memref_slice %arg3[%add3A_103, %dma_wait3A_142] : memref<8192x1024xf32, #tpu.memory_space<hbm>> -> memref<512x1024xf32, #tpu.memory_space<hbm>>
        tpu.wait_dma2 semaphore(%arg9 : memref<!tpu.dma_semaphore, #tpu.memory_space<semaphore_mem>>) src(%dma_wait3A_143 : memref<512x1024xf32, #tpu.memory_space<hbm>>) dst(%dma_wait3A_141 : memref<512x1024xf32, #tpu.memory_space<vmem_shared>>)
        %add3A_144 = arith.constant 2048 : i32
        %add3A_145 = arith.addi %mul3A_0, %add3A_144 : i32
        %dma_start3A_146 = arith.constant 0 : i32
        %dma_start3A_147 = tpu.memref_slice %arg5[%add3A_145, %dma_start3A_146] : memref<8192x1024xf32, #tpu.memory_space<hbm>> -> memref<512x1024xf32, #tpu.memory_space<hbm>>
        %dma_start3A_148 = arith.constant 0 : i32
        %dma_start3A_149 = arith.constant 0 : i32
        %dma_start3A_150 = tpu.memref_slice %arg7[%cond3A_8, %dma_start3A_148, %dma_start3A_149] : memref<3x512x1024xf32, #tpu.memory_space<vmem_shared>> -> memref<1x512x1024xf32, #tpu.memory_space<vmem_shared>>
        %dma_start3A_151 = tpu.memref_squeeze %dma_start3A_150 : memref<1x512x1024xf32, #tpu.memory_space<vmem_shared>> -> memref<512x1024xf32, #tpu.memory_space<vmem_shared>>
        tpu.enqueue_dma source(%dma_start3A_151 : memref<512x1024xf32, #tpu.memory_space<vmem_shared>>) target(%dma_start3A_147 : memref<512x1024xf32, #tpu.memory_space<hbm>>) target_semaphore(%arg12 : memref<!tpu.dma_semaphore, #tpu.memory_space<semaphore_mem>>)
        %dma_wait3A_152 = arith.constant 0 : i32
        %dma_wait3A_153 = tpu.memref_slice %arg5[%add3A_117, %dma_wait3A_152] : memref<8192x1024xf32, #tpu.memory_space<hbm>> -> memref<512x1024xf32, #tpu.memory_space<hbm>>
        %dma_wait3A_154 = arith.constant 0 : i32
        %dma_wait3A_155 = arith.constant 0 : i32
        %dma_wait3A_156 = tpu.memref_slice %arg7[%cond3A_7, %dma_wait3A_154, %dma_wait3A_155] : memref<3x512x1024xf32, #tpu.memory_space<vmem_shared>> -> memref<1x512x1024xf32, #tpu.memory_space<vmem_shared>>
        %dma_wait3A_157 = tpu.memref_squeeze %dma_wait3A_156 : memref<1x512x1024xf32, #tpu.memory_space<vmem_shared>> -> memref<512x1024xf32, #tpu.memory_space<vmem_shared>>
        tpu.wait_dma2 semaphore(%arg11 : memref<!tpu.dma_semaphore, #tpu.memory_space<semaphore_mem>>) src(%dma_wait3A_157 : memref<512x1024xf32, #tpu.memory_space<vmem_shared>>) dst(%dma_wait3A_153 : memref<512x1024xf32, #tpu.memory_space<hbm>>)
        %add3A_158 = arith.constant 3072 : i32
        %add3A_159 = arith.addi %mul3A_0, %add3A_158 : i32
        %dma_start3A_160 = arith.constant 0 : i32
        %dma_start3A_161 = arith.constant 0 : i32
        %dma_start3A_162 = tpu.memref_slice %arg7[%cond3A_7, %dma_start3A_160, %dma_start3A_161] : memref<3x512x1024xf32, #tpu.memory_space<vmem_shared>> -> memref<1x512x1024xf32, #tpu.memory_space<vmem_shared>>
        %dma_start3A_163 = tpu.memref_squeeze %dma_start3A_162 : memref<1x512x1024xf32, #tpu.memory_space<vmem_shared>> -> memref<512x1024xf32, #tpu.memory_space<vmem_shared>>
        %dma_start3A_164 = arith.constant 0 : i32
        %dma_start3A_165 = tpu.memref_slice %arg3[%add3A_159, %dma_start3A_164] : memref<8192x1024xf32, #tpu.memory_space<hbm>> -> memref<512x1024xf32, #tpu.memory_space<hbm>>
        tpu.enqueue_dma source(%dma_start3A_165 : memref<512x1024xf32, #tpu.memory_space<hbm>>) target(%dma_start3A_163 : memref<512x1024xf32, #tpu.memory_space<vmem_shared>>) target_semaphore(%arg8 : memref<!tpu.dma_semaphore, #tpu.memory_space<semaphore_mem>>)
        %dma_wait3A_166 = arith.constant 0 : i32
        %dma_wait3A_167 = arith.constant 0 : i32
        %dma_wait3A_168 = tpu.memref_slice %arg7[%cond3A_9, %dma_wait3A_166, %dma_wait3A_167] : memref<3x512x1024xf32, #tpu.memory_space<vmem_shared>> -> memref<1x512x1024xf32, #tpu.memory_space<vmem_shared>>
        %dma_wait3A_169 = tpu.memref_squeeze %dma_wait3A_168 : memref<1x512x1024xf32, #tpu.memory_space<vmem_shared>> -> memref<512x1024xf32, #tpu.memory_space<vmem_shared>>
        %dma_wait3A_170 = arith.constant 0 : i32
        %dma_wait3A_171 = tpu.memref_slice %arg3[%add3A_131, %dma_wait3A_170] : memref<8192x1024xf32, #tpu.memory_space<hbm>> -> memref<512x1024xf32, #tpu.memory_space<hbm>>
        tpu.wait_dma2 semaphore(%arg10 : memref<!tpu.dma_semaphore, #tpu.memory_space<semaphore_mem>>) src(%dma_wait3A_171 : memref<512x1024xf32, #tpu.memory_space<hbm>>) dst(%dma_wait3A_169 : memref<512x1024xf32, #tpu.memory_space<vmem_shared>>)
        %add3A_172 = arith.constant 2560 : i32
        %add3A_173 = arith.addi %mul3A_0, %add3A_172 : i32
        %dma_start3A_174 = arith.constant 0 : i32
        %dma_start3A_175 = tpu.memref_slice %arg5[%add3A_173, %dma_start3A_174] : memref<8192x1024xf32, #tpu.memory_space<hbm>> -> memref<512x1024xf32, #tpu.memory_space<hbm>>
        %dma_start3A_176 = arith.constant 0 : i32
        %dma_start3A_177 = arith.constant 0 : i32
        %dma_start3A_178 = tpu.memref_slice %arg7[%cond3A_9, %dma_start3A_176, %dma_start3A_177] : memref<3x512x1024xf32, #tpu.memory_space<vmem_shared>> -> memref<1x512x1024xf32, #tpu.memory_space<vmem_shared>>
        %dma_start3A_179 = tpu.memref_squeeze %dma_start3A_178 : memref<1x512x1024xf32, #tpu.memory_space<vmem_shared>> -> memref<512x1024xf32, #tpu.memory_space<vmem_shared>>
        tpu.enqueue_dma source(%dma_start3A_179 : memref<512x1024xf32, #tpu.memory_space<vmem_shared>>) target(%dma_start3A_175 : memref<512x1024xf32, #tpu.memory_space<hbm>>) target_semaphore(%arg13 : memref<!tpu.dma_semaphore, #tpu.memory_space<semaphore_mem>>)
        %dma_wait3A_180 = arith.constant 0 : i32
        %dma_wait3A_181 = tpu.memref_slice %arg5[%add3A_145, %dma_wait3A_180] : memref<8192x1024xf32, #tpu.memory_space<hbm>> -> memref<512x1024xf32, #tpu.memory_space<hbm>>
        %dma_wait3A_182 = arith.constant 0 : i32
        %dma_wait3A_183 = arith.constant 0 : i32
        %dma_wait3A_184 = tpu.memref_slice %arg7[%cond3A_8, %dma_wait3A_182, %dma_wait3A_183] : memref<3x512x1024xf32, #tpu.memory_space<vmem_shared>> -> memref<1x512x1024xf32, #tpu.memory_space<vmem_shared>>
        %dma_wait3A_185 = tpu.memref_squeeze %dma_wait3A_184 : memref<1x512x1024xf32, #tpu.memory_space<vmem_shared>> -> memref<512x1024xf32, #tpu.memory_space<vmem_shared>>
        tpu.wait_dma2 semaphore(%arg12 : memref<!tpu.dma_semaphore, #tpu.memory_space<semaphore_mem>>) src(%dma_wait3A_185 : memref<512x1024xf32, #tpu.memory_space<vmem_shared>>) dst(%dma_wait3A_181 : memref<512x1024xf32, #tpu.memory_space<hbm>>)
        %add3A_186 = arith.constant 3584 : i32
        %add3A_187 = arith.addi %mul3A_0, %add3A_186 : i32
        %dma_start3A_188 = arith.constant 0 : i32
        %dma_start3A_189 = arith.constant 0 : i32
        %dma_start3A_190 = tpu.memref_slice %arg7[%cond3A_8, %dma_start3A_188, %dma_start3A_189] : memref<3x512x1024xf32, #tpu.memory_space<vmem_shared>> -> memref<1x512x1024xf32, #tpu.memory_space<vmem_shared>>
        %dma_start3A_191 = tpu.memref_squeeze %dma_start3A_190 : memref<1x512x1024xf32, #tpu.memory_space<vmem_shared>> -> memref<512x1024xf32, #tpu.memory_space<vmem_shared>>
        %dma_start3A_192 = arith.constant 0 : i32
        %dma_start3A_193 = tpu.memref_slice %arg3[%add3A_187, %dma_start3A_192] : memref<8192x1024xf32, #tpu.memory_space<hbm>> -> memref<512x1024xf32, #tpu.memory_space<hbm>>
        tpu.enqueue_dma source(%dma_start3A_193 : memref<512x1024xf32, #tpu.memory_space<hbm>>) target(%dma_start3A_191 : memref<512x1024xf32, #tpu.memory_space<vmem_shared>>) target_semaphore(%arg9 : memref<!tpu.dma_semaphore, #tpu.memory_space<semaphore_mem>>)
        %dma_wait3A_194 = arith.constant 0 : i32
        %dma_wait3A_195 = arith.constant 0 : i32
        %dma_wait3A_196 = tpu.memref_slice %arg7[%cond3A_7, %dma_wait3A_194, %dma_wait3A_195] : memref<3x512x1024xf32, #tpu.memory_space<vmem_shared>> -> memref<1x512x1024xf32, #tpu.memory_space<vmem_shared>>
        %dma_wait3A_197 = tpu.memref_squeeze %dma_wait3A_196 : memref<1x512x1024xf32, #tpu.memory_space<vmem_shared>> -> memref<512x1024xf32, #tpu.memory_space<vmem_shared>>
        %dma_wait3A_198 = arith.constant 0 : i32
        %dma_wait3A_199 = tpu.memref_slice %arg3[%add3A_159, %dma_wait3A_198] : memref<8192x1024xf32, #tpu.memory_space<hbm>> -> memref<512x1024xf32, #tpu.memory_space<hbm>>
        tpu.wait_dma2 semaphore(%arg8 : memref<!tpu.dma_semaphore, #tpu.memory_space<semaphore_mem>>) src(%dma_wait3A_199 : memref<512x1024xf32, #tpu.memory_space<hbm>>) dst(%dma_wait3A_197 : memref<512x1024xf32, #tpu.memory_space<vmem_shared>>)
        %add3A_200 = arith.constant 3072 : i32
        %add3A_201 = arith.addi %mul3A_0, %add3A_200 : i32
        %dma_start3A_202 = arith.constant 0 : i32
        %dma_start3A_203 = tpu.memref_slice %arg5[%add3A_201, %dma_start3A_202] : memref<8192x1024xf32, #tpu.memory_space<hbm>> -> memref<512x1024xf32, #tpu.memory_space<hbm>>
        %dma_start3A_204 = arith.constant 0 : i32
        %dma_start3A_205 = arith.constant 0 : i32
        %dma_start3A_206 = tpu.memref_slice %arg7[%cond3A_7, %dma_start3A_204, %dma_start3A_205] : memref<3x512x1024xf32, #tpu.memory_space<vmem_shared>> -> memref<1x512x1024xf32, #tpu.memory_space<vmem_shared>>
        %dma_start3A_207 = tpu.memref_squeeze %dma_start3A_206 : memref<1x512x1024xf32, #tpu.memory_space<vmem_shared>> -> memref<512x1024xf32, #tpu.memory_space<vmem_shared>>
        tpu.enqueue_dma source(%dma_start3A_207 : memref<512x1024xf32, #tpu.memory_space<vmem_shared>>) target(%dma_start3A_203 : memref<512x1024xf32, #tpu.memory_space<hbm>>) target_semaphore(%arg11 : memref<!tpu.dma_semaphore, #tpu.memory_space<semaphore_mem>>)
        %dma_wait3A_208 = arith.constant 0 : i32
        %dma_wait3A_209 = arith.constant 0 : i32
        %dma_wait3A_210 = tpu.memref_slice %arg7[%cond3A_8, %dma_wait3A_208, %dma_wait3A_209] : memref<3x512x1024xf32, #tpu.memory_space<vmem_shared>> -> memref<1x512x1024xf32, #tpu.memory_space<vmem_shared>>
        %dma_wait3A_211 = tpu.memref_squeeze %dma_wait3A_210 : memref<1x512x1024xf32, #tpu.memory_space<vmem_shared>> -> memref<512x1024xf32, #tpu.memory_space<vmem_shared>>
        %dma_wait3A_212 = arith.constant 0 : i32
        %dma_wait3A_213 = tpu.memref_slice %arg3[%add3A_187, %dma_wait3A_212] : memref<8192x1024xf32, #tpu.memory_space<hbm>> -> memref<512x1024xf32, #tpu.memory_space<hbm>>
        tpu.wait_dma2 semaphore(%arg9 : memref<!tpu.dma_semaphore, #tpu.memory_space<semaphore_mem>>) src(%dma_wait3A_213 : memref<512x1024xf32, #tpu.memory_space<hbm>>) dst(%dma_wait3A_211 : memref<512x1024xf32, #tpu.memory_space<vmem_shared>>)
        %add3A_214 = arith.constant 3584 : i32
        %add3A_215 = arith.addi %mul3A_0, %add3A_214 : i32
        %dma_start3A_216 = arith.constant 0 : i32
        %dma_start3A_217 = tpu.memref_slice %arg5[%add3A_215, %dma_start3A_216] : memref<8192x1024xf32, #tpu.memory_space<hbm>> -> memref<512x1024xf32, #tpu.memory_space<hbm>>
        %dma_start3A_218 = arith.constant 0 : i32
        %dma_start3A_219 = arith.constant 0 : i32
        %dma_start3A_220 = tpu.memref_slice %arg7[%cond3A_8, %dma_start3A_218, %dma_start3A_219] : memref<3x512x1024xf32, #tpu.memory_space<vmem_shared>> -> memref<1x512x1024xf32, #tpu.memory_space<vmem_shared>>
        %dma_start3A_221 = tpu.memref_squeeze %dma_start3A_220 : memref<1x512x1024xf32, #tpu.memory_space<vmem_shared>> -> memref<512x1024xf32, #tpu.memory_space<vmem_shared>>
        tpu.enqueue_dma source(%dma_start3A_221 : memref<512x1024xf32, #tpu.memory_space<vmem_shared>>) target(%dma_start3A_217 : memref<512x1024xf32, #tpu.memory_space<hbm>>) target_semaphore(%arg12 : memref<!tpu.dma_semaphore, #tpu.memory_space<semaphore_mem>>)
        %dma_wait3A_222 = arith.constant 0 : i32
        %dma_wait3A_223 = tpu.memref_slice %arg5[%add3A_173, %dma_wait3A_222] : memref<8192x1024xf32, #tpu.memory_space<hbm>> -> memref<512x1024xf32, #tpu.memory_space<hbm>>
        %dma_wait3A_224 = arith.constant 0 : i32
        %dma_wait3A_225 = arith.constant 0 : i32
        %dma_wait3A_226 = tpu.memref_slice %arg7[%cond3A_9, %dma_wait3A_224, %dma_wait3A_225] : memref<3x512x1024xf32, #tpu.memory_space<vmem_shared>> -> memref<1x512x1024xf32, #tpu.memory_space<vmem_shared>>
        %dma_wait3A_227 = tpu.memref_squeeze %dma_wait3A_226 : memref<1x512x1024xf32, #tpu.memory_space<vmem_shared>> -> memref<512x1024xf32, #tpu.memory_space<vmem_shared>>
        tpu.wait_dma2 semaphore(%arg13 : memref<!tpu.dma_semaphore, #tpu.memory_space<semaphore_mem>>) src(%dma_wait3A_227 : memref<512x1024xf32, #tpu.memory_space<vmem_shared>>) dst(%dma_wait3A_223 : memref<512x1024xf32, #tpu.memory_space<hbm>>)
        %dma_wait3A_228 = arith.constant 0 : i32
        %dma_wait3A_229 = tpu.memref_slice %arg5[%add3A_201, %dma_wait3A_228] : memref<8192x1024xf32, #tpu.memory_space<hbm>> -> memref<512x1024xf32, #tpu.memory_space<hbm>>
        %dma_wait3A_230 = arith.constant 0 : i32
        %dma_wait3A_231 = arith.constant 0 : i32
        %dma_wait3A_232 = tpu.memref_slice %arg7[%cond3A_7, %dma_wait3A_230, %dma_wait3A_231] : memref<3x512x1024xf32, #tpu.memory_space<vmem_shared>> -> memref<1x512x1024xf32, #tpu.memory_space<vmem_shared>>
        %dma_wait3A_233 = tpu.memref_squeeze %dma_wait3A_232 : memref<1x512x1024xf32, #tpu.memory_space<vmem_shared>> -> memref<512x1024xf32, #tpu.memory_space<vmem_shared>>
        tpu.wait_dma2 semaphore(%arg11 : memref<!tpu.dma_semaphore, #tpu.memory_space<semaphore_mem>>) src(%dma_wait3A_233 : memref<512x1024xf32, #tpu.memory_space<vmem_shared>>) dst(%dma_wait3A_229 : memref<512x1024xf32, #tpu.memory_space<hbm>>)
        %dma_wait3A_234 = arith.constant 0 : i32
        %dma_wait3A_235 = tpu.memref_slice %arg5[%add3A_215, %dma_wait3A_234] : memref<8192x1024xf32, #tpu.memory_space<hbm>> -> memref<512x1024xf32, #tpu.memory_space<hbm>>
        %dma_wait3A_236 = arith.constant 0 : i32
        %dma_wait3A_237 = arith.constant 0 : i32
        %dma_wait3A_238 = tpu.memref_slice %arg7[%cond3A_8, %dma_wait3A_236, %dma_wait3A_237] : memref<3x512x1024xf32, #tpu.memory_space<vmem_shared>> -> memref<1x512x1024xf32, #tpu.memory_space<vmem_shared>>
        %dma_wait3A_239 = tpu.memref_squeeze %dma_wait3A_238 : memref<1x512x1024xf32, #tpu.memory_space<vmem_shared>> -> memref<512x1024xf32, #tpu.memory_space<vmem_shared>>
        tpu.wait_dma2 semaphore(%arg12 : memref<!tpu.dma_semaphore, #tpu.memory_space<semaphore_mem>>) src(%dma_wait3A_239 : memref<512x1024xf32, #tpu.memory_space<vmem_shared>>) dst(%dma_wait3A_235 : memref<512x1024xf32, #tpu.memory_space<hbm>>)
      } else {
      }
      %add3A_12 = arith.constant 4096 : i32
      %add3A_13 = arith.addi %mul3A_0, %add3A_12 : i32
      %gt3A = arith.cmpi sgt, %add3A_13, %squeeze3A : i32
      %convert_element_type3A_14 = arith.extui %gt3A : i1 to i32
      %cond3A_15 = arith.constant 0 : i32
      %cond3A_16 = arith.constant 0 : i32
      %cond3A_17 = arith.cmpi ne, %convert_element_type3A_14, %cond3A_16 : i32
      scf.if %cond3A_17 {
        %add3A_18 = arith.constant 0 : i32
        %add3A_19 = arith.addi %mul3A_0, %add3A_18 : i32
        %add3A_20 = arith.constant 512 : i32
        %add3A_21 = arith.addi %add3A_19, %add3A_20 : i32
        %le3A_22 = arith.cmpi sle, %add3A_21, %squeeze3A : i32
        %convert_element_type3A_23 = arith.extui %le3A_22 : i1 to i32
        %cond3A_24 = arith.constant 0 : i32
        %cond3A_25 = arith.cmpi ne, %convert_element_type3A_23, %cond3A_24 : i32
        scf.if %cond3A_25 {
          "tpu.region"() ({
            %run_scoped3A = tpu.sem_alloc : memref<!tpu.dma_semaphore, #tpu.memory_space<semaphore_mem>>
            %dma_start3A = arith.constant 0 : i32
            %dma_start3A_175 = arith.constant 0 : i32
            %dma_start3A_176 = tpu.memref_slice %arg7[%cond3A_15, %dma_start3A, %dma_start3A_175] : memref<3x512x1024xf32, #tpu.memory_space<vmem_shared>> -> memref<1x512x1024xf32, #tpu.memory_space<vmem_shared>>
            %dma_start3A_177 = tpu.memref_squeeze %dma_start3A_176 : memref<1x512x1024xf32, #tpu.memory_space<vmem_shared>> -> memref<512x1024xf32, #tpu.memory_space<vmem_shared>>
            %dma_start3A_178 = arith.constant 0 : i32
            %dma_start3A_179 = tpu.memref_slice %arg3[%add3A_19, %dma_start3A_178] : memref<8192x1024xf32, #tpu.memory_space<hbm>> -> memref<512x1024xf32, #tpu.memory_space<hbm>>
            tpu.enqueue_dma source(%dma_start3A_179 : memref<512x1024xf32, #tpu.memory_space<hbm>>) target(%dma_start3A_177 : memref<512x1024xf32, #tpu.memory_space<vmem_shared>>) target_semaphore(%run_scoped3A : memref<!tpu.dma_semaphore, #tpu.memory_space<semaphore_mem>>)
            %dma_wait3A = arith.constant 0 : i32
            %dma_wait3A_180 = arith.constant 0 : i32
            %dma_wait3A_181 = tpu.memref_slice %arg7[%cond3A_15, %dma_wait3A, %dma_wait3A_180] : memref<3x512x1024xf32, #tpu.memory_space<vmem_shared>> -> memref<1x512x1024xf32, #tpu.memory_space<vmem_shared>>
            %dma_wait3A_182 = tpu.memref_squeeze %dma_wait3A_181 : memref<1x512x1024xf32, #tpu.memory_space<vmem_shared>> -> memref<512x1024xf32, #tpu.memory_space<vmem_shared>>
            %dma_wait3A_183 = arith.constant 0 : i32
            %dma_wait3A_184 = tpu.memref_slice %arg3[%add3A_19, %dma_wait3A_183] : memref<8192x1024xf32, #tpu.memory_space<hbm>> -> memref<512x1024xf32, #tpu.memory_space<hbm>>
            tpu.wait_dma2 semaphore(%run_scoped3A : memref<!tpu.dma_semaphore, #tpu.memory_space<semaphore_mem>>) src(%dma_wait3A_184 : memref<512x1024xf32, #tpu.memory_space<hbm>>) dst(%dma_wait3A_182 : memref<512x1024xf32, #tpu.memory_space<vmem_shared>>)
            tpu.yield
          }) : () -> ()
          "tpu.region"() ({
            %run_scoped3A = tpu.sem_alloc : memref<!tpu.dma_semaphore, #tpu.memory_space<semaphore_mem>>
            %dma_start3A = arith.constant 0 : i32
            %dma_start3A_175 = tpu.memref_slice %arg5[%add3A_19, %dma_start3A] : memref<8192x1024xf32, #tpu.memory_space<hbm>> -> memref<512x1024xf32, #tpu.memory_space<hbm>>
            %dma_start3A_176 = arith.constant 0 : i32
            %dma_start3A_177 = arith.constant 0 : i32
            %dma_start3A_178 = tpu.memref_slice %arg7[%cond3A_15, %dma_start3A_176, %dma_start3A_177] : memref<3x512x1024xf32, #tpu.memory_space<vmem_shared>> -> memref<1x512x1024xf32, #tpu.memory_space<vmem_shared>>
            %dma_start3A_179 = tpu.memref_squeeze %dma_start3A_178 : memref<1x512x1024xf32, #tpu.memory_space<vmem_shared>> -> memref<512x1024xf32, #tpu.memory_space<vmem_shared>>
            tpu.enqueue_dma source(%dma_start3A_179 : memref<512x1024xf32, #tpu.memory_space<vmem_shared>>) target(%dma_start3A_175 : memref<512x1024xf32, #tpu.memory_space<hbm>>) target_semaphore(%run_scoped3A : memref<!tpu.dma_semaphore, #tpu.memory_space<semaphore_mem>>)
            %dma_wait3A = arith.constant 0 : i32
            %dma_wait3A_180 = tpu.memref_slice %arg5[%add3A_19, %dma_wait3A] : memref<8192x1024xf32, #tpu.memory_space<hbm>> -> memref<512x1024xf32, #tpu.memory_space<hbm>>
            %dma_wait3A_181 = arith.constant 0 : i32
            %dma_wait3A_182 = arith.constant 0 : i32
            %dma_wait3A_183 = tpu.memref_slice %arg7[%cond3A_15, %dma_wait3A_181, %dma_wait3A_182] : memref<3x512x1024xf32, #tpu.memory_space<vmem_shared>> -> memref<1x512x1024xf32, #tpu.memory_space<vmem_shared>>
            %dma_wait3A_184 = tpu.memref_squeeze %dma_wait3A_183 : memref<1x512x1024xf32, #tpu.memory_space<vmem_shared>> -> memref<512x1024xf32, #tpu.memory_space<vmem_shared>>
            tpu.wait_dma2 semaphore(%run_scoped3A : memref<!tpu.dma_semaphore, #tpu.memory_space<semaphore_mem>>) src(%dma_wait3A_184 : memref<512x1024xf32, #tpu.memory_space<vmem_shared>>) dst(%dma_wait3A_180 : memref<512x1024xf32, #tpu.memory_space<hbm>>)
            tpu.yield
          }) : () -> ()
        } else {
        }
        %ge3A = arith.cmpi sge, %add3A_19, %squeeze3A : i32
        %convert_element_type3A_26 = arith.extui %ge3A : i1 to i32
        %cond3A_27 = arith.constant 0 : i32
        %cond3A_28 = arith.cmpi ne, %convert_element_type3A_26, %cond3A_27 : i32
        scf.if %cond3A_28 {
          "tpu.region"() ({
            %run_scoped3A = tpu.sem_alloc : memref<!tpu.dma_semaphore, #tpu.memory_space<semaphore_mem>>
            %dma_start3A = arith.constant 0 : i32
            %dma_start3A_175 = arith.constant 0 : i32
            %dma_start3A_176 = tpu.memref_slice %arg7[%cond3A_15, %dma_start3A, %dma_start3A_175] : memref<3x512x1024xf32, #tpu.memory_space<vmem_shared>> -> memref<1x512x1024xf32, #tpu.memory_space<vmem_shared>>
            %dma_start3A_177 = tpu.memref_squeeze %dma_start3A_176 : memref<1x512x1024xf32, #tpu.memory_space<vmem_shared>> -> memref<512x1024xf32, #tpu.memory_space<vmem_shared>>
            tpu.enqueue_dma source(%arg4 : memref<512x1024xf32, #tpu.memory_space<hbm>>) target(%dma_start3A_177 : memref<512x1024xf32, #tpu.memory_space<vmem_shared>>) target_semaphore(%run_scoped3A : memref<!tpu.dma_semaphore, #tpu.memory_space<semaphore_mem>>)
            %dma_wait3A = arith.constant 0 : i32
            %dma_wait3A_178 = arith.constant 0 : i32
            %dma_wait3A_179 = tpu.memref_slice %arg7[%cond3A_15, %dma_wait3A, %dma_wait3A_178] : memref<3x512x1024xf32, #tpu.memory_space<vmem_shared>> -> memref<1x512x1024xf32, #tpu.memory_space<vmem_shared>>
            %dma_wait3A_180 = tpu.memref_squeeze %dma_wait3A_179 : memref<1x512x1024xf32, #tpu.memory_space<vmem_shared>> -> memref<512x1024xf32, #tpu.memory_space<vmem_shared>>
            tpu.wait_dma2 semaphore(%run_scoped3A : memref<!tpu.dma_semaphore, #tpu.memory_space<semaphore_mem>>) src(%arg4 : memref<512x1024xf32, #tpu.memory_space<hbm>>) dst(%dma_wait3A_180 : memref<512x1024xf32, #tpu.memory_space<vmem_shared>>)
            tpu.yield
          }) : () -> ()
          "tpu.region"() ({
            %run_scoped3A = tpu.sem_alloc : memref<!tpu.dma_semaphore, #tpu.memory_space<semaphore_mem>>
            %dma_start3A = arith.constant 0 : i32
            %dma_start3A_175 = tpu.memref_slice %arg5[%add3A_19, %dma_start3A] : memref<8192x1024xf32, #tpu.memory_space<hbm>> -> memref<512x1024xf32, #tpu.memory_space<hbm>>
            %dma_start3A_176 = arith.constant 0 : i32
            %dma_start3A_177 = arith.constant 0 : i32
            %dma_start3A_178 = tpu.memref_slice %arg7[%cond3A_15, %dma_start3A_176, %dma_start3A_177] : memref<3x512x1024xf32, #tpu.memory_space<vmem_shared>> -> memref<1x512x1024xf32, #tpu.memory_space<vmem_shared>>
            %dma_start3A_179 = tpu.memref_squeeze %dma_start3A_178 : memref<1x512x1024xf32, #tpu.memory_space<vmem_shared>> -> memref<512x1024xf32, #tpu.memory_space<vmem_shared>>
            tpu.enqueue_dma source(%dma_start3A_179 : memref<512x1024xf32, #tpu.memory_space<vmem_shared>>) target(%dma_start3A_175 : memref<512x1024xf32, #tpu.memory_space<hbm>>) target_semaphore(%run_scoped3A : memref<!tpu.dma_semaphore, #tpu.memory_space<semaphore_mem>>)
            %dma_wait3A = arith.constant 0 : i32
            %dma_wait3A_180 = tpu.memref_slice %arg5[%add3A_19, %dma_wait3A] : memref<8192x1024xf32, #tpu.memory_space<hbm>> -> memref<512x1024xf32, #tpu.memory_space<hbm>>
            %dma_wait3A_181 = arith.constant 0 : i32
            %dma_wait3A_182 = arith.constant 0 : i32
            %dma_wait3A_183 = tpu.memref_slice %arg7[%cond3A_15, %dma_wait3A_181, %dma_wait3A_182] : memref<3x512x1024xf32, #tpu.memory_space<vmem_shared>> -> memref<1x512x1024xf32, #tpu.memory_space<vmem_shared>>
            %dma_wait3A_184 = tpu.memref_squeeze %dma_wait3A_183 : memref<1x512x1024xf32, #tpu.memory_space<vmem_shared>> -> memref<512x1024xf32, #tpu.memory_space<vmem_shared>>
            tpu.wait_dma2 semaphore(%run_scoped3A : memref<!tpu.dma_semaphore, #tpu.memory_space<semaphore_mem>>) src(%dma_wait3A_184 : memref<512x1024xf32, #tpu.memory_space<vmem_shared>>) dst(%dma_wait3A_180 : memref<512x1024xf32, #tpu.memory_space<hbm>>)
            tpu.yield
          }) : () -> ()
        } else {
        }
        %lt3A = arith.cmpi slt, %add3A_19, %squeeze3A : i32
        %add3A_29 = arith.constant 512 : i32
        %add3A_30 = arith.addi %add3A_19, %add3A_29 : i32
        %gt3A_31 = arith.cmpi sgt, %add3A_30, %squeeze3A : i32
        %and3A = arith.andi %lt3A, %gt3A_31 : i1
        %convert_element_type3A_32 = arith.extui %and3A : i1 to i32
        %cond3A_33 = arith.constant 0 : i32
        %cond3A_34 = arith.cmpi ne, %convert_element_type3A_32, %cond3A_33 : i32
        scf.if %cond3A_34 {
          "tpu.region"() ({
            %run_scoped3A = tpu.sem_alloc : memref<!tpu.dma_semaphore, #tpu.memory_space<semaphore_mem>>
            %dma_start3A = arith.constant 0 : i32
            %dma_start3A_180 = arith.constant 0 : i32
            %dma_start3A_181 = tpu.memref_slice %arg7[%cond3A_15, %dma_start3A, %dma_start3A_180] : memref<3x512x1024xf32, #tpu.memory_space<vmem_shared>> -> memref<1x512x1024xf32, #tpu.memory_space<vmem_shared>>
            %dma_start3A_182 = tpu.memref_squeeze %dma_start3A_181 : memref<1x512x1024xf32, #tpu.memory_space<vmem_shared>> -> memref<512x1024xf32, #tpu.memory_space<vmem_shared>>
            %dma_start3A_183 = arith.constant 0 : i32
            %dma_start3A_184 = tpu.memref_slice %arg3[%add3A_19, %dma_start3A_183] : memref<8192x1024xf32, #tpu.memory_space<hbm>> -> memref<512x1024xf32, #tpu.memory_space<hbm>>
            tpu.enqueue_dma source(%dma_start3A_184 : memref<512x1024xf32, #tpu.memory_space<hbm>>) target(%dma_start3A_182 : memref<512x1024xf32, #tpu.memory_space<vmem_shared>>) target_semaphore(%run_scoped3A : memref<!tpu.dma_semaphore, #tpu.memory_space<semaphore_mem>>)
            %dma_wait3A = arith.constant 0 : i32
            %dma_wait3A_185 = arith.constant 0 : i32
            %dma_wait3A_186 = tpu.memref_slice %arg7[%cond3A_15, %dma_wait3A, %dma_wait3A_185] : memref<3x512x1024xf32, #tpu.memory_space<vmem_shared>> -> memref<1x512x1024xf32, #tpu.memory_space<vmem_shared>>
            %dma_wait3A_187 = tpu.memref_squeeze %dma_wait3A_186 : memref<1x512x1024xf32, #tpu.memory_space<vmem_shared>> -> memref<512x1024xf32, #tpu.memory_space<vmem_shared>>
            %dma_wait3A_188 = arith.constant 0 : i32
            %dma_wait3A_189 = tpu.memref_slice %arg3[%add3A_19, %dma_wait3A_188] : memref<8192x1024xf32, #tpu.memory_space<hbm>> -> memref<512x1024xf32, #tpu.memory_space<hbm>>
            tpu.wait_dma2 semaphore(%run_scoped3A : memref<!tpu.dma_semaphore, #tpu.memory_space<semaphore_mem>>) src(%dma_wait3A_189 : memref<512x1024xf32, #tpu.memory_space<hbm>>) dst(%dma_wait3A_187 : memref<512x1024xf32, #tpu.memory_space<vmem_shared>>)
            tpu.yield
          }) : () -> ()
          %scan3A = arith.constant 0 : i32
          %scan3A_175 = arith.constant 0 : i32
          %scan3A_176 = arith.constant 512 : i32
          %scan3A_177 = arith.addi %scan3A_175, %scan3A_176 : i32
          %scan3A_178 = arith.constant 1 : i32
          scf.for %scan3A_180 = %scan3A_175 to %scan3A_177 step %scan3A_178  : i32 {
            %add3A_181 = arith.addi %add3A_19, %scan3A_180 : i32
            %ge3A_182 = arith.cmpi sge, %add3A_181, %squeeze3A : i32
            %convert_element_type3A_183 = arith.extui %ge3A_182 : i1 to i32
            %cond3A_184 = arith.constant 0 : i32
            %cond3A_185 = arith.cmpi ne, %convert_element_type3A_183, %cond3A_184 : i32
            scf.if %cond3A_185 {
              %run_scoped3A = arith.constant 0 : i32
              "tpu.region"() ({
                %run_scoped3A_186 = tpu.sem_alloc : memref<!tpu.dma_semaphore, #tpu.memory_space<semaphore_mem>>
                %dma_start3A = arith.constant 0 : i32
                %dma_start3A_187 = arith.constant 0 : i32
                %dma_start3A_188 = tpu.memref_slice %arg7[%cond3A_15, %dma_start3A, %dma_start3A_187] : memref<3x512x1024xf32, #tpu.memory_space<vmem_shared>> -> memref<1x512x1024xf32, #tpu.memory_space<vmem_shared>>
                %dma_start3A_189 = tpu.memref_squeeze %dma_start3A_188 : memref<1x512x1024xf32, #tpu.memory_space<vmem_shared>> -> memref<512x1024xf32, #tpu.memory_space<vmem_shared>>
                %dma_start3A_190 = arith.constant 0 : i32
                %dma_start3A_191 = tpu.memref_slice %dma_start3A_189[%scan3A_180, %dma_start3A_190] : memref<512x1024xf32, #tpu.memory_space<vmem_shared>> -> memref<1x1024xf32, #tpu.memory_space<vmem_shared>>
                %dma_start3A_192 = tpu.memref_squeeze %dma_start3A_191 : memref<1x1024xf32, #tpu.memory_space<vmem_shared>> -> memref<1024xf32, #tpu.memory_space<vmem_shared>>
                %dma_start3A_193 = arith.constant 0 : i32
                %dma_start3A_194 = tpu.memref_slice %arg4[%run_scoped3A, %dma_start3A_193] : memref<512x1024xf32, #tpu.memory_space<hbm>> -> memref<1x1024xf32, #tpu.memory_space<hbm>>
                %dma_start3A_195 = tpu.memref_squeeze %dma_start3A_194 : memref<1x1024xf32, #tpu.memory_space<hbm>> -> memref<1024xf32, #tpu.memory_space<hbm>>
                tpu.enqueue_dma source(%dma_start3A_195 : memref<1024xf32, #tpu.memory_space<hbm>>) target(%dma_start3A_192 : memref<1024xf32, #tpu.memory_space<vmem_shared>>) target_semaphore(%run_scoped3A_186 : memref<!tpu.dma_semaphore, #tpu.memory_space<semaphore_mem>>)
                %dma_wait3A = arith.constant 0 : i32
                %dma_wait3A_196 = arith.constant 0 : i32
                %dma_wait3A_197 = tpu.memref_slice %arg7[%cond3A_15, %dma_wait3A, %dma_wait3A_196] : memref<3x512x1024xf32, #tpu.memory_space<vmem_shared>> -> memref<1x512x1024xf32, #tpu.memory_space<vmem_shared>>
                %dma_wait3A_198 = tpu.memref_squeeze %dma_wait3A_197 : memref<1x512x1024xf32, #tpu.memory_space<vmem_shared>> -> memref<512x1024xf32, #tpu.memory_space<vmem_shared>>
                %dma_wait3A_199 = arith.constant 0 : i32
                %dma_wait3A_200 = tpu.memref_slice %dma_wait3A_198[%scan3A_180, %dma_wait3A_199] : memref<512x1024xf32, #tpu.memory_space<vmem_shared>> -> memref<1x1024xf32, #tpu.memory_space<vmem_shared>>
                %dma_wait3A_201 = tpu.memref_squeeze %dma_wait3A_200 : memref<1x1024xf32, #tpu.memory_space<vmem_shared>> -> memref<1024xf32, #tpu.memory_space<vmem_shared>>
                %dma_wait3A_202 = arith.constant 0 : i32
                %dma_wait3A_203 = tpu.memref_slice %arg4[%run_scoped3A, %dma_wait3A_202] : memref<512x1024xf32, #tpu.memory_space<hbm>> -> memref<1x1024xf32, #tpu.memory_space<hbm>>
                %dma_wait3A_204 = tpu.memref_squeeze %dma_wait3A_203 : memref<1x1024xf32, #tpu.memory_space<hbm>> -> memref<1024xf32, #tpu.memory_space<hbm>>
                tpu.wait_dma2 semaphore(%run_scoped3A_186 : memref<!tpu.dma_semaphore, #tpu.memory_space<semaphore_mem>>) src(%dma_wait3A_204 : memref<1024xf32, #tpu.memory_space<hbm>>) dst(%dma_wait3A_201 : memref<1024xf32, #tpu.memory_space<vmem_shared>>)
                tpu.yield
              }) : () -> ()
            } else {
            }
          }
          %scan3A_179 = arith.constant 512 : i32
          "tpu.region"() ({
            %run_scoped3A = tpu.sem_alloc : memref<!tpu.dma_semaphore, #tpu.memory_space<semaphore_mem>>
            %dma_start3A = arith.constant 0 : i32
            %dma_start3A_180 = tpu.memref_slice %arg5[%add3A_19, %dma_start3A] : memref<8192x1024xf32, #tpu.memory_space<hbm>> -> memref<512x1024xf32, #tpu.memory_space<hbm>>
            %dma_start3A_181 = arith.constant 0 : i32
            %dma_start3A_182 = arith.constant 0 : i32
            %dma_start3A_183 = tpu.memref_slice %arg7[%cond3A_15, %dma_start3A_181, %dma_start3A_182] : memref<3x512x1024xf32, #tpu.memory_space<vmem_shared>> -> memref<1x512x1024xf32, #tpu.memory_space<vmem_shared>>
            %dma_start3A_184 = tpu.memref_squeeze %dma_start3A_183 : memref<1x512x1024xf32, #tpu.memory_space<vmem_shared>> -> memref<512x1024xf32, #tpu.memory_space<vmem_shared>>
            tpu.enqueue_dma source(%dma_start3A_184 : memref<512x1024xf32, #tpu.memory_space<vmem_shared>>) target(%dma_start3A_180 : memref<512x1024xf32, #tpu.memory_space<hbm>>) target_semaphore(%run_scoped3A : memref<!tpu.dma_semaphore, #tpu.memory_space<semaphore_mem>>)
            %dma_wait3A = arith.constant 0 : i32
            %dma_wait3A_185 = tpu.memref_slice %arg5[%add3A_19, %dma_wait3A] : memref<8192x1024xf32, #tpu.memory_space<hbm>> -> memref<512x1024xf32, #tpu.memory_space<hbm>>
            %dma_wait3A_186 = arith.constant 0 : i32
            %dma_wait3A_187 = arith.constant 0 : i32
            %dma_wait3A_188 = tpu.memref_slice %arg7[%cond3A_15, %dma_wait3A_186, %dma_wait3A_187] : memref<3x512x1024xf32, #tpu.memory_space<vmem_shared>> -> memref<1x512x1024xf32, #tpu.memory_space<vmem_shared>>
            %dma_wait3A_189 = tpu.memref_squeeze %dma_wait3A_188 : memref<1x512x1024xf32, #tpu.memory_space<vmem_shared>> -> memref<512x1024xf32, #tpu.memory_space<vmem_shared>>
            tpu.wait_dma2 semaphore(%run_scoped3A : memref<!tpu.dma_semaphore, #tpu.memory_space<semaphore_mem>>) src(%dma_wait3A_189 : memref<512x1024xf32, #tpu.memory_space<vmem_shared>>) dst(%dma_wait3A_185 : memref<512x1024xf32, #tpu.memory_space<hbm>>)
            tpu.yield
          }) : () -> ()
        } else {
        }
        %add3A_35 = arith.constant 512 : i32
        %add3A_36 = arith.addi %mul3A_0, %add3A_35 : i32
        %add3A_37 = arith.constant 512 : i32
        %add3A_38 = arith.addi %add3A_36, %add3A_37 : i32
        %le3A_39 = arith.cmpi sle, %add3A_38, %squeeze3A : i32
        %convert_element_type3A_40 = arith.extui %le3A_39 : i1 to i32
        %cond3A_41 = arith.constant 0 : i32
        %cond3A_42 = arith.cmpi ne, %convert_element_type3A_40, %cond3A_41 : i32
        scf.if %cond3A_42 {
          "tpu.region"() ({
            %run_scoped3A = tpu.sem_alloc : memref<!tpu.dma_semaphore, #tpu.memory_space<semaphore_mem>>
            %dma_start3A = arith.constant 0 : i32
            %dma_start3A_175 = arith.constant 0 : i32
            %dma_start3A_176 = tpu.memref_slice %arg7[%cond3A_15, %dma_start3A, %dma_start3A_175] : memref<3x512x1024xf32, #tpu.memory_space<vmem_shared>> -> memref<1x512x1024xf32, #tpu.memory_space<vmem_shared>>
            %dma_start3A_177 = tpu.memref_squeeze %dma_start3A_176 : memref<1x512x1024xf32, #tpu.memory_space<vmem_shared>> -> memref<512x1024xf32, #tpu.memory_space<vmem_shared>>
            %dma_start3A_178 = arith.constant 0 : i32
            %dma_start3A_179 = tpu.memref_slice %arg3[%add3A_36, %dma_start3A_178] : memref<8192x1024xf32, #tpu.memory_space<hbm>> -> memref<512x1024xf32, #tpu.memory_space<hbm>>
            tpu.enqueue_dma source(%dma_start3A_179 : memref<512x1024xf32, #tpu.memory_space<hbm>>) target(%dma_start3A_177 : memref<512x1024xf32, #tpu.memory_space<vmem_shared>>) target_semaphore(%run_scoped3A : memref<!tpu.dma_semaphore, #tpu.memory_space<semaphore_mem>>)
            %dma_wait3A = arith.constant 0 : i32
            %dma_wait3A_180 = arith.constant 0 : i32
            %dma_wait3A_181 = tpu.memref_slice %arg7[%cond3A_15, %dma_wait3A, %dma_wait3A_180] : memref<3x512x1024xf32, #tpu.memory_space<vmem_shared>> -> memref<1x512x1024xf32, #tpu.memory_space<vmem_shared>>
            %dma_wait3A_182 = tpu.memref_squeeze %dma_wait3A_181 : memref<1x512x1024xf32, #tpu.memory_space<vmem_shared>> -> memref<512x1024xf32, #tpu.memory_space<vmem_shared>>
            %dma_wait3A_183 = arith.constant 0 : i32
            %dma_wait3A_184 = tpu.memref_slice %arg3[%add3A_36, %dma_wait3A_183] : memref<8192x1024xf32, #tpu.memory_space<hbm>> -> memref<512x1024xf32, #tpu.memory_space<hbm>>
            tpu.wait_dma2 semaphore(%run_scoped3A : memref<!tpu.dma_semaphore, #tpu.memory_space<semaphore_mem>>) src(%dma_wait3A_184 : memref<512x1024xf32, #tpu.memory_space<hbm>>) dst(%dma_wait3A_182 : memref<512x1024xf32, #tpu.memory_space<vmem_shared>>)
            tpu.yield
          }) : () -> ()
          "tpu.region"() ({
            %run_scoped3A = tpu.sem_alloc : memref<!tpu.dma_semaphore, #tpu.memory_space<semaphore_mem>>
            %dma_start3A = arith.constant 0 : i32
            %dma_start3A_175 = tpu.memref_slice %arg5[%add3A_36, %dma_start3A] : memref<8192x1024xf32, #tpu.memory_space<hbm>> -> memref<512x1024xf32, #tpu.memory_space<hbm>>
            %dma_start3A_176 = arith.constant 0 : i32
            %dma_start3A_177 = arith.constant 0 : i32
            %dma_start3A_178 = tpu.memref_slice %arg7[%cond3A_15, %dma_start3A_176, %dma_start3A_177] : memref<3x512x1024xf32, #tpu.memory_space<vmem_shared>> -> memref<1x512x1024xf32, #tpu.memory_space<vmem_shared>>
            %dma_start3A_179 = tpu.memref_squeeze %dma_start3A_178 : memref<1x512x1024xf32, #tpu.memory_space<vmem_shared>> -> memref<512x1024xf32, #tpu.memory_space<vmem_shared>>
            tpu.enqueue_dma source(%dma_start3A_179 : memref<512x1024xf32, #tpu.memory_space<vmem_shared>>) target(%dma_start3A_175 : memref<512x1024xf32, #tpu.memory_space<hbm>>) target_semaphore(%run_scoped3A : memref<!tpu.dma_semaphore, #tpu.memory_space<semaphore_mem>>)
            %dma_wait3A = arith.constant 0 : i32
            %dma_wait3A_180 = tpu.memref_slice %arg5[%add3A_36, %dma_wait3A] : memref<8192x1024xf32, #tpu.memory_space<hbm>> -> memref<512x1024xf32, #tpu.memory_space<hbm>>
            %dma_wait3A_181 = arith.constant 0 : i32
            %dma_wait3A_182 = arith.constant 0 : i32
            %dma_wait3A_183 = tpu.memref_slice %arg7[%cond3A_15, %dma_wait3A_181, %dma_wait3A_182] : memref<3x512x1024xf32, #tpu.memory_space<vmem_shared>> -> memref<1x512x1024xf32, #tpu.memory_space<vmem_shared>>
            %dma_wait3A_184 = tpu.memref_squeeze %dma_wait3A_183 : memref<1x512x1024xf32, #tpu.memory_space<vmem_shared>> -> memref<512x1024xf32, #tpu.memory_space<vmem_shared>>
            tpu.wait_dma2 semaphore(%run_scoped3A : memref<!tpu.dma_semaphore, #tpu.memory_space<semaphore_mem>>) src(%dma_wait3A_184 : memref<512x1024xf32, #tpu.memory_space<vmem_shared>>) dst(%dma_wait3A_180 : memref<512x1024xf32, #tpu.memory_space<hbm>>)
            tpu.yield
          }) : () -> ()
        } else {
        }
        %ge3A_43 = arith.cmpi sge, %add3A_36, %squeeze3A : i32
        %convert_element_type3A_44 = arith.extui %ge3A_43 : i1 to i32
        %cond3A_45 = arith.constant 0 : i32
        %cond3A_46 = arith.cmpi ne, %convert_element_type3A_44, %cond3A_45 : i32
        scf.if %cond3A_46 {
          "tpu.region"() ({
            %run_scoped3A = tpu.sem_alloc : memref<!tpu.dma_semaphore, #tpu.memory_space<semaphore_mem>>
            %dma_start3A = arith.constant 0 : i32
            %dma_start3A_175 = arith.constant 0 : i32
            %dma_start3A_176 = tpu.memref_slice %arg7[%cond3A_15, %dma_start3A, %dma_start3A_175] : memref<3x512x1024xf32, #tpu.memory_space<vmem_shared>> -> memref<1x512x1024xf32, #tpu.memory_space<vmem_shared>>
            %dma_start3A_177 = tpu.memref_squeeze %dma_start3A_176 : memref<1x512x1024xf32, #tpu.memory_space<vmem_shared>> -> memref<512x1024xf32, #tpu.memory_space<vmem_shared>>
            tpu.enqueue_dma source(%arg4 : memref<512x1024xf32, #tpu.memory_space<hbm>>) target(%dma_start3A_177 : memref<512x1024xf32, #tpu.memory_space<vmem_shared>>) target_semaphore(%run_scoped3A : memref<!tpu.dma_semaphore, #tpu.memory_space<semaphore_mem>>)
            %dma_wait3A = arith.constant 0 : i32
            %dma_wait3A_178 = arith.constant 0 : i32
            %dma_wait3A_179 = tpu.memref_slice %arg7[%cond3A_15, %dma_wait3A, %dma_wait3A_178] : memref<3x512x1024xf32, #tpu.memory_space<vmem_shared>> -> memref<1x512x1024xf32, #tpu.memory_space<vmem_shared>>
            %dma_wait3A_180 = tpu.memref_squeeze %dma_wait3A_179 : memref<1x512x1024xf32, #tpu.memory_space<vmem_shared>> -> memref<512x1024xf32, #tpu.memory_space<vmem_shared>>
            tpu.wait_dma2 semaphore(%run_scoped3A : memref<!tpu.dma_semaphore, #tpu.memory_space<semaphore_mem>>) src(%arg4 : memref<512x1024xf32, #tpu.memory_space<hbm>>) dst(%dma_wait3A_180 : memref<512x1024xf32, #tpu.memory_space<vmem_shared>>)
            tpu.yield
          }) : () -> ()
          "tpu.region"() ({
            %run_scoped3A = tpu.sem_alloc : memref<!tpu.dma_semaphore, #tpu.memory_space<semaphore_mem>>
            %dma_start3A = arith.constant 0 : i32
            %dma_start3A_175 = tpu.memref_slice %arg5[%add3A_36, %dma_start3A] : memref<8192x1024xf32, #tpu.memory_space<hbm>> -> memref<512x1024xf32, #tpu.memory_space<hbm>>
            %dma_start3A_176 = arith.constant 0 : i32
            %dma_start3A_177 = arith.constant 0 : i32
            %dma_start3A_178 = tpu.memref_slice %arg7[%cond3A_15, %dma_start3A_176, %dma_start3A_177] : memref<3x512x1024xf32, #tpu.memory_space<vmem_shared>> -> memref<1x512x1024xf32, #tpu.memory_space<vmem_shared>>
            %dma_start3A_179 = tpu.memref_squeeze %dma_start3A_178 : memref<1x512x1024xf32, #tpu.memory_space<vmem_shared>> -> memref<512x1024xf32, #tpu.memory_space<vmem_shared>>
            tpu.enqueue_dma source(%dma_start3A_179 : memref<512x1024xf32, #tpu.memory_space<vmem_shared>>) target(%dma_start3A_175 : memref<512x1024xf32, #tpu.memory_space<hbm>>) target_semaphore(%run_scoped3A : memref<!tpu.dma_semaphore, #tpu.memory_space<semaphore_mem>>)
            %dma_wait3A = arith.constant 0 : i32
            %dma_wait3A_180 = tpu.memref_slice %arg5[%add3A_36, %dma_wait3A] : memref<8192x1024xf32, #tpu.memory_space<hbm>> -> memref<512x1024xf32, #tpu.memory_space<hbm>>
            %dma_wait3A_181 = arith.constant 0 : i32
            %dma_wait3A_182 = arith.constant 0 : i32
            %dma_wait3A_183 = tpu.memref_slice %arg7[%cond3A_15, %dma_wait3A_181, %dma_wait3A_182] : memref<3x512x1024xf32, #tpu.memory_space<vmem_shared>> -> memref<1x512x1024xf32, #tpu.memory_space<vmem_shared>>
            %dma_wait3A_184 = tpu.memref_squeeze %dma_wait3A_183 : memref<1x512x1024xf32, #tpu.memory_space<vmem_shared>> -> memref<512x1024xf32, #tpu.memory_space<vmem_shared>>
            tpu.wait_dma2 semaphore(%run_scoped3A : memref<!tpu.dma_semaphore, #tpu.memory_space<semaphore_mem>>) src(%dma_wait3A_184 : memref<512x1024xf32, #tpu.memory_space<vmem_shared>>) dst(%dma_wait3A_180 : memref<512x1024xf32, #tpu.memory_space<hbm>>)
            tpu.yield
          }) : () -> ()
        } else {
        }
        %lt3A_47 = arith.cmpi slt, %add3A_36, %squeeze3A : i32
        %add3A_48 = arith.constant 512 : i32
        %add3A_49 = arith.addi %add3A_36, %add3A_48 : i32
        %gt3A_50 = arith.cmpi sgt, %add3A_49, %squeeze3A : i32
        %and3A_51 = arith.andi %lt3A_47, %gt3A_50 : i1
        %convert_element_type3A_52 = arith.extui %and3A_51 : i1 to i32
        %cond3A_53 = arith.constant 0 : i32
        %cond3A_54 = arith.cmpi ne, %convert_element_type3A_52, %cond3A_53 : i32
        scf.if %cond3A_54 {
          "tpu.region"() ({
            %run_scoped3A = tpu.sem_alloc : memref<!tpu.dma_semaphore, #tpu.memory_space<semaphore_mem>>
            %dma_start3A = arith.constant 0 : i32
            %dma_start3A_180 = arith.constant 0 : i32
            %dma_start3A_181 = tpu.memref_slice %arg7[%cond3A_15, %dma_start3A, %dma_start3A_180] : memref<3x512x1024xf32, #tpu.memory_space<vmem_shared>> -> memref<1x512x1024xf32, #tpu.memory_space<vmem_shared>>
            %dma_start3A_182 = tpu.memref_squeeze %dma_start3A_181 : memref<1x512x1024xf32, #tpu.memory_space<vmem_shared>> -> memref<512x1024xf32, #tpu.memory_space<vmem_shared>>
            %dma_start3A_183 = arith.constant 0 : i32
            %dma_start3A_184 = tpu.memref_slice %arg3[%add3A_36, %dma_start3A_183] : memref<8192x1024xf32, #tpu.memory_space<hbm>> -> memref<512x1024xf32, #tpu.memory_space<hbm>>
            tpu.enqueue_dma source(%dma_start3A_184 : memref<512x1024xf32, #tpu.memory_space<hbm>>) target(%dma_start3A_182 : memref<512x1024xf32, #tpu.memory_space<vmem_shared>>) target_semaphore(%run_scoped3A : memref<!tpu.dma_semaphore, #tpu.memory_space<semaphore_mem>>)
            %dma_wait3A = arith.constant 0 : i32
            %dma_wait3A_185 = arith.constant 0 : i32
            %dma_wait3A_186 = tpu.memref_slice %arg7[%cond3A_15, %dma_wait3A, %dma_wait3A_185] : memref<3x512x1024xf32, #tpu.memory_space<vmem_shared>> -> memref<1x512x1024xf32, #tpu.memory_space<vmem_shared>>
            %dma_wait3A_187 = tpu.memref_squeeze %dma_wait3A_186 : memref<1x512x1024xf32, #tpu.memory_space<vmem_shared>> -> memref<512x1024xf32, #tpu.memory_space<vmem_shared>>
            %dma_wait3A_188 = arith.constant 0 : i32
            %dma_wait3A_189 = tpu.memref_slice %arg3[%add3A_36, %dma_wait3A_188] : memref<8192x1024xf32, #tpu.memory_space<hbm>> -> memref<512x1024xf32, #tpu.memory_space<hbm>>
            tpu.wait_dma2 semaphore(%run_scoped3A : memref<!tpu.dma_semaphore, #tpu.memory_space<semaphore_mem>>) src(%dma_wait3A_189 : memref<512x1024xf32, #tpu.memory_space<hbm>>) dst(%dma_wait3A_187 : memref<512x1024xf32, #tpu.memory_space<vmem_shared>>)
            tpu.yield
          }) : () -> ()
          %scan3A = arith.constant 0 : i32
          %scan3A_175 = arith.constant 0 : i32
          %scan3A_176 = arith.constant 512 : i32
          %scan3A_177 = arith.addi %scan3A_175, %scan3A_176 : i32
          %scan3A_178 = arith.constant 1 : i32
          scf.for %scan3A_180 = %scan3A_175 to %scan3A_177 step %scan3A_178  : i32 {
            %add3A_181 = arith.addi %add3A_36, %scan3A_180 : i32
            %ge3A_182 = arith.cmpi sge, %add3A_181, %squeeze3A : i32
            %convert_element_type3A_183 = arith.extui %ge3A_182 : i1 to i32
            %cond3A_184 = arith.constant 0 : i32
            %cond3A_185 = arith.cmpi ne, %convert_element_type3A_183, %cond3A_184 : i32
            scf.if %cond3A_185 {
              %run_scoped3A = arith.constant 0 : i32
              "tpu.region"() ({
                %run_scoped3A_186 = tpu.sem_alloc : memref<!tpu.dma_semaphore, #tpu.memory_space<semaphore_mem>>
                %dma_start3A = arith.constant 0 : i32
                %dma_start3A_187 = arith.constant 0 : i32
                %dma_start3A_188 = tpu.memref_slice %arg7[%cond3A_15, %dma_start3A, %dma_start3A_187] : memref<3x512x1024xf32, #tpu.memory_space<vmem_shared>> -> memref<1x512x1024xf32, #tpu.memory_space<vmem_shared>>
                %dma_start3A_189 = tpu.memref_squeeze %dma_start3A_188 : memref<1x512x1024xf32, #tpu.memory_space<vmem_shared>> -> memref<512x1024xf32, #tpu.memory_space<vmem_shared>>
                %dma_start3A_190 = arith.constant 0 : i32
                %dma_start3A_191 = tpu.memref_slice %dma_start3A_189[%scan3A_180, %dma_start3A_190] : memref<512x1024xf32, #tpu.memory_space<vmem_shared>> -> memref<1x1024xf32, #tpu.memory_space<vmem_shared>>
                %dma_start3A_192 = tpu.memref_squeeze %dma_start3A_191 : memref<1x1024xf32, #tpu.memory_space<vmem_shared>> -> memref<1024xf32, #tpu.memory_space<vmem_shared>>
                %dma_start3A_193 = arith.constant 0 : i32
                %dma_start3A_194 = tpu.memref_slice %arg4[%run_scoped3A, %dma_start3A_193] : memref<512x1024xf32, #tpu.memory_space<hbm>> -> memref<1x1024xf32, #tpu.memory_space<hbm>>
                %dma_start3A_195 = tpu.memref_squeeze %dma_start3A_194 : memref<1x1024xf32, #tpu.memory_space<hbm>> -> memref<1024xf32, #tpu.memory_space<hbm>>
                tpu.enqueue_dma source(%dma_start3A_195 : memref<1024xf32, #tpu.memory_space<hbm>>) target(%dma_start3A_192 : memref<1024xf32, #tpu.memory_space<vmem_shared>>) target_semaphore(%run_scoped3A_186 : memref<!tpu.dma_semaphore, #tpu.memory_space<semaphore_mem>>)
                %dma_wait3A = arith.constant 0 : i32
                %dma_wait3A_196 = arith.constant 0 : i32
                %dma_wait3A_197 = tpu.memref_slice %arg7[%cond3A_15, %dma_wait3A, %dma_wait3A_196] : memref<3x512x1024xf32, #tpu.memory_space<vmem_shared>> -> memref<1x512x1024xf32, #tpu.memory_space<vmem_shared>>
                %dma_wait3A_198 = tpu.memref_squeeze %dma_wait3A_197 : memref<1x512x1024xf32, #tpu.memory_space<vmem_shared>> -> memref<512x1024xf32, #tpu.memory_space<vmem_shared>>
                %dma_wait3A_199 = arith.constant 0 : i32
                %dma_wait3A_200 = tpu.memref_slice %dma_wait3A_198[%scan3A_180, %dma_wait3A_199] : memref<512x1024xf32, #tpu.memory_space<vmem_shared>> -> memref<1x1024xf32, #tpu.memory_space<vmem_shared>>
                %dma_wait3A_201 = tpu.memref_squeeze %dma_wait3A_200 : memref<1x1024xf32, #tpu.memory_space<vmem_shared>> -> memref<1024xf32, #tpu.memory_space<vmem_shared>>
                %dma_wait3A_202 = arith.constant 0 : i32
                %dma_wait3A_203 = tpu.memref_slice %arg4[%run_scoped3A, %dma_wait3A_202] : memref<512x1024xf32, #tpu.memory_space<hbm>> -> memref<1x1024xf32, #tpu.memory_space<hbm>>
                %dma_wait3A_204 = tpu.memref_squeeze %dma_wait3A_203 : memref<1x1024xf32, #tpu.memory_space<hbm>> -> memref<1024xf32, #tpu.memory_space<hbm>>
                tpu.wait_dma2 semaphore(%run_scoped3A_186 : memref<!tpu.dma_semaphore, #tpu.memory_space<semaphore_mem>>) src(%dma_wait3A_204 : memref<1024xf32, #tpu.memory_space<hbm>>) dst(%dma_wait3A_201 : memref<1024xf32, #tpu.memory_space<vmem_shared>>)
                tpu.yield
              }) : () -> ()
            } else {
            }
          }
          %scan3A_179 = arith.constant 512 : i32
          "tpu.region"() ({
            %run_scoped3A = tpu.sem_alloc : memref<!tpu.dma_semaphore, #tpu.memory_space<semaphore_mem>>
            %dma_start3A = arith.constant 0 : i32
            %dma_start3A_180 = tpu.memref_slice %arg5[%add3A_36, %dma_start3A] : memref<8192x1024xf32, #tpu.memory_space<hbm>> -> memref<512x1024xf32, #tpu.memory_space<hbm>>
            %dma_start3A_181 = arith.constant 0 : i32
            %dma_start3A_182 = arith.constant 0 : i32
            %dma_start3A_183 = tpu.memref_slice %arg7[%cond3A_15, %dma_start3A_181, %dma_start3A_182] : memref<3x512x1024xf32, #tpu.memory_space<vmem_shared>> -> memref<1x512x1024xf32, #tpu.memory_space<vmem_shared>>
            %dma_start3A_184 = tpu.memref_squeeze %dma_start3A_183 : memref<1x512x1024xf32, #tpu.memory_space<vmem_shared>> -> memref<512x1024xf32, #tpu.memory_space<vmem_shared>>
            tpu.enqueue_dma source(%dma_start3A_184 : memref<512x1024xf32, #tpu.memory_space<vmem_shared>>) target(%dma_start3A_180 : memref<512x1024xf32, #tpu.memory_space<hbm>>) target_semaphore(%run_scoped3A : memref<!tpu.dma_semaphore, #tpu.memory_space<semaphore_mem>>)
            %dma_wait3A = arith.constant 0 : i32
            %dma_wait3A_185 = tpu.memref_slice %arg5[%add3A_36, %dma_wait3A] : memref<8192x1024xf32, #tpu.memory_space<hbm>> -> memref<512x1024xf32, #tpu.memory_space<hbm>>
            %dma_wait3A_186 = arith.constant 0 : i32
            %dma_wait3A_187 = arith.constant 0 : i32
            %dma_wait3A_188 = tpu.memref_slice %arg7[%cond3A_15, %dma_wait3A_186, %dma_wait3A_187] : memref<3x512x1024xf32, #tpu.memory_space<vmem_shared>> -> memref<1x512x1024xf32, #tpu.memory_space<vmem_shared>>
            %dma_wait3A_189 = tpu.memref_squeeze %dma_wait3A_188 : memref<1x512x1024xf32, #tpu.memory_space<vmem_shared>> -> memref<512x1024xf32, #tpu.memory_space<vmem_shared>>
            tpu.wait_dma2 semaphore(%run_scoped3A : memref<!tpu.dma_semaphore, #tpu.memory_space<semaphore_mem>>) src(%dma_wait3A_189 : memref<512x1024xf32, #tpu.memory_space<vmem_shared>>) dst(%dma_wait3A_185 : memref<512x1024xf32, #tpu.memory_space<hbm>>)
            tpu.yield
          }) : () -> ()
        } else {
        }
        %add3A_55 = arith.constant 1024 : i32
        %add3A_56 = arith.addi %mul3A_0, %add3A_55 : i32
        %add3A_57 = arith.constant 512 : i32
        %add3A_58 = arith.addi %add3A_56, %add3A_57 : i32
        %le3A_59 = arith.cmpi sle, %add3A_58, %squeeze3A : i32
        %convert_element_type3A_60 = arith.extui %le3A_59 : i1 to i32
        %cond3A_61 = arith.constant 0 : i32
        %cond3A_62 = arith.cmpi ne, %convert_element_type3A_60, %cond3A_61 : i32
        scf.if %cond3A_62 {
          "tpu.region"() ({
            %run_scoped3A = tpu.sem_alloc : memref<!tpu.dma_semaphore, #tpu.memory_space<semaphore_mem>>
            %dma_start3A = arith.constant 0 : i32
            %dma_start3A_175 = arith.constant 0 : i32
            %dma_start3A_176 = tpu.memref_slice %arg7[%cond3A_15, %dma_start3A, %dma_start3A_175] : memref<3x512x1024xf32, #tpu.memory_space<vmem_shared>> -> memref<1x512x1024xf32, #tpu.memory_space<vmem_shared>>
            %dma_start3A_177 = tpu.memref_squeeze %dma_start3A_176 : memref<1x512x1024xf32, #tpu.memory_space<vmem_shared>> -> memref<512x1024xf32, #tpu.memory_space<vmem_shared>>
            %dma_start3A_178 = arith.constant 0 : i32
            %dma_start3A_179 = tpu.memref_slice %arg3[%add3A_56, %dma_start3A_178] : memref<8192x1024xf32, #tpu.memory_space<hbm>> -> memref<512x1024xf32, #tpu.memory_space<hbm>>
            tpu.enqueue_dma source(%dma_start3A_179 : memref<512x1024xf32, #tpu.memory_space<hbm>>) target(%dma_start3A_177 : memref<512x1024xf32, #tpu.memory_space<vmem_shared>>) target_semaphore(%run_scoped3A : memref<!tpu.dma_semaphore, #tpu.memory_space<semaphore_mem>>)
            %dma_wait3A = arith.constant 0 : i32
            %dma_wait3A_180 = arith.constant 0 : i32
            %dma_wait3A_181 = tpu.memref_slice %arg7[%cond3A_15, %dma_wait3A, %dma_wait3A_180] : memref<3x512x1024xf32, #tpu.memory_space<vmem_shared>> -> memref<1x512x1024xf32, #tpu.memory_space<vmem_shared>>
            %dma_wait3A_182 = tpu.memref_squeeze %dma_wait3A_181 : memref<1x512x1024xf32, #tpu.memory_space<vmem_shared>> -> memref<512x1024xf32, #tpu.memory_space<vmem_shared>>
            %dma_wait3A_183 = arith.constant 0 : i32
            %dma_wait3A_184 = tpu.memref_slice %arg3[%add3A_56, %dma_wait3A_183] : memref<8192x1024xf32, #tpu.memory_space<hbm>> -> memref<512x1024xf32, #tpu.memory_space<hbm>>
            tpu.wait_dma2 semaphore(%run_scoped3A : memref<!tpu.dma_semaphore, #tpu.memory_space<semaphore_mem>>) src(%dma_wait3A_184 : memref<512x1024xf32, #tpu.memory_space<hbm>>) dst(%dma_wait3A_182 : memref<512x1024xf32, #tpu.memory_space<vmem_shared>>)
            tpu.yield
          }) : () -> ()
          "tpu.region"() ({
            %run_scoped3A = tpu.sem_alloc : memref<!tpu.dma_semaphore, #tpu.memory_space<semaphore_mem>>
            %dma_start3A = arith.constant 0 : i32
            %dma_start3A_175 = tpu.memref_slice %arg5[%add3A_56, %dma_start3A] : memref<8192x1024xf32, #tpu.memory_space<hbm>> -> memref<512x1024xf32, #tpu.memory_space<hbm>>
            %dma_start3A_176 = arith.constant 0 : i32
            %dma_start3A_177 = arith.constant 0 : i32
            %dma_start3A_178 = tpu.memref_slice %arg7[%cond3A_15, %dma_start3A_176, %dma_start3A_177] : memref<3x512x1024xf32, #tpu.memory_space<vmem_shared>> -> memref<1x512x1024xf32, #tpu.memory_space<vmem_shared>>
            %dma_start3A_179 = tpu.memref_squeeze %dma_start3A_178 : memref<1x512x1024xf32, #tpu.memory_space<vmem_shared>> -> memref<512x1024xf32, #tpu.memory_space<vmem_shared>>
            tpu.enqueue_dma source(%dma_start3A_179 : memref<512x1024xf32, #tpu.memory_space<vmem_shared>>) target(%dma_start3A_175 : memref<512x1024xf32, #tpu.memory_space<hbm>>) target_semaphore(%run_scoped3A : memref<!tpu.dma_semaphore, #tpu.memory_space<semaphore_mem>>)
            %dma_wait3A = arith.constant 0 : i32
            %dma_wait3A_180 = tpu.memref_slice %arg5[%add3A_56, %dma_wait3A] : memref<8192x1024xf32, #tpu.memory_space<hbm>> -> memref<512x1024xf32, #tpu.memory_space<hbm>>
            %dma_wait3A_181 = arith.constant 0 : i32
            %dma_wait3A_182 = arith.constant 0 : i32
            %dma_wait3A_183 = tpu.memref_slice %arg7[%cond3A_15, %dma_wait3A_181, %dma_wait3A_182] : memref<3x512x1024xf32, #tpu.memory_space<vmem_shared>> -> memref<1x512x1024xf32, #tpu.memory_space<vmem_shared>>
            %dma_wait3A_184 = tpu.memref_squeeze %dma_wait3A_183 : memref<1x512x1024xf32, #tpu.memory_space<vmem_shared>> -> memref<512x1024xf32, #tpu.memory_space<vmem_shared>>
            tpu.wait_dma2 semaphore(%run_scoped3A : memref<!tpu.dma_semaphore, #tpu.memory_space<semaphore_mem>>) src(%dma_wait3A_184 : memref<512x1024xf32, #tpu.memory_space<vmem_shared>>) dst(%dma_wait3A_180 : memref<512x1024xf32, #tpu.memory_space<hbm>>)
            tpu.yield
          }) : () -> ()
        } else {
        }
        %ge3A_63 = arith.cmpi sge, %add3A_56, %squeeze3A : i32
        %convert_element_type3A_64 = arith.extui %ge3A_63 : i1 to i32
        %cond3A_65 = arith.constant 0 : i32
        %cond3A_66 = arith.cmpi ne, %convert_element_type3A_64, %cond3A_65 : i32
        scf.if %cond3A_66 {
          "tpu.region"() ({
            %run_scoped3A = tpu.sem_alloc : memref<!tpu.dma_semaphore, #tpu.memory_space<semaphore_mem>>
            %dma_start3A = arith.constant 0 : i32
            %dma_start3A_175 = arith.constant 0 : i32
            %dma_start3A_176 = tpu.memref_slice %arg7[%cond3A_15, %dma_start3A, %dma_start3A_175] : memref<3x512x1024xf32, #tpu.memory_space<vmem_shared>> -> memref<1x512x1024xf32, #tpu.memory_space<vmem_shared>>
            %dma_start3A_177 = tpu.memref_squeeze %dma_start3A_176 : memref<1x512x1024xf32, #tpu.memory_space<vmem_shared>> -> memref<512x1024xf32, #tpu.memory_space<vmem_shared>>
            tpu.enqueue_dma source(%arg4 : memref<512x1024xf32, #tpu.memory_space<hbm>>) target(%dma_start3A_177 : memref<512x1024xf32, #tpu.memory_space<vmem_shared>>) target_semaphore(%run_scoped3A : memref<!tpu.dma_semaphore, #tpu.memory_space<semaphore_mem>>)
            %dma_wait3A = arith.constant 0 : i32
            %dma_wait3A_178 = arith.constant 0 : i32
            %dma_wait3A_179 = tpu.memref_slice %arg7[%cond3A_15, %dma_wait3A, %dma_wait3A_178] : memref<3x512x1024xf32, #tpu.memory_space<vmem_shared>> -> memref<1x512x1024xf32, #tpu.memory_space<vmem_shared>>
            %dma_wait3A_180 = tpu.memref_squeeze %dma_wait3A_179 : memref<1x512x1024xf32, #tpu.memory_space<vmem_shared>> -> memref<512x1024xf32, #tpu.memory_space<vmem_shared>>
            tpu.wait_dma2 semaphore(%run_scoped3A : memref<!tpu.dma_semaphore, #tpu.memory_space<semaphore_mem>>) src(%arg4 : memref<512x1024xf32, #tpu.memory_space<hbm>>) dst(%dma_wait3A_180 : memref<512x1024xf32, #tpu.memory_space<vmem_shared>>)
            tpu.yield
          }) : () -> ()
          "tpu.region"() ({
            %run_scoped3A = tpu.sem_alloc : memref<!tpu.dma_semaphore, #tpu.memory_space<semaphore_mem>>
            %dma_start3A = arith.constant 0 : i32
            %dma_start3A_175 = tpu.memref_slice %arg5[%add3A_56, %dma_start3A] : memref<8192x1024xf32, #tpu.memory_space<hbm>> -> memref<512x1024xf32, #tpu.memory_space<hbm>>
            %dma_start3A_176 = arith.constant 0 : i32
            %dma_start3A_177 = arith.constant 0 : i32
            %dma_start3A_178 = tpu.memref_slice %arg7[%cond3A_15, %dma_start3A_176, %dma_start3A_177] : memref<3x512x1024xf32, #tpu.memory_space<vmem_shared>> -> memref<1x512x1024xf32, #tpu.memory_space<vmem_shared>>
            %dma_start3A_179 = tpu.memref_squeeze %dma_start3A_178 : memref<1x512x1024xf32, #tpu.memory_space<vmem_shared>> -> memref<512x1024xf32, #tpu.memory_space<vmem_shared>>
            tpu.enqueue_dma source(%dma_start3A_179 : memref<512x1024xf32, #tpu.memory_space<vmem_shared>>) target(%dma_start3A_175 : memref<512x1024xf32, #tpu.memory_space<hbm>>) target_semaphore(%run_scoped3A : memref<!tpu.dma_semaphore, #tpu.memory_space<semaphore_mem>>)
            %dma_wait3A = arith.constant 0 : i32
            %dma_wait3A_180 = tpu.memref_slice %arg5[%add3A_56, %dma_wait3A] : memref<8192x1024xf32, #tpu.memory_space<hbm>> -> memref<512x1024xf32, #tpu.memory_space<hbm>>
            %dma_wait3A_181 = arith.constant 0 : i32
            %dma_wait3A_182 = arith.constant 0 : i32
            %dma_wait3A_183 = tpu.memref_slice %arg7[%cond3A_15, %dma_wait3A_181, %dma_wait3A_182] : memref<3x512x1024xf32, #tpu.memory_space<vmem_shared>> -> memref<1x512x1024xf32, #tpu.memory_space<vmem_shared>>
            %dma_wait3A_184 = tpu.memref_squeeze %dma_wait3A_183 : memref<1x512x1024xf32, #tpu.memory_space<vmem_shared>> -> memref<512x1024xf32, #tpu.memory_space<vmem_shared>>
            tpu.wait_dma2 semaphore(%run_scoped3A : memref<!tpu.dma_semaphore, #tpu.memory_space<semaphore_mem>>) src(%dma_wait3A_184 : memref<512x1024xf32, #tpu.memory_space<vmem_shared>>) dst(%dma_wait3A_180 : memref<512x1024xf32, #tpu.memory_space<hbm>>)
            tpu.yield
          }) : () -> ()
        } else {
        }
        %lt3A_67 = arith.cmpi slt, %add3A_56, %squeeze3A : i32
        %add3A_68 = arith.constant 512 : i32
        %add3A_69 = arith.addi %add3A_56, %add3A_68 : i32
        %gt3A_70 = arith.cmpi sgt, %add3A_69, %squeeze3A : i32
        %and3A_71 = arith.andi %lt3A_67, %gt3A_70 : i1
        %convert_element_type3A_72 = arith.extui %and3A_71 : i1 to i32
        %cond3A_73 = arith.constant 0 : i32
        %cond3A_74 = arith.cmpi ne, %convert_element_type3A_72, %cond3A_73 : i32
        scf.if %cond3A_74 {
          "tpu.region"() ({
            %run_scoped3A = tpu.sem_alloc : memref<!tpu.dma_semaphore, #tpu.memory_space<semaphore_mem>>
            %dma_start3A = arith.constant 0 : i32
            %dma_start3A_180 = arith.constant 0 : i32
            %dma_start3A_181 = tpu.memref_slice %arg7[%cond3A_15, %dma_start3A, %dma_start3A_180] : memref<3x512x1024xf32, #tpu.memory_space<vmem_shared>> -> memref<1x512x1024xf32, #tpu.memory_space<vmem_shared>>
            %dma_start3A_182 = tpu.memref_squeeze %dma_start3A_181 : memref<1x512x1024xf32, #tpu.memory_space<vmem_shared>> -> memref<512x1024xf32, #tpu.memory_space<vmem_shared>>
            %dma_start3A_183 = arith.constant 0 : i32
            %dma_start3A_184 = tpu.memref_slice %arg3[%add3A_56, %dma_start3A_183] : memref<8192x1024xf32, #tpu.memory_space<hbm>> -> memref<512x1024xf32, #tpu.memory_space<hbm>>
            tpu.enqueue_dma source(%dma_start3A_184 : memref<512x1024xf32, #tpu.memory_space<hbm>>) target(%dma_start3A_182 : memref<512x1024xf32, #tpu.memory_space<vmem_shared>>) target_semaphore(%run_scoped3A : memref<!tpu.dma_semaphore, #tpu.memory_space<semaphore_mem>>)
            %dma_wait3A = arith.constant 0 : i32
            %dma_wait3A_185 = arith.constant 0 : i32
            %dma_wait3A_186 = tpu.memref_slice %arg7[%cond3A_15, %dma_wait3A, %dma_wait3A_185] : memref<3x512x1024xf32, #tpu.memory_space<vmem_shared>> -> memref<1x512x1024xf32, #tpu.memory_space<vmem_shared>>
            %dma_wait3A_187 = tpu.memref_squeeze %dma_wait3A_186 : memref<1x512x1024xf32, #tpu.memory_space<vmem_shared>> -> memref<512x1024xf32, #tpu.memory_space<vmem_shared>>
            %dma_wait3A_188 = arith.constant 0 : i32
            %dma_wait3A_189 = tpu.memref_slice %arg3[%add3A_56, %dma_wait3A_188] : memref<8192x1024xf32, #tpu.memory_space<hbm>> -> memref<512x1024xf32, #tpu.memory_space<hbm>>
            tpu.wait_dma2 semaphore(%run_scoped3A : memref<!tpu.dma_semaphore, #tpu.memory_space<semaphore_mem>>) src(%dma_wait3A_189 : memref<512x1024xf32, #tpu.memory_space<hbm>>) dst(%dma_wait3A_187 : memref<512x1024xf32, #tpu.memory_space<vmem_shared>>)
            tpu.yield
          }) : () -> ()
          %scan3A = arith.constant 0 : i32
          %scan3A_175 = arith.constant 0 : i32
          %scan3A_176 = arith.constant 512 : i32
          %scan3A_177 = arith.addi %scan3A_175, %scan3A_176 : i32
          %scan3A_178 = arith.constant 1 : i32
          scf.for %scan3A_180 = %scan3A_175 to %scan3A_177 step %scan3A_178  : i32 {
            %add3A_181 = arith.addi %add3A_56, %scan3A_180 : i32
            %ge3A_182 = arith.cmpi sge, %add3A_181, %squeeze3A : i32
            %convert_element_type3A_183 = arith.extui %ge3A_182 : i1 to i32
            %cond3A_184 = arith.constant 0 : i32
            %cond3A_185 = arith.cmpi ne, %convert_element_type3A_183, %cond3A_184 : i32
            scf.if %cond3A_185 {
              %run_scoped3A = arith.constant 0 : i32
              "tpu.region"() ({
                %run_scoped3A_186 = tpu.sem_alloc : memref<!tpu.dma_semaphore, #tpu.memory_space<semaphore_mem>>
                %dma_start3A = arith.constant 0 : i32
                %dma_start3A_187 = arith.constant 0 : i32
                %dma_start3A_188 = tpu.memref_slice %arg7[%cond3A_15, %dma_start3A, %dma_start3A_187] : memref<3x512x1024xf32, #tpu.memory_space<vmem_shared>> -> memref<1x512x1024xf32, #tpu.memory_space<vmem_shared>>
                %dma_start3A_189 = tpu.memref_squeeze %dma_start3A_188 : memref<1x512x1024xf32, #tpu.memory_space<vmem_shared>> -> memref<512x1024xf32, #tpu.memory_space<vmem_shared>>
                %dma_start3A_190 = arith.constant 0 : i32
                %dma_start3A_191 = tpu.memref_slice %dma_start3A_189[%scan3A_180, %dma_start3A_190] : memref<512x1024xf32, #tpu.memory_space<vmem_shared>> -> memref<1x1024xf32, #tpu.memory_space<vmem_shared>>
                %dma_start3A_192 = tpu.memref_squeeze %dma_start3A_191 : memref<1x1024xf32, #tpu.memory_space<vmem_shared>> -> memref<1024xf32, #tpu.memory_space<vmem_shared>>
                %dma_start3A_193 = arith.constant 0 : i32
                %dma_start3A_194 = tpu.memref_slice %arg4[%run_scoped3A, %dma_start3A_193] : memref<512x1024xf32, #tpu.memory_space<hbm>> -> memref<1x1024xf32, #tpu.memory_space<hbm>>
                %dma_start3A_195 = tpu.memref_squeeze %dma_start3A_194 : memref<1x1024xf32, #tpu.memory_space<hbm>> -> memref<1024xf32, #tpu.memory_space<hbm>>
                tpu.enqueue_dma source(%dma_start3A_195 : memref<1024xf32, #tpu.memory_space<hbm>>) target(%dma_start3A_192 : memref<1024xf32, #tpu.memory_space<vmem_shared>>) target_semaphore(%run_scoped3A_186 : memref<!tpu.dma_semaphore, #tpu.memory_space<semaphore_mem>>)
                %dma_wait3A = arith.constant 0 : i32
                %dma_wait3A_196 = arith.constant 0 : i32
                %dma_wait3A_197 = tpu.memref_slice %arg7[%cond3A_15, %dma_wait3A, %dma_wait3A_196] : memref<3x512x1024xf32, #tpu.memory_space<vmem_shared>> -> memref<1x512x1024xf32, #tpu.memory_space<vmem_shared>>
                %dma_wait3A_198 = tpu.memref_squeeze %dma_wait3A_197 : memref<1x512x1024xf32, #tpu.memory_space<vmem_shared>> -> memref<512x1024xf32, #tpu.memory_space<vmem_shared>>
                %dma_wait3A_199 = arith.constant 0 : i32
                %dma_wait3A_200 = tpu.memref_slice %dma_wait3A_198[%scan3A_180, %dma_wait3A_199] : memref<512x1024xf32, #tpu.memory_space<vmem_shared>> -> memref<1x1024xf32, #tpu.memory_space<vmem_shared>>
                %dma_wait3A_201 = tpu.memref_squeeze %dma_wait3A_200 : memref<1x1024xf32, #tpu.memory_space<vmem_shared>> -> memref<1024xf32, #tpu.memory_space<vmem_shared>>
                %dma_wait3A_202 = arith.constant 0 : i32
                %dma_wait3A_203 = tpu.memref_slice %arg4[%run_scoped3A, %dma_wait3A_202] : memref<512x1024xf32, #tpu.memory_space<hbm>> -> memref<1x1024xf32, #tpu.memory_space<hbm>>
                %dma_wait3A_204 = tpu.memref_squeeze %dma_wait3A_203 : memref<1x1024xf32, #tpu.memory_space<hbm>> -> memref<1024xf32, #tpu.memory_space<hbm>>
                tpu.wait_dma2 semaphore(%run_scoped3A_186 : memref<!tpu.dma_semaphore, #tpu.memory_space<semaphore_mem>>) src(%dma_wait3A_204 : memref<1024xf32, #tpu.memory_space<hbm>>) dst(%dma_wait3A_201 : memref<1024xf32, #tpu.memory_space<vmem_shared>>)
                tpu.yield
              }) : () -> ()
            } else {
            }
          }
          %scan3A_179 = arith.constant 512 : i32
          "tpu.region"() ({
            %run_scoped3A = tpu.sem_alloc : memref<!tpu.dma_semaphore, #tpu.memory_space<semaphore_mem>>
            %dma_start3A = arith.constant 0 : i32
            %dma_start3A_180 = tpu.memref_slice %arg5[%add3A_56, %dma_start3A] : memref<8192x1024xf32, #tpu.memory_space<hbm>> -> memref<512x1024xf32, #tpu.memory_space<hbm>>
            %dma_start3A_181 = arith.constant 0 : i32
            %dma_start3A_182 = arith.constant 0 : i32
            %dma_start3A_183 = tpu.memref_slice %arg7[%cond3A_15, %dma_start3A_181, %dma_start3A_182] : memref<3x512x1024xf32, #tpu.memory_space<vmem_shared>> -> memref<1x512x1024xf32, #tpu.memory_space<vmem_shared>>
            %dma_start3A_184 = tpu.memref_squeeze %dma_start3A_183 : memref<1x512x1024xf32, #tpu.memory_space<vmem_shared>> -> memref<512x1024xf32, #tpu.memory_space<vmem_shared>>
            tpu.enqueue_dma source(%dma_start3A_184 : memref<512x1024xf32, #tpu.memory_space<vmem_shared>>) target(%dma_start3A_180 : memref<512x1024xf32, #tpu.memory_space<hbm>>) target_semaphore(%run_scoped3A : memref<!tpu.dma_semaphore, #tpu.memory_space<semaphore_mem>>)
            %dma_wait3A = arith.constant 0 : i32
            %dma_wait3A_185 = tpu.memref_slice %arg5[%add3A_56, %dma_wait3A] : memref<8192x1024xf32, #tpu.memory_space<hbm>> -> memref<512x1024xf32, #tpu.memory_space<hbm>>
            %dma_wait3A_186 = arith.constant 0 : i32
            %dma_wait3A_187 = arith.constant 0 : i32
            %dma_wait3A_188 = tpu.memref_slice %arg7[%cond3A_15, %dma_wait3A_186, %dma_wait3A_187] : memref<3x512x1024xf32, #tpu.memory_space<vmem_shared>> -> memref<1x512x1024xf32, #tpu.memory_space<vmem_shared>>
            %dma_wait3A_189 = tpu.memref_squeeze %dma_wait3A_188 : memref<1x512x1024xf32, #tpu.memory_space<vmem_shared>> -> memref<512x1024xf32, #tpu.memory_space<vmem_shared>>
            tpu.wait_dma2 semaphore(%run_scoped3A : memref<!tpu.dma_semaphore, #tpu.memory_space<semaphore_mem>>) src(%dma_wait3A_189 : memref<512x1024xf32, #tpu.memory_space<vmem_shared>>) dst(%dma_wait3A_185 : memref<512x1024xf32, #tpu.memory_space<hbm>>)
            tpu.yield
          }) : () -> ()
        } else {
        }
        %add3A_75 = arith.constant 1536 : i32
        %add3A_76 = arith.addi %mul3A_0, %add3A_75 : i32
        %add3A_77 = arith.constant 512 : i32
        %add3A_78 = arith.addi %add3A_76, %add3A_77 : i32
        %le3A_79 = arith.cmpi sle, %add3A_78, %squeeze3A : i32
        %convert_element_type3A_80 = arith.extui %le3A_79 : i1 to i32
        %cond3A_81 = arith.constant 0 : i32
        %cond3A_82 = arith.cmpi ne, %convert_element_type3A_80, %cond3A_81 : i32
        scf.if %cond3A_82 {
          "tpu.region"() ({
            %run_scoped3A = tpu.sem_alloc : memref<!tpu.dma_semaphore, #tpu.memory_space<semaphore_mem>>
            %dma_start3A = arith.constant 0 : i32
            %dma_start3A_175 = arith.constant 0 : i32
            %dma_start3A_176 = tpu.memref_slice %arg7[%cond3A_15, %dma_start3A, %dma_start3A_175] : memref<3x512x1024xf32, #tpu.memory_space<vmem_shared>> -> memref<1x512x1024xf32, #tpu.memory_space<vmem_shared>>
            %dma_start3A_177 = tpu.memref_squeeze %dma_start3A_176 : memref<1x512x1024xf32, #tpu.memory_space<vmem_shared>> -> memref<512x1024xf32, #tpu.memory_space<vmem_shared>>
            %dma_start3A_178 = arith.constant 0 : i32
            %dma_start3A_179 = tpu.memref_slice %arg3[%add3A_76, %dma_start3A_178] : memref<8192x1024xf32, #tpu.memory_space<hbm>> -> memref<512x1024xf32, #tpu.memory_space<hbm>>
            tpu.enqueue_dma source(%dma_start3A_179 : memref<512x1024xf32, #tpu.memory_space<hbm>>) target(%dma_start3A_177 : memref<512x1024xf32, #tpu.memory_space<vmem_shared>>) target_semaphore(%run_scoped3A : memref<!tpu.dma_semaphore, #tpu.memory_space<semaphore_mem>>)
            %dma_wait3A = arith.constant 0 : i32
            %dma_wait3A_180 = arith.constant 0 : i32
            %dma_wait3A_181 = tpu.memref_slice %arg7[%cond3A_15, %dma_wait3A, %dma_wait3A_180] : memref<3x512x1024xf32, #tpu.memory_space<vmem_shared>> -> memref<1x512x1024xf32, #tpu.memory_space<vmem_shared>>
            %dma_wait3A_182 = tpu.memref_squeeze %dma_wait3A_181 : memref<1x512x1024xf32, #tpu.memory_space<vmem_shared>> -> memref<512x1024xf32, #tpu.memory_space<vmem_shared>>
            %dma_wait3A_183 = arith.constant 0 : i32
            %dma_wait3A_184 = tpu.memref_slice %arg3[%add3A_76, %dma_wait3A_183] : memref<8192x1024xf32, #tpu.memory_space<hbm>> -> memref<512x1024xf32, #tpu.memory_space<hbm>>
            tpu.wait_dma2 semaphore(%run_scoped3A : memref<!tpu.dma_semaphore, #tpu.memory_space<semaphore_mem>>) src(%dma_wait3A_184 : memref<512x1024xf32, #tpu.memory_space<hbm>>) dst(%dma_wait3A_182 : memref<512x1024xf32, #tpu.memory_space<vmem_shared>>)
            tpu.yield
          }) : () -> ()
          "tpu.region"() ({
            %run_scoped3A = tpu.sem_alloc : memref<!tpu.dma_semaphore, #tpu.memory_space<semaphore_mem>>
            %dma_start3A = arith.constant 0 : i32
            %dma_start3A_175 = tpu.memref_slice %arg5[%add3A_76, %dma_start3A] : memref<8192x1024xf32, #tpu.memory_space<hbm>> -> memref<512x1024xf32, #tpu.memory_space<hbm>>
            %dma_start3A_176 = arith.constant 0 : i32
            %dma_start3A_177 = arith.constant 0 : i32
            %dma_start3A_178 = tpu.memref_slice %arg7[%cond3A_15, %dma_start3A_176, %dma_start3A_177] : memref<3x512x1024xf32, #tpu.memory_space<vmem_shared>> -> memref<1x512x1024xf32, #tpu.memory_space<vmem_shared>>
            %dma_start3A_179 = tpu.memref_squeeze %dma_start3A_178 : memref<1x512x1024xf32, #tpu.memory_space<vmem_shared>> -> memref<512x1024xf32, #tpu.memory_space<vmem_shared>>
            tpu.enqueue_dma source(%dma_start3A_179 : memref<512x1024xf32, #tpu.memory_space<vmem_shared>>) target(%dma_start3A_175 : memref<512x1024xf32, #tpu.memory_space<hbm>>) target_semaphore(%run_scoped3A : memref<!tpu.dma_semaphore, #tpu.memory_space<semaphore_mem>>)
            %dma_wait3A = arith.constant 0 : i32
            %dma_wait3A_180 = tpu.memref_slice %arg5[%add3A_76, %dma_wait3A] : memref<8192x1024xf32, #tpu.memory_space<hbm>> -> memref<512x1024xf32, #tpu.memory_space<hbm>>
            %dma_wait3A_181 = arith.constant 0 : i32
            %dma_wait3A_182 = arith.constant 0 : i32
            %dma_wait3A_183 = tpu.memref_slice %arg7[%cond3A_15, %dma_wait3A_181, %dma_wait3A_182] : memref<3x512x1024xf32, #tpu.memory_space<vmem_shared>> -> memref<1x512x1024xf32, #tpu.memory_space<vmem_shared>>
            %dma_wait3A_184 = tpu.memref_squeeze %dma_wait3A_183 : memref<1x512x1024xf32, #tpu.memory_space<vmem_shared>> -> memref<512x1024xf32, #tpu.memory_space<vmem_shared>>
            tpu.wait_dma2 semaphore(%run_scoped3A : memref<!tpu.dma_semaphore, #tpu.memory_space<semaphore_mem>>) src(%dma_wait3A_184 : memref<512x1024xf32, #tpu.memory_space<vmem_shared>>) dst(%dma_wait3A_180 : memref<512x1024xf32, #tpu.memory_space<hbm>>)
            tpu.yield
          }) : () -> ()
        } else {
        }
        %ge3A_83 = arith.cmpi sge, %add3A_76, %squeeze3A : i32
        %convert_element_type3A_84 = arith.extui %ge3A_83 : i1 to i32
        %cond3A_85 = arith.constant 0 : i32
        %cond3A_86 = arith.cmpi ne, %convert_element_type3A_84, %cond3A_85 : i32
        scf.if %cond3A_86 {
          "tpu.region"() ({
            %run_scoped3A = tpu.sem_alloc : memref<!tpu.dma_semaphore, #tpu.memory_space<semaphore_mem>>
            %dma_start3A = arith.constant 0 : i32
            %dma_start3A_175 = arith.constant 0 : i32
            %dma_start3A_176 = tpu.memref_slice %arg7[%cond3A_15, %dma_start3A, %dma_start3A_175] : memref<3x512x1024xf32, #tpu.memory_space<vmem_shared>> -> memref<1x512x1024xf32, #tpu.memory_space<vmem_shared>>
            %dma_start3A_177 = tpu.memref_squeeze %dma_start3A_176 : memref<1x512x1024xf32, #tpu.memory_space<vmem_shared>> -> memref<512x1024xf32, #tpu.memory_space<vmem_shared>>
            tpu.enqueue_dma source(%arg4 : memref<512x1024xf32, #tpu.memory_space<hbm>>) target(%dma_start3A_177 : memref<512x1024xf32, #tpu.memory_space<vmem_shared>>) target_semaphore(%run_scoped3A : memref<!tpu.dma_semaphore, #tpu.memory_space<semaphore_mem>>)
            %dma_wait3A = arith.constant 0 : i32
            %dma_wait3A_178 = arith.constant 0 : i32
            %dma_wait3A_179 = tpu.memref_slice %arg7[%cond3A_15, %dma_wait3A, %dma_wait3A_178] : memref<3x512x1024xf32, #tpu.memory_space<vmem_shared>> -> memref<1x512x1024xf32, #tpu.memory_space<vmem_shared>>
            %dma_wait3A_180 = tpu.memref_squeeze %dma_wait3A_179 : memref<1x512x1024xf32, #tpu.memory_space<vmem_shared>> -> memref<512x1024xf32, #tpu.memory_space<vmem_shared>>
            tpu.wait_dma2 semaphore(%run_scoped3A : memref<!tpu.dma_semaphore, #tpu.memory_space<semaphore_mem>>) src(%arg4 : memref<512x1024xf32, #tpu.memory_space<hbm>>) dst(%dma_wait3A_180 : memref<512x1024xf32, #tpu.memory_space<vmem_shared>>)
            tpu.yield
          }) : () -> ()
          "tpu.region"() ({
            %run_scoped3A = tpu.sem_alloc : memref<!tpu.dma_semaphore, #tpu.memory_space<semaphore_mem>>
            %dma_start3A = arith.constant 0 : i32
            %dma_start3A_175 = tpu.memref_slice %arg5[%add3A_76, %dma_start3A] : memref<8192x1024xf32, #tpu.memory_space<hbm>> -> memref<512x1024xf32, #tpu.memory_space<hbm>>
            %dma_start3A_176 = arith.constant 0 : i32
            %dma_start3A_177 = arith.constant 0 : i32
            %dma_start3A_178 = tpu.memref_slice %arg7[%cond3A_15, %dma_start3A_176, %dma_start3A_177] : memref<3x512x1024xf32, #tpu.memory_space<vmem_shared>> -> memref<1x512x1024xf32, #tpu.memory_space<vmem_shared>>
            %dma_start3A_179 = tpu.memref_squeeze %dma_start3A_178 : memref<1x512x1024xf32, #tpu.memory_space<vmem_shared>> -> memref<512x1024xf32, #tpu.memory_space<vmem_shared>>
            tpu.enqueue_dma source(%dma_start3A_179 : memref<512x1024xf32, #tpu.memory_space<vmem_shared>>) target(%dma_start3A_175 : memref<512x1024xf32, #tpu.memory_space<hbm>>) target_semaphore(%run_scoped3A : memref<!tpu.dma_semaphore, #tpu.memory_space<semaphore_mem>>)
            %dma_wait3A = arith.constant 0 : i32
            %dma_wait3A_180 = tpu.memref_slice %arg5[%add3A_76, %dma_wait3A] : memref<8192x1024xf32, #tpu.memory_space<hbm>> -> memref<512x1024xf32, #tpu.memory_space<hbm>>
            %dma_wait3A_181 = arith.constant 0 : i32
            %dma_wait3A_182 = arith.constant 0 : i32
            %dma_wait3A_183 = tpu.memref_slice %arg7[%cond3A_15, %dma_wait3A_181, %dma_wait3A_182] : memref<3x512x1024xf32, #tpu.memory_space<vmem_shared>> -> memref<1x512x1024xf32, #tpu.memory_space<vmem_shared>>
            %dma_wait3A_184 = tpu.memref_squeeze %dma_wait3A_183 : memref<1x512x1024xf32, #tpu.memory_space<vmem_shared>> -> memref<512x1024xf32, #tpu.memory_space<vmem_shared>>
            tpu.wait_dma2 semaphore(%run_scoped3A : memref<!tpu.dma_semaphore, #tpu.memory_space<semaphore_mem>>) src(%dma_wait3A_184 : memref<512x1024xf32, #tpu.memory_space<vmem_shared>>) dst(%dma_wait3A_180 : memref<512x1024xf32, #tpu.memory_space<hbm>>)
            tpu.yield
          }) : () -> ()
        } else {
        }
        %lt3A_87 = arith.cmpi slt, %add3A_76, %squeeze3A : i32
        %add3A_88 = arith.constant 512 : i32
        %add3A_89 = arith.addi %add3A_76, %add3A_88 : i32
        %gt3A_90 = arith.cmpi sgt, %add3A_89, %squeeze3A : i32
        %and3A_91 = arith.andi %lt3A_87, %gt3A_90 : i1
        %convert_element_type3A_92 = arith.extui %and3A_91 : i1 to i32
        %cond3A_93 = arith.constant 0 : i32
        %cond3A_94 = arith.cmpi ne, %convert_element_type3A_92, %cond3A_93 : i32
        scf.if %cond3A_94 {
          "tpu.region"() ({
            %run_scoped3A = tpu.sem_alloc : memref<!tpu.dma_semaphore, #tpu.memory_space<semaphore_mem>>
            %dma_start3A = arith.constant 0 : i32
            %dma_start3A_180 = arith.constant 0 : i32
            %dma_start3A_181 = tpu.memref_slice %arg7[%cond3A_15, %dma_start3A, %dma_start3A_180] : memref<3x512x1024xf32, #tpu.memory_space<vmem_shared>> -> memref<1x512x1024xf32, #tpu.memory_space<vmem_shared>>
            %dma_start3A_182 = tpu.memref_squeeze %dma_start3A_181 : memref<1x512x1024xf32, #tpu.memory_space<vmem_shared>> -> memref<512x1024xf32, #tpu.memory_space<vmem_shared>>
            %dma_start3A_183 = arith.constant 0 : i32
            %dma_start3A_184 = tpu.memref_slice %arg3[%add3A_76, %dma_start3A_183] : memref<8192x1024xf32, #tpu.memory_space<hbm>> -> memref<512x1024xf32, #tpu.memory_space<hbm>>
            tpu.enqueue_dma source(%dma_start3A_184 : memref<512x1024xf32, #tpu.memory_space<hbm>>) target(%dma_start3A_182 : memref<512x1024xf32, #tpu.memory_space<vmem_shared>>) target_semaphore(%run_scoped3A : memref<!tpu.dma_semaphore, #tpu.memory_space<semaphore_mem>>)
            %dma_wait3A = arith.constant 0 : i32
            %dma_wait3A_185 = arith.constant 0 : i32
            %dma_wait3A_186 = tpu.memref_slice %arg7[%cond3A_15, %dma_wait3A, %dma_wait3A_185] : memref<3x512x1024xf32, #tpu.memory_space<vmem_shared>> -> memref<1x512x1024xf32, #tpu.memory_space<vmem_shared>>
            %dma_wait3A_187 = tpu.memref_squeeze %dma_wait3A_186 : memref<1x512x1024xf32, #tpu.memory_space<vmem_shared>> -> memref<512x1024xf32, #tpu.memory_space<vmem_shared>>
            %dma_wait3A_188 = arith.constant 0 : i32
            %dma_wait3A_189 = tpu.memref_slice %arg3[%add3A_76, %dma_wait3A_188] : memref<8192x1024xf32, #tpu.memory_space<hbm>> -> memref<512x1024xf32, #tpu.memory_space<hbm>>
            tpu.wait_dma2 semaphore(%run_scoped3A : memref<!tpu.dma_semaphore, #tpu.memory_space<semaphore_mem>>) src(%dma_wait3A_189 : memref<512x1024xf32, #tpu.memory_space<hbm>>) dst(%dma_wait3A_187 : memref<512x1024xf32, #tpu.memory_space<vmem_shared>>)
            tpu.yield
          }) : () -> ()
          %scan3A = arith.constant 0 : i32
          %scan3A_175 = arith.constant 0 : i32
          %scan3A_176 = arith.constant 512 : i32
          %scan3A_177 = arith.addi %scan3A_175, %scan3A_176 : i32
          %scan3A_178 = arith.constant 1 : i32
          scf.for %scan3A_180 = %scan3A_175 to %scan3A_177 step %scan3A_178  : i32 {
            %add3A_181 = arith.addi %add3A_76, %scan3A_180 : i32
            %ge3A_182 = arith.cmpi sge, %add3A_181, %squeeze3A : i32
            %convert_element_type3A_183 = arith.extui %ge3A_182 : i1 to i32
            %cond3A_184 = arith.constant 0 : i32
            %cond3A_185 = arith.cmpi ne, %convert_element_type3A_183, %cond3A_184 : i32
            scf.if %cond3A_185 {
              %run_scoped3A = arith.constant 0 : i32
              "tpu.region"() ({
                %run_scoped3A_186 = tpu.sem_alloc : memref<!tpu.dma_semaphore, #tpu.memory_space<semaphore_mem>>
                %dma_start3A = arith.constant 0 : i32
                %dma_start3A_187 = arith.constant 0 : i32
                %dma_start3A_188 = tpu.memref_slice %arg7[%cond3A_15, %dma_start3A, %dma_start3A_187] : memref<3x512x1024xf32, #tpu.memory_space<vmem_shared>> -> memref<1x512x1024xf32, #tpu.memory_space<vmem_shared>>
                %dma_start3A_189 = tpu.memref_squeeze %dma_start3A_188 : memref<1x512x1024xf32, #tpu.memory_space<vmem_shared>> -> memref<512x1024xf32, #tpu.memory_space<vmem_shared>>
                %dma_start3A_190 = arith.constant 0 : i32
                %dma_start3A_191 = tpu.memref_slice %dma_start3A_189[%scan3A_180, %dma_start3A_190] : memref<512x1024xf32, #tpu.memory_space<vmem_shared>> -> memref<1x1024xf32, #tpu.memory_space<vmem_shared>>
                %dma_start3A_192 = tpu.memref_squeeze %dma_start3A_191 : memref<1x1024xf32, #tpu.memory_space<vmem_shared>> -> memref<1024xf32, #tpu.memory_space<vmem_shared>>
                %dma_start3A_193 = arith.constant 0 : i32
                %dma_start3A_194 = tpu.memref_slice %arg4[%run_scoped3A, %dma_start3A_193] : memref<512x1024xf32, #tpu.memory_space<hbm>> -> memref<1x1024xf32, #tpu.memory_space<hbm>>
                %dma_start3A_195 = tpu.memref_squeeze %dma_start3A_194 : memref<1x1024xf32, #tpu.memory_space<hbm>> -> memref<1024xf32, #tpu.memory_space<hbm>>
                tpu.enqueue_dma source(%dma_start3A_195 : memref<1024xf32, #tpu.memory_space<hbm>>) target(%dma_start3A_192 : memref<1024xf32, #tpu.memory_space<vmem_shared>>) target_semaphore(%run_scoped3A_186 : memref<!tpu.dma_semaphore, #tpu.memory_space<semaphore_mem>>)
                %dma_wait3A = arith.constant 0 : i32
                %dma_wait3A_196 = arith.constant 0 : i32
                %dma_wait3A_197 = tpu.memref_slice %arg7[%cond3A_15, %dma_wait3A, %dma_wait3A_196] : memref<3x512x1024xf32, #tpu.memory_space<vmem_shared>> -> memref<1x512x1024xf32, #tpu.memory_space<vmem_shared>>
                %dma_wait3A_198 = tpu.memref_squeeze %dma_wait3A_197 : memref<1x512x1024xf32, #tpu.memory_space<vmem_shared>> -> memref<512x1024xf32, #tpu.memory_space<vmem_shared>>
                %dma_wait3A_199 = arith.constant 0 : i32
                %dma_wait3A_200 = tpu.memref_slice %dma_wait3A_198[%scan3A_180, %dma_wait3A_199] : memref<512x1024xf32, #tpu.memory_space<vmem_shared>> -> memref<1x1024xf32, #tpu.memory_space<vmem_shared>>
                %dma_wait3A_201 = tpu.memref_squeeze %dma_wait3A_200 : memref<1x1024xf32, #tpu.memory_space<vmem_shared>> -> memref<1024xf32, #tpu.memory_space<vmem_shared>>
                %dma_wait3A_202 = arith.constant 0 : i32
                %dma_wait3A_203 = tpu.memref_slice %arg4[%run_scoped3A, %dma_wait3A_202] : memref<512x1024xf32, #tpu.memory_space<hbm>> -> memref<1x1024xf32, #tpu.memory_space<hbm>>
                %dma_wait3A_204 = tpu.memref_squeeze %dma_wait3A_203 : memref<1x1024xf32, #tpu.memory_space<hbm>> -> memref<1024xf32, #tpu.memory_space<hbm>>
                tpu.wait_dma2 semaphore(%run_scoped3A_186 : memref<!tpu.dma_semaphore, #tpu.memory_space<semaphore_mem>>) src(%dma_wait3A_204 : memref<1024xf32, #tpu.memory_space<hbm>>) dst(%dma_wait3A_201 : memref<1024xf32, #tpu.memory_space<vmem_shared>>)
                tpu.yield
              }) : () -> ()
            } else {
            }
          }
          %scan3A_179 = arith.constant 512 : i32
          "tpu.region"() ({
            %run_scoped3A = tpu.sem_alloc : memref<!tpu.dma_semaphore, #tpu.memory_space<semaphore_mem>>
            %dma_start3A = arith.constant 0 : i32
            %dma_start3A_180 = tpu.memref_slice %arg5[%add3A_76, %dma_start3A] : memref<8192x1024xf32, #tpu.memory_space<hbm>> -> memref<512x1024xf32, #tpu.memory_space<hbm>>
            %dma_start3A_181 = arith.constant 0 : i32
            %dma_start3A_182 = arith.constant 0 : i32
            %dma_start3A_183 = tpu.memref_slice %arg7[%cond3A_15, %dma_start3A_181, %dma_start3A_182] : memref<3x512x1024xf32, #tpu.memory_space<vmem_shared>> -> memref<1x512x1024xf32, #tpu.memory_space<vmem_shared>>
            %dma_start3A_184 = tpu.memref_squeeze %dma_start3A_183 : memref<1x512x1024xf32, #tpu.memory_space<vmem_shared>> -> memref<512x1024xf32, #tpu.memory_space<vmem_shared>>
            tpu.enqueue_dma source(%dma_start3A_184 : memref<512x1024xf32, #tpu.memory_space<vmem_shared>>) target(%dma_start3A_180 : memref<512x1024xf32, #tpu.memory_space<hbm>>) target_semaphore(%run_scoped3A : memref<!tpu.dma_semaphore, #tpu.memory_space<semaphore_mem>>)
            %dma_wait3A = arith.constant 0 : i32
            %dma_wait3A_185 = tpu.memref_slice %arg5[%add3A_76, %dma_wait3A] : memref<8192x1024xf32, #tpu.memory_space<hbm>> -> memref<512x1024xf32, #tpu.memory_space<hbm>>
            %dma_wait3A_186 = arith.constant 0 : i32
            %dma_wait3A_187 = arith.constant 0 : i32
            %dma_wait3A_188 = tpu.memref_slice %arg7[%cond3A_15, %dma_wait3A_186, %dma_wait3A_187] : memref<3x512x1024xf32, #tpu.memory_space<vmem_shared>> -> memref<1x512x1024xf32, #tpu.memory_space<vmem_shared>>
            %dma_wait3A_189 = tpu.memref_squeeze %dma_wait3A_188 : memref<1x512x1024xf32, #tpu.memory_space<vmem_shared>> -> memref<512x1024xf32, #tpu.memory_space<vmem_shared>>
            tpu.wait_dma2 semaphore(%run_scoped3A : memref<!tpu.dma_semaphore, #tpu.memory_space<semaphore_mem>>) src(%dma_wait3A_189 : memref<512x1024xf32, #tpu.memory_space<vmem_shared>>) dst(%dma_wait3A_185 : memref<512x1024xf32, #tpu.memory_space<hbm>>)
            tpu.yield
          }) : () -> ()
        } else {
        }
        %add3A_95 = arith.constant 2048 : i32
        %add3A_96 = arith.addi %mul3A_0, %add3A_95 : i32
        %add3A_97 = arith.constant 512 : i32
        %add3A_98 = arith.addi %add3A_96, %add3A_97 : i32
        %le3A_99 = arith.cmpi sle, %add3A_98, %squeeze3A : i32
        %convert_element_type3A_100 = arith.extui %le3A_99 : i1 to i32
        %cond3A_101 = arith.constant 0 : i32
        %cond3A_102 = arith.cmpi ne, %convert_element_type3A_100, %cond3A_101 : i32
        scf.if %cond3A_102 {
          "tpu.region"() ({
            %run_scoped3A = tpu.sem_alloc : memref<!tpu.dma_semaphore, #tpu.memory_space<semaphore_mem>>
            %dma_start3A = arith.constant 0 : i32
            %dma_start3A_175 = arith.constant 0 : i32
            %dma_start3A_176 = tpu.memref_slice %arg7[%cond3A_15, %dma_start3A, %dma_start3A_175] : memref<3x512x1024xf32, #tpu.memory_space<vmem_shared>> -> memref<1x512x1024xf32, #tpu.memory_space<vmem_shared>>
            %dma_start3A_177 = tpu.memref_squeeze %dma_start3A_176 : memref<1x512x1024xf32, #tpu.memory_space<vmem_shared>> -> memref<512x1024xf32, #tpu.memory_space<vmem_shared>>
            %dma_start3A_178 = arith.constant 0 : i32
            %dma_start3A_179 = tpu.memref_slice %arg3[%add3A_96, %dma_start3A_178] : memref<8192x1024xf32, #tpu.memory_space<hbm>> -> memref<512x1024xf32, #tpu.memory_space<hbm>>
            tpu.enqueue_dma source(%dma_start3A_179 : memref<512x1024xf32, #tpu.memory_space<hbm>>) target(%dma_start3A_177 : memref<512x1024xf32, #tpu.memory_space<vmem_shared>>) target_semaphore(%run_scoped3A : memref<!tpu.dma_semaphore, #tpu.memory_space<semaphore_mem>>)
            %dma_wait3A = arith.constant 0 : i32
            %dma_wait3A_180 = arith.constant 0 : i32
            %dma_wait3A_181 = tpu.memref_slice %arg7[%cond3A_15, %dma_wait3A, %dma_wait3A_180] : memref<3x512x1024xf32, #tpu.memory_space<vmem_shared>> -> memref<1x512x1024xf32, #tpu.memory_space<vmem_shared>>
            %dma_wait3A_182 = tpu.memref_squeeze %dma_wait3A_181 : memref<1x512x1024xf32, #tpu.memory_space<vmem_shared>> -> memref<512x1024xf32, #tpu.memory_space<vmem_shared>>
            %dma_wait3A_183 = arith.constant 0 : i32
            %dma_wait3A_184 = tpu.memref_slice %arg3[%add3A_96, %dma_wait3A_183] : memref<8192x1024xf32, #tpu.memory_space<hbm>> -> memref<512x1024xf32, #tpu.memory_space<hbm>>
            tpu.wait_dma2 semaphore(%run_scoped3A : memref<!tpu.dma_semaphore, #tpu.memory_space<semaphore_mem>>) src(%dma_wait3A_184 : memref<512x1024xf32, #tpu.memory_space<hbm>>) dst(%dma_wait3A_182 : memref<512x1024xf32, #tpu.memory_space<vmem_shared>>)
            tpu.yield
          }) : () -> ()
          "tpu.region"() ({
            %run_scoped3A = tpu.sem_alloc : memref<!tpu.dma_semaphore, #tpu.memory_space<semaphore_mem>>
            %dma_start3A = arith.constant 0 : i32
            %dma_start3A_175 = tpu.memref_slice %arg5[%add3A_96, %dma_start3A] : memref<8192x1024xf32, #tpu.memory_space<hbm>> -> memref<512x1024xf32, #tpu.memory_space<hbm>>
            %dma_start3A_176 = arith.constant 0 : i32
            %dma_start3A_177 = arith.constant 0 : i32
            %dma_start3A_178 = tpu.memref_slice %arg7[%cond3A_15, %dma_start3A_176, %dma_start3A_177] : memref<3x512x1024xf32, #tpu.memory_space<vmem_shared>> -> memref<1x512x1024xf32, #tpu.memory_space<vmem_shared>>
            %dma_start3A_179 = tpu.memref_squeeze %dma_start3A_178 : memref<1x512x1024xf32, #tpu.memory_space<vmem_shared>> -> memref<512x1024xf32, #tpu.memory_space<vmem_shared>>
            tpu.enqueue_dma source(%dma_start3A_179 : memref<512x1024xf32, #tpu.memory_space<vmem_shared>>) target(%dma_start3A_175 : memref<512x1024xf32, #tpu.memory_space<hbm>>) target_semaphore(%run_scoped3A : memref<!tpu.dma_semaphore, #tpu.memory_space<semaphore_mem>>)
            %dma_wait3A = arith.constant 0 : i32
            %dma_wait3A_180 = tpu.memref_slice %arg5[%add3A_96, %dma_wait3A] : memref<8192x1024xf32, #tpu.memory_space<hbm>> -> memref<512x1024xf32, #tpu.memory_space<hbm>>
            %dma_wait3A_181 = arith.constant 0 : i32
            %dma_wait3A_182 = arith.constant 0 : i32
            %dma_wait3A_183 = tpu.memref_slice %arg7[%cond3A_15, %dma_wait3A_181, %dma_wait3A_182] : memref<3x512x1024xf32, #tpu.memory_space<vmem_shared>> -> memref<1x512x1024xf32, #tpu.memory_space<vmem_shared>>
            %dma_wait3A_184 = tpu.memref_squeeze %dma_wait3A_183 : memref<1x512x1024xf32, #tpu.memory_space<vmem_shared>> -> memref<512x1024xf32, #tpu.memory_space<vmem_shared>>
            tpu.wait_dma2 semaphore(%run_scoped3A : memref<!tpu.dma_semaphore, #tpu.memory_space<semaphore_mem>>) src(%dma_wait3A_184 : memref<512x1024xf32, #tpu.memory_space<vmem_shared>>) dst(%dma_wait3A_180 : memref<512x1024xf32, #tpu.memory_space<hbm>>)
            tpu.yield
          }) : () -> ()
        } else {
        }
        %ge3A_103 = arith.cmpi sge, %add3A_96, %squeeze3A : i32
        %convert_element_type3A_104 = arith.extui %ge3A_103 : i1 to i32
        %cond3A_105 = arith.constant 0 : i32
        %cond3A_106 = arith.cmpi ne, %convert_element_type3A_104, %cond3A_105 : i32
        scf.if %cond3A_106 {
          "tpu.region"() ({
            %run_scoped3A = tpu.sem_alloc : memref<!tpu.dma_semaphore, #tpu.memory_space<semaphore_mem>>
            %dma_start3A = arith.constant 0 : i32
            %dma_start3A_175 = arith.constant 0 : i32
            %dma_start3A_176 = tpu.memref_slice %arg7[%cond3A_15, %dma_start3A, %dma_start3A_175] : memref<3x512x1024xf32, #tpu.memory_space<vmem_shared>> -> memref<1x512x1024xf32, #tpu.memory_space<vmem_shared>>
            %dma_start3A_177 = tpu.memref_squeeze %dma_start3A_176 : memref<1x512x1024xf32, #tpu.memory_space<vmem_shared>> -> memref<512x1024xf32, #tpu.memory_space<vmem_shared>>
            tpu.enqueue_dma source(%arg4 : memref<512x1024xf32, #tpu.memory_space<hbm>>) target(%dma_start3A_177 : memref<512x1024xf32, #tpu.memory_space<vmem_shared>>) target_semaphore(%run_scoped3A : memref<!tpu.dma_semaphore, #tpu.memory_space<semaphore_mem>>)
            %dma_wait3A = arith.constant 0 : i32
            %dma_wait3A_178 = arith.constant 0 : i32
            %dma_wait3A_179 = tpu.memref_slice %arg7[%cond3A_15, %dma_wait3A, %dma_wait3A_178] : memref<3x512x1024xf32, #tpu.memory_space<vmem_shared>> -> memref<1x512x1024xf32, #tpu.memory_space<vmem_shared>>
            %dma_wait3A_180 = tpu.memref_squeeze %dma_wait3A_179 : memref<1x512x1024xf32, #tpu.memory_space<vmem_shared>> -> memref<512x1024xf32, #tpu.memory_space<vmem_shared>>
            tpu.wait_dma2 semaphore(%run_scoped3A : memref<!tpu.dma_semaphore, #tpu.memory_space<semaphore_mem>>) src(%arg4 : memref<512x1024xf32, #tpu.memory_space<hbm>>) dst(%dma_wait3A_180 : memref<512x1024xf32, #tpu.memory_space<vmem_shared>>)
            tpu.yield
          }) : () -> ()
          "tpu.region"() ({
            %run_scoped3A = tpu.sem_alloc : memref<!tpu.dma_semaphore, #tpu.memory_space<semaphore_mem>>
            %dma_start3A = arith.constant 0 : i32
            %dma_start3A_175 = tpu.memref_slice %arg5[%add3A_96, %dma_start3A] : memref<8192x1024xf32, #tpu.memory_space<hbm>> -> memref<512x1024xf32, #tpu.memory_space<hbm>>
            %dma_start3A_176 = arith.constant 0 : i32
            %dma_start3A_177 = arith.constant 0 : i32
            %dma_start3A_178 = tpu.memref_slice %arg7[%cond3A_15, %dma_start3A_176, %dma_start3A_177] : memref<3x512x1024xf32, #tpu.memory_space<vmem_shared>> -> memref<1x512x1024xf32, #tpu.memory_space<vmem_shared>>
            %dma_start3A_179 = tpu.memref_squeeze %dma_start3A_178 : memref<1x512x1024xf32, #tpu.memory_space<vmem_shared>> -> memref<512x1024xf32, #tpu.memory_space<vmem_shared>>
            tpu.enqueue_dma source(%dma_start3A_179 : memref<512x1024xf32, #tpu.memory_space<vmem_shared>>) target(%dma_start3A_175 : memref<512x1024xf32, #tpu.memory_space<hbm>>) target_semaphore(%run_scoped3A : memref<!tpu.dma_semaphore, #tpu.memory_space<semaphore_mem>>)
            %dma_wait3A = arith.constant 0 : i32
            %dma_wait3A_180 = tpu.memref_slice %arg5[%add3A_96, %dma_wait3A] : memref<8192x1024xf32, #tpu.memory_space<hbm>> -> memref<512x1024xf32, #tpu.memory_space<hbm>>
            %dma_wait3A_181 = arith.constant 0 : i32
            %dma_wait3A_182 = arith.constant 0 : i32
            %dma_wait3A_183 = tpu.memref_slice %arg7[%cond3A_15, %dma_wait3A_181, %dma_wait3A_182] : memref<3x512x1024xf32, #tpu.memory_space<vmem_shared>> -> memref<1x512x1024xf32, #tpu.memory_space<vmem_shared>>
            %dma_wait3A_184 = tpu.memref_squeeze %dma_wait3A_183 : memref<1x512x1024xf32, #tpu.memory_space<vmem_shared>> -> memref<512x1024xf32, #tpu.memory_space<vmem_shared>>
            tpu.wait_dma2 semaphore(%run_scoped3A : memref<!tpu.dma_semaphore, #tpu.memory_space<semaphore_mem>>) src(%dma_wait3A_184 : memref<512x1024xf32, #tpu.memory_space<vmem_shared>>) dst(%dma_wait3A_180 : memref<512x1024xf32, #tpu.memory_space<hbm>>)
            tpu.yield
          }) : () -> ()
        } else {
        }
        %lt3A_107 = arith.cmpi slt, %add3A_96, %squeeze3A : i32
        %add3A_108 = arith.constant 512 : i32
        %add3A_109 = arith.addi %add3A_96, %add3A_108 : i32
        %gt3A_110 = arith.cmpi sgt, %add3A_109, %squeeze3A : i32
        %and3A_111 = arith.andi %lt3A_107, %gt3A_110 : i1
        %convert_element_type3A_112 = arith.extui %and3A_111 : i1 to i32
        %cond3A_113 = arith.constant 0 : i32
        %cond3A_114 = arith.cmpi ne, %convert_element_type3A_112, %cond3A_113 : i32
        scf.if %cond3A_114 {
          "tpu.region"() ({
            %run_scoped3A = tpu.sem_alloc : memref<!tpu.dma_semaphore, #tpu.memory_space<semaphore_mem>>
            %dma_start3A = arith.constant 0 : i32
            %dma_start3A_180 = arith.constant 0 : i32
            %dma_start3A_181 = tpu.memref_slice %arg7[%cond3A_15, %dma_start3A, %dma_start3A_180] : memref<3x512x1024xf32, #tpu.memory_space<vmem_shared>> -> memref<1x512x1024xf32, #tpu.memory_space<vmem_shared>>
            %dma_start3A_182 = tpu.memref_squeeze %dma_start3A_181 : memref<1x512x1024xf32, #tpu.memory_space<vmem_shared>> -> memref<512x1024xf32, #tpu.memory_space<vmem_shared>>
            %dma_start3A_183 = arith.constant 0 : i32
            %dma_start3A_184 = tpu.memref_slice %arg3[%add3A_96, %dma_start3A_183] : memref<8192x1024xf32, #tpu.memory_space<hbm>> -> memref<512x1024xf32, #tpu.memory_space<hbm>>
            tpu.enqueue_dma source(%dma_start3A_184 : memref<512x1024xf32, #tpu.memory_space<hbm>>) target(%dma_start3A_182 : memref<512x1024xf32, #tpu.memory_space<vmem_shared>>) target_semaphore(%run_scoped3A : memref<!tpu.dma_semaphore, #tpu.memory_space<semaphore_mem>>)
            %dma_wait3A = arith.constant 0 : i32
            %dma_wait3A_185 = arith.constant 0 : i32
            %dma_wait3A_186 = tpu.memref_slice %arg7[%cond3A_15, %dma_wait3A, %dma_wait3A_185] : memref<3x512x1024xf32, #tpu.memory_space<vmem_shared>> -> memref<1x512x1024xf32, #tpu.memory_space<vmem_shared>>
            %dma_wait3A_187 = tpu.memref_squeeze %dma_wait3A_186 : memref<1x512x1024xf32, #tpu.memory_space<vmem_shared>> -> memref<512x1024xf32, #tpu.memory_space<vmem_shared>>
            %dma_wait3A_188 = arith.constant 0 : i32
            %dma_wait3A_189 = tpu.memref_slice %arg3[%add3A_96, %dma_wait3A_188] : memref<8192x1024xf32, #tpu.memory_space<hbm>> -> memref<512x1024xf32, #tpu.memory_space<hbm>>
            tpu.wait_dma2 semaphore(%run_scoped3A : memref<!tpu.dma_semaphore, #tpu.memory_space<semaphore_mem>>) src(%dma_wait3A_189 : memref<512x1024xf32, #tpu.memory_space<hbm>>) dst(%dma_wait3A_187 : memref<512x1024xf32, #tpu.memory_space<vmem_shared>>)
            tpu.yield
          }) : () -> ()
          %scan3A = arith.constant 0 : i32
          %scan3A_175 = arith.constant 0 : i32
          %scan3A_176 = arith.constant 512 : i32
          %scan3A_177 = arith.addi %scan3A_175, %scan3A_176 : i32
          %scan3A_178 = arith.constant 1 : i32
          scf.for %scan3A_180 = %scan3A_175 to %scan3A_177 step %scan3A_178  : i32 {
            %add3A_181 = arith.addi %add3A_96, %scan3A_180 : i32
            %ge3A_182 = arith.cmpi sge, %add3A_181, %squeeze3A : i32
            %convert_element_type3A_183 = arith.extui %ge3A_182 : i1 to i32
            %cond3A_184 = arith.constant 0 : i32
            %cond3A_185 = arith.cmpi ne, %convert_element_type3A_183, %cond3A_184 : i32
            scf.if %cond3A_185 {
              %run_scoped3A = arith.constant 0 : i32
              "tpu.region"() ({
                %run_scoped3A_186 = tpu.sem_alloc : memref<!tpu.dma_semaphore, #tpu.memory_space<semaphore_mem>>
                %dma_start3A = arith.constant 0 : i32
                %dma_start3A_187 = arith.constant 0 : i32
                %dma_start3A_188 = tpu.memref_slice %arg7[%cond3A_15, %dma_start3A, %dma_start3A_187] : memref<3x512x1024xf32, #tpu.memory_space<vmem_shared>> -> memref<1x512x1024xf32, #tpu.memory_space<vmem_shared>>
                %dma_start3A_189 = tpu.memref_squeeze %dma_start3A_188 : memref<1x512x1024xf32, #tpu.memory_space<vmem_shared>> -> memref<512x1024xf32, #tpu.memory_space<vmem_shared>>
                %dma_start3A_190 = arith.constant 0 : i32
                %dma_start3A_191 = tpu.memref_slice %dma_start3A_189[%scan3A_180, %dma_start3A_190] : memref<512x1024xf32, #tpu.memory_space<vmem_shared>> -> memref<1x1024xf32, #tpu.memory_space<vmem_shared>>
                %dma_start3A_192 = tpu.memref_squeeze %dma_start3A_191 : memref<1x1024xf32, #tpu.memory_space<vmem_shared>> -> memref<1024xf32, #tpu.memory_space<vmem_shared>>
                %dma_start3A_193 = arith.constant 0 : i32
                %dma_start3A_194 = tpu.memref_slice %arg4[%run_scoped3A, %dma_start3A_193] : memref<512x1024xf32, #tpu.memory_space<hbm>> -> memref<1x1024xf32, #tpu.memory_space<hbm>>
                %dma_start3A_195 = tpu.memref_squeeze %dma_start3A_194 : memref<1x1024xf32, #tpu.memory_space<hbm>> -> memref<1024xf32, #tpu.memory_space<hbm>>
                tpu.enqueue_dma source(%dma_start3A_195 : memref<1024xf32, #tpu.memory_space<hbm>>) target(%dma_start3A_192 : memref<1024xf32, #tpu.memory_space<vmem_shared>>) target_semaphore(%run_scoped3A_186 : memref<!tpu.dma_semaphore, #tpu.memory_space<semaphore_mem>>)
                %dma_wait3A = arith.constant 0 : i32
                %dma_wait3A_196 = arith.constant 0 : i32
                %dma_wait3A_197 = tpu.memref_slice %arg7[%cond3A_15, %dma_wait3A, %dma_wait3A_196] : memref<3x512x1024xf32, #tpu.memory_space<vmem_shared>> -> memref<1x512x1024xf32, #tpu.memory_space<vmem_shared>>
                %dma_wait3A_198 = tpu.memref_squeeze %dma_wait3A_197 : memref<1x512x1024xf32, #tpu.memory_space<vmem_shared>> -> memref<512x1024xf32, #tpu.memory_space<vmem_shared>>
                %dma_wait3A_199 = arith.constant 0 : i32
                %dma_wait3A_200 = tpu.memref_slice %dma_wait3A_198[%scan3A_180, %dma_wait3A_199] : memref<512x1024xf32, #tpu.memory_space<vmem_shared>> -> memref<1x1024xf32, #tpu.memory_space<vmem_shared>>
                %dma_wait3A_201 = tpu.memref_squeeze %dma_wait3A_200 : memref<1x1024xf32, #tpu.memory_space<vmem_shared>> -> memref<1024xf32, #tpu.memory_space<vmem_shared>>
                %dma_wait3A_202 = arith.constant 0 : i32
                %dma_wait3A_203 = tpu.memref_slice %arg4[%run_scoped3A, %dma_wait3A_202] : memref<512x1024xf32, #tpu.memory_space<hbm>> -> memref<1x1024xf32, #tpu.memory_space<hbm>>
                %dma_wait3A_204 = tpu.memref_squeeze %dma_wait3A_203 : memref<1x1024xf32, #tpu.memory_space<hbm>> -> memref<1024xf32, #tpu.memory_space<hbm>>
                tpu.wait_dma2 semaphore(%run_scoped3A_186 : memref<!tpu.dma_semaphore, #tpu.memory_space<semaphore_mem>>) src(%dma_wait3A_204 : memref<1024xf32, #tpu.memory_space<hbm>>) dst(%dma_wait3A_201 : memref<1024xf32, #tpu.memory_space<vmem_shared>>)
                tpu.yield
              }) : () -> ()
            } else {
            }
          }
          %scan3A_179 = arith.constant 512 : i32
          "tpu.region"() ({
            %run_scoped3A = tpu.sem_alloc : memref<!tpu.dma_semaphore, #tpu.memory_space<semaphore_mem>>
            %dma_start3A = arith.constant 0 : i32
            %dma_start3A_180 = tpu.memref_slice %arg5[%add3A_96, %dma_start3A] : memref<8192x1024xf32, #tpu.memory_space<hbm>> -> memref<512x1024xf32, #tpu.memory_space<hbm>>
            %dma_start3A_181 = arith.constant 0 : i32
            %dma_start3A_182 = arith.constant 0 : i32
            %dma_start3A_183 = tpu.memref_slice %arg7[%cond3A_15, %dma_start3A_181, %dma_start3A_182] : memref<3x512x1024xf32, #tpu.memory_space<vmem_shared>> -> memref<1x512x1024xf32, #tpu.memory_space<vmem_shared>>
            %dma_start3A_184 = tpu.memref_squeeze %dma_start3A_183 : memref<1x512x1024xf32, #tpu.memory_space<vmem_shared>> -> memref<512x1024xf32, #tpu.memory_space<vmem_shared>>
            tpu.enqueue_dma source(%dma_start3A_184 : memref<512x1024xf32, #tpu.memory_space<vmem_shared>>) target(%dma_start3A_180 : memref<512x1024xf32, #tpu.memory_space<hbm>>) target_semaphore(%run_scoped3A : memref<!tpu.dma_semaphore, #tpu.memory_space<semaphore_mem>>)
            %dma_wait3A = arith.constant 0 : i32
            %dma_wait3A_185 = tpu.memref_slice %arg5[%add3A_96, %dma_wait3A] : memref<8192x1024xf32, #tpu.memory_space<hbm>> -> memref<512x1024xf32, #tpu.memory_space<hbm>>
            %dma_wait3A_186 = arith.constant 0 : i32
            %dma_wait3A_187 = arith.constant 0 : i32
            %dma_wait3A_188 = tpu.memref_slice %arg7[%cond3A_15, %dma_wait3A_186, %dma_wait3A_187] : memref<3x512x1024xf32, #tpu.memory_space<vmem_shared>> -> memref<1x512x1024xf32, #tpu.memory_space<vmem_shared>>
            %dma_wait3A_189 = tpu.memref_squeeze %dma_wait3A_188 : memref<1x512x1024xf32, #tpu.memory_space<vmem_shared>> -> memref<512x1024xf32, #tpu.memory_space<vmem_shared>>
            tpu.wait_dma2 semaphore(%run_scoped3A : memref<!tpu.dma_semaphore, #tpu.memory_space<semaphore_mem>>) src(%dma_wait3A_189 : memref<512x1024xf32, #tpu.memory_space<vmem_shared>>) dst(%dma_wait3A_185 : memref<512x1024xf32, #tpu.memory_space<hbm>>)
            tpu.yield
          }) : () -> ()
        } else {
        }
        %add3A_115 = arith.constant 2560 : i32
        %add3A_116 = arith.addi %mul3A_0, %add3A_115 : i32
        %add3A_117 = arith.constant 512 : i32
        %add3A_118 = arith.addi %add3A_116, %add3A_117 : i32
        %le3A_119 = arith.cmpi sle, %add3A_118, %squeeze3A : i32
        %convert_element_type3A_120 = arith.extui %le3A_119 : i1 to i32
        %cond3A_121 = arith.constant 0 : i32
        %cond3A_122 = arith.cmpi ne, %convert_element_type3A_120, %cond3A_121 : i32
        scf.if %cond3A_122 {
          "tpu.region"() ({
            %run_scoped3A = tpu.sem_alloc : memref<!tpu.dma_semaphore, #tpu.memory_space<semaphore_mem>>
            %dma_start3A = arith.constant 0 : i32
            %dma_start3A_175 = arith.constant 0 : i32
            %dma_start3A_176 = tpu.memref_slice %arg7[%cond3A_15, %dma_start3A, %dma_start3A_175] : memref<3x512x1024xf32, #tpu.memory_space<vmem_shared>> -> memref<1x512x1024xf32, #tpu.memory_space<vmem_shared>>
            %dma_start3A_177 = tpu.memref_squeeze %dma_start3A_176 : memref<1x512x1024xf32, #tpu.memory_space<vmem_shared>> -> memref<512x1024xf32, #tpu.memory_space<vmem_shared>>
            %dma_start3A_178 = arith.constant 0 : i32
            %dma_start3A_179 = tpu.memref_slice %arg3[%add3A_116, %dma_start3A_178] : memref<8192x1024xf32, #tpu.memory_space<hbm>> -> memref<512x1024xf32, #tpu.memory_space<hbm>>
            tpu.enqueue_dma source(%dma_start3A_179 : memref<512x1024xf32, #tpu.memory_space<hbm>>) target(%dma_start3A_177 : memref<512x1024xf32, #tpu.memory_space<vmem_shared>>) target_semaphore(%run_scoped3A : memref<!tpu.dma_semaphore, #tpu.memory_space<semaphore_mem>>)
            %dma_wait3A = arith.constant 0 : i32
            %dma_wait3A_180 = arith.constant 0 : i32
            %dma_wait3A_181 = tpu.memref_slice %arg7[%cond3A_15, %dma_wait3A, %dma_wait3A_180] : memref<3x512x1024xf32, #tpu.memory_space<vmem_shared>> -> memref<1x512x1024xf32, #tpu.memory_space<vmem_shared>>
            %dma_wait3A_182 = tpu.memref_squeeze %dma_wait3A_181 : memref<1x512x1024xf32, #tpu.memory_space<vmem_shared>> -> memref<512x1024xf32, #tpu.memory_space<vmem_shared>>
            %dma_wait3A_183 = arith.constant 0 : i32
            %dma_wait3A_184 = tpu.memref_slice %arg3[%add3A_116, %dma_wait3A_183] : memref<8192x1024xf32, #tpu.memory_space<hbm>> -> memref<512x1024xf32, #tpu.memory_space<hbm>>
            tpu.wait_dma2 semaphore(%run_scoped3A : memref<!tpu.dma_semaphore, #tpu.memory_space<semaphore_mem>>) src(%dma_wait3A_184 : memref<512x1024xf32, #tpu.memory_space<hbm>>) dst(%dma_wait3A_182 : memref<512x1024xf32, #tpu.memory_space<vmem_shared>>)
            tpu.yield
          }) : () -> ()
          "tpu.region"() ({
            %run_scoped3A = tpu.sem_alloc : memref<!tpu.dma_semaphore, #tpu.memory_space<semaphore_mem>>
            %dma_start3A = arith.constant 0 : i32
            %dma_start3A_175 = tpu.memref_slice %arg5[%add3A_116, %dma_start3A] : memref<8192x1024xf32, #tpu.memory_space<hbm>> -> memref<512x1024xf32, #tpu.memory_space<hbm>>
            %dma_start3A_176 = arith.constant 0 : i32
            %dma_start3A_177 = arith.constant 0 : i32
            %dma_start3A_178 = tpu.memref_slice %arg7[%cond3A_15, %dma_start3A_176, %dma_start3A_177] : memref<3x512x1024xf32, #tpu.memory_space<vmem_shared>> -> memref<1x512x1024xf32, #tpu.memory_space<vmem_shared>>
            %dma_start3A_179 = tpu.memref_squeeze %dma_start3A_178 : memref<1x512x1024xf32, #tpu.memory_space<vmem_shared>> -> memref<512x1024xf32, #tpu.memory_space<vmem_shared>>
            tpu.enqueue_dma source(%dma_start3A_179 : memref<512x1024xf32, #tpu.memory_space<vmem_shared>>) target(%dma_start3A_175 : memref<512x1024xf32, #tpu.memory_space<hbm>>) target_semaphore(%run_scoped3A : memref<!tpu.dma_semaphore, #tpu.memory_space<semaphore_mem>>)
            %dma_wait3A = arith.constant 0 : i32
            %dma_wait3A_180 = tpu.memref_slice %arg5[%add3A_116, %dma_wait3A] : memref<8192x1024xf32, #tpu.memory_space<hbm>> -> memref<512x1024xf32, #tpu.memory_space<hbm>>
            %dma_wait3A_181 = arith.constant 0 : i32
            %dma_wait3A_182 = arith.constant 0 : i32
            %dma_wait3A_183 = tpu.memref_slice %arg7[%cond3A_15, %dma_wait3A_181, %dma_wait3A_182] : memref<3x512x1024xf32, #tpu.memory_space<vmem_shared>> -> memref<1x512x1024xf32, #tpu.memory_space<vmem_shared>>
            %dma_wait3A_184 = tpu.memref_squeeze %dma_wait3A_183 : memref<1x512x1024xf32, #tpu.memory_space<vmem_shared>> -> memref<512x1024xf32, #tpu.memory_space<vmem_shared>>
            tpu.wait_dma2 semaphore(%run_scoped3A : memref<!tpu.dma_semaphore, #tpu.memory_space<semaphore_mem>>) src(%dma_wait3A_184 : memref<512x1024xf32, #tpu.memory_space<vmem_shared>>) dst(%dma_wait3A_180 : memref<512x1024xf32, #tpu.memory_space<hbm>>)
            tpu.yield
          }) : () -> ()
        } else {
        }
        %ge3A_123 = arith.cmpi sge, %add3A_116, %squeeze3A : i32
        %convert_element_type3A_124 = arith.extui %ge3A_123 : i1 to i32
        %cond3A_125 = arith.constant 0 : i32
        %cond3A_126 = arith.cmpi ne, %convert_element_type3A_124, %cond3A_125 : i32
        scf.if %cond3A_126 {
          "tpu.region"() ({
            %run_scoped3A = tpu.sem_alloc : memref<!tpu.dma_semaphore, #tpu.memory_space<semaphore_mem>>
            %dma_start3A = arith.constant 0 : i32
            %dma_start3A_175 = arith.constant 0 : i32
            %dma_start3A_176 = tpu.memref_slice %arg7[%cond3A_15, %dma_start3A, %dma_start3A_175] : memref<3x512x1024xf32, #tpu.memory_space<vmem_shared>> -> memref<1x512x1024xf32, #tpu.memory_space<vmem_shared>>
            %dma_start3A_177 = tpu.memref_squeeze %dma_start3A_176 : memref<1x512x1024xf32, #tpu.memory_space<vmem_shared>> -> memref<512x1024xf32, #tpu.memory_space<vmem_shared>>
            tpu.enqueue_dma source(%arg4 : memref<512x1024xf32, #tpu.memory_space<hbm>>) target(%dma_start3A_177 : memref<512x1024xf32, #tpu.memory_space<vmem_shared>>) target_semaphore(%run_scoped3A : memref<!tpu.dma_semaphore, #tpu.memory_space<semaphore_mem>>)
            %dma_wait3A = arith.constant 0 : i32
            %dma_wait3A_178 = arith.constant 0 : i32
            %dma_wait3A_179 = tpu.memref_slice %arg7[%cond3A_15, %dma_wait3A, %dma_wait3A_178] : memref<3x512x1024xf32, #tpu.memory_space<vmem_shared>> -> memref<1x512x1024xf32, #tpu.memory_space<vmem_shared>>
            %dma_wait3A_180 = tpu.memref_squeeze %dma_wait3A_179 : memref<1x512x1024xf32, #tpu.memory_space<vmem_shared>> -> memref<512x1024xf32, #tpu.memory_space<vmem_shared>>
            tpu.wait_dma2 semaphore(%run_scoped3A : memref<!tpu.dma_semaphore, #tpu.memory_space<semaphore_mem>>) src(%arg4 : memref<512x1024xf32, #tpu.memory_space<hbm>>) dst(%dma_wait3A_180 : memref<512x1024xf32, #tpu.memory_space<vmem_shared>>)
            tpu.yield
          }) : () -> ()
          "tpu.region"() ({
            %run_scoped3A = tpu.sem_alloc : memref<!tpu.dma_semaphore, #tpu.memory_space<semaphore_mem>>
            %dma_start3A = arith.constant 0 : i32
            %dma_start3A_175 = tpu.memref_slice %arg5[%add3A_116, %dma_start3A] : memref<8192x1024xf32, #tpu.memory_space<hbm>> -> memref<512x1024xf32, #tpu.memory_space<hbm>>
            %dma_start3A_176 = arith.constant 0 : i32
            %dma_start3A_177 = arith.constant 0 : i32
            %dma_start3A_178 = tpu.memref_slice %arg7[%cond3A_15, %dma_start3A_176, %dma_start3A_177] : memref<3x512x1024xf32, #tpu.memory_space<vmem_shared>> -> memref<1x512x1024xf32, #tpu.memory_space<vmem_shared>>
            %dma_start3A_179 = tpu.memref_squeeze %dma_start3A_178 : memref<1x512x1024xf32, #tpu.memory_space<vmem_shared>> -> memref<512x1024xf32, #tpu.memory_space<vmem_shared>>
            tpu.enqueue_dma source(%dma_start3A_179 : memref<512x1024xf32, #tpu.memory_space<vmem_shared>>) target(%dma_start3A_175 : memref<512x1024xf32, #tpu.memory_space<hbm>>) target_semaphore(%run_scoped3A : memref<!tpu.dma_semaphore, #tpu.memory_space<semaphore_mem>>)
            %dma_wait3A = arith.constant 0 : i32
            %dma_wait3A_180 = tpu.memref_slice %arg5[%add3A_116, %dma_wait3A] : memref<8192x1024xf32, #tpu.memory_space<hbm>> -> memref<512x1024xf32, #tpu.memory_space<hbm>>
            %dma_wait3A_181 = arith.constant 0 : i32
            %dma_wait3A_182 = arith.constant 0 : i32
            %dma_wait3A_183 = tpu.memref_slice %arg7[%cond3A_15, %dma_wait3A_181, %dma_wait3A_182] : memref<3x512x1024xf32, #tpu.memory_space<vmem_shared>> -> memref<1x512x1024xf32, #tpu.memory_space<vmem_shared>>
            %dma_wait3A_184 = tpu.memref_squeeze %dma_wait3A_183 : memref<1x512x1024xf32, #tpu.memory_space<vmem_shared>> -> memref<512x1024xf32, #tpu.memory_space<vmem_shared>>
            tpu.wait_dma2 semaphore(%run_scoped3A : memref<!tpu.dma_semaphore, #tpu.memory_space<semaphore_mem>>) src(%dma_wait3A_184 : memref<512x1024xf32, #tpu.memory_space<vmem_shared>>) dst(%dma_wait3A_180 : memref<512x1024xf32, #tpu.memory_space<hbm>>)
            tpu.yield
          }) : () -> ()
        } else {
        }
        %lt3A_127 = arith.cmpi slt, %add3A_116, %squeeze3A : i32
        %add3A_128 = arith.constant 512 : i32
        %add3A_129 = arith.addi %add3A_116, %add3A_128 : i32
        %gt3A_130 = arith.cmpi sgt, %add3A_129, %squeeze3A : i32
        %and3A_131 = arith.andi %lt3A_127, %gt3A_130 : i1
        %convert_element_type3A_132 = arith.extui %and3A_131 : i1 to i32
        %cond3A_133 = arith.constant 0 : i32
        %cond3A_134 = arith.cmpi ne, %convert_element_type3A_132, %cond3A_133 : i32
        scf.if %cond3A_134 {
          "tpu.region"() ({
            %run_scoped3A = tpu.sem_alloc : memref<!tpu.dma_semaphore, #tpu.memory_space<semaphore_mem>>
            %dma_start3A = arith.constant 0 : i32
            %dma_start3A_180 = arith.constant 0 : i32
            %dma_start3A_181 = tpu.memref_slice %arg7[%cond3A_15, %dma_start3A, %dma_start3A_180] : memref<3x512x1024xf32, #tpu.memory_space<vmem_shared>> -> memref<1x512x1024xf32, #tpu.memory_space<vmem_shared>>
            %dma_start3A_182 = tpu.memref_squeeze %dma_start3A_181 : memref<1x512x1024xf32, #tpu.memory_space<vmem_shared>> -> memref<512x1024xf32, #tpu.memory_space<vmem_shared>>
            %dma_start3A_183 = arith.constant 0 : i32
            %dma_start3A_184 = tpu.memref_slice %arg3[%add3A_116, %dma_start3A_183] : memref<8192x1024xf32, #tpu.memory_space<hbm>> -> memref<512x1024xf32, #tpu.memory_space<hbm>>
            tpu.enqueue_dma source(%dma_start3A_184 : memref<512x1024xf32, #tpu.memory_space<hbm>>) target(%dma_start3A_182 : memref<512x1024xf32, #tpu.memory_space<vmem_shared>>) target_semaphore(%run_scoped3A : memref<!tpu.dma_semaphore, #tpu.memory_space<semaphore_mem>>)
            %dma_wait3A = arith.constant 0 : i32
            %dma_wait3A_185 = arith.constant 0 : i32
            %dma_wait3A_186 = tpu.memref_slice %arg7[%cond3A_15, %dma_wait3A, %dma_wait3A_185] : memref<3x512x1024xf32, #tpu.memory_space<vmem_shared>> -> memref<1x512x1024xf32, #tpu.memory_space<vmem_shared>>
            %dma_wait3A_187 = tpu.memref_squeeze %dma_wait3A_186 : memref<1x512x1024xf32, #tpu.memory_space<vmem_shared>> -> memref<512x1024xf32, #tpu.memory_space<vmem_shared>>
            %dma_wait3A_188 = arith.constant 0 : i32
            %dma_wait3A_189 = tpu.memref_slice %arg3[%add3A_116, %dma_wait3A_188] : memref<8192x1024xf32, #tpu.memory_space<hbm>> -> memref<512x1024xf32, #tpu.memory_space<hbm>>
            tpu.wait_dma2 semaphore(%run_scoped3A : memref<!tpu.dma_semaphore, #tpu.memory_space<semaphore_mem>>) src(%dma_wait3A_189 : memref<512x1024xf32, #tpu.memory_space<hbm>>) dst(%dma_wait3A_187 : memref<512x1024xf32, #tpu.memory_space<vmem_shared>>)
            tpu.yield
          }) : () -> ()
          %scan3A = arith.constant 0 : i32
          %scan3A_175 = arith.constant 0 : i32
          %scan3A_176 = arith.constant 512 : i32
          %scan3A_177 = arith.addi %scan3A_175, %scan3A_176 : i32
          %scan3A_178 = arith.constant 1 : i32
          scf.for %scan3A_180 = %scan3A_175 to %scan3A_177 step %scan3A_178  : i32 {
            %add3A_181 = arith.addi %add3A_116, %scan3A_180 : i32
            %ge3A_182 = arith.cmpi sge, %add3A_181, %squeeze3A : i32
            %convert_element_type3A_183 = arith.extui %ge3A_182 : i1 to i32
            %cond3A_184 = arith.constant 0 : i32
            %cond3A_185 = arith.cmpi ne, %convert_element_type3A_183, %cond3A_184 : i32
            scf.if %cond3A_185 {
              %run_scoped3A = arith.constant 0 : i32
              "tpu.region"() ({
                %run_scoped3A_186 = tpu.sem_alloc : memref<!tpu.dma_semaphore, #tpu.memory_space<semaphore_mem>>
                %dma_start3A = arith.constant 0 : i32
                %dma_start3A_187 = arith.constant 0 : i32
                %dma_start3A_188 = tpu.memref_slice %arg7[%cond3A_15, %dma_start3A, %dma_start3A_187] : memref<3x512x1024xf32, #tpu.memory_space<vmem_shared>> -> memref<1x512x1024xf32, #tpu.memory_space<vmem_shared>>
                %dma_start3A_189 = tpu.memref_squeeze %dma_start3A_188 : memref<1x512x1024xf32, #tpu.memory_space<vmem_shared>> -> memref<512x1024xf32, #tpu.memory_space<vmem_shared>>
                %dma_start3A_190 = arith.constant 0 : i32
                %dma_start3A_191 = tpu.memref_slice %dma_start3A_189[%scan3A_180, %dma_start3A_190] : memref<512x1024xf32, #tpu.memory_space<vmem_shared>> -> memref<1x1024xf32, #tpu.memory_space<vmem_shared>>
                %dma_start3A_192 = tpu.memref_squeeze %dma_start3A_191 : memref<1x1024xf32, #tpu.memory_space<vmem_shared>> -> memref<1024xf32, #tpu.memory_space<vmem_shared>>
                %dma_start3A_193 = arith.constant 0 : i32
                %dma_start3A_194 = tpu.memref_slice %arg4[%run_scoped3A, %dma_start3A_193] : memref<512x1024xf32, #tpu.memory_space<hbm>> -> memref<1x1024xf32, #tpu.memory_space<hbm>>
                %dma_start3A_195 = tpu.memref_squeeze %dma_start3A_194 : memref<1x1024xf32, #tpu.memory_space<hbm>> -> memref<1024xf32, #tpu.memory_space<hbm>>
                tpu.enqueue_dma source(%dma_start3A_195 : memref<1024xf32, #tpu.memory_space<hbm>>) target(%dma_start3A_192 : memref<1024xf32, #tpu.memory_space<vmem_shared>>) target_semaphore(%run_scoped3A_186 : memref<!tpu.dma_semaphore, #tpu.memory_space<semaphore_mem>>)
                %dma_wait3A = arith.constant 0 : i32
                %dma_wait3A_196 = arith.constant 0 : i32
                %dma_wait3A_197 = tpu.memref_slice %arg7[%cond3A_15, %dma_wait3A, %dma_wait3A_196] : memref<3x512x1024xf32, #tpu.memory_space<vmem_shared>> -> memref<1x512x1024xf32, #tpu.memory_space<vmem_shared>>
                %dma_wait3A_198 = tpu.memref_squeeze %dma_wait3A_197 : memref<1x512x1024xf32, #tpu.memory_space<vmem_shared>> -> memref<512x1024xf32, #tpu.memory_space<vmem_shared>>
                %dma_wait3A_199 = arith.constant 0 : i32
                %dma_wait3A_200 = tpu.memref_slice %dma_wait3A_198[%scan3A_180, %dma_wait3A_199] : memref<512x1024xf32, #tpu.memory_space<vmem_shared>> -> memref<1x1024xf32, #tpu.memory_space<vmem_shared>>
                %dma_wait3A_201 = tpu.memref_squeeze %dma_wait3A_200 : memref<1x1024xf32, #tpu.memory_space<vmem_shared>> -> memref<1024xf32, #tpu.memory_space<vmem_shared>>
                %dma_wait3A_202 = arith.constant 0 : i32
                %dma_wait3A_203 = tpu.memref_slice %arg4[%run_scoped3A, %dma_wait3A_202] : memref<512x1024xf32, #tpu.memory_space<hbm>> -> memref<1x1024xf32, #tpu.memory_space<hbm>>
                %dma_wait3A_204 = tpu.memref_squeeze %dma_wait3A_203 : memref<1x1024xf32, #tpu.memory_space<hbm>> -> memref<1024xf32, #tpu.memory_space<hbm>>
                tpu.wait_dma2 semaphore(%run_scoped3A_186 : memref<!tpu.dma_semaphore, #tpu.memory_space<semaphore_mem>>) src(%dma_wait3A_204 : memref<1024xf32, #tpu.memory_space<hbm>>) dst(%dma_wait3A_201 : memref<1024xf32, #tpu.memory_space<vmem_shared>>)
                tpu.yield
              }) : () -> ()
            } else {
            }
          }
          %scan3A_179 = arith.constant 512 : i32
          "tpu.region"() ({
            %run_scoped3A = tpu.sem_alloc : memref<!tpu.dma_semaphore, #tpu.memory_space<semaphore_mem>>
            %dma_start3A = arith.constant 0 : i32
            %dma_start3A_180 = tpu.memref_slice %arg5[%add3A_116, %dma_start3A] : memref<8192x1024xf32, #tpu.memory_space<hbm>> -> memref<512x1024xf32, #tpu.memory_space<hbm>>
            %dma_start3A_181 = arith.constant 0 : i32
            %dma_start3A_182 = arith.constant 0 : i32
            %dma_start3A_183 = tpu.memref_slice %arg7[%cond3A_15, %dma_start3A_181, %dma_start3A_182] : memref<3x512x1024xf32, #tpu.memory_space<vmem_shared>> -> memref<1x512x1024xf32, #tpu.memory_space<vmem_shared>>
            %dma_start3A_184 = tpu.memref_squeeze %dma_start3A_183 : memref<1x512x1024xf32, #tpu.memory_space<vmem_shared>> -> memref<512x1024xf32, #tpu.memory_space<vmem_shared>>
            tpu.enqueue_dma source(%dma_start3A_184 : memref<512x1024xf32, #tpu.memory_space<vmem_shared>>) target(%dma_start3A_180 : memref<512x1024xf32, #tpu.memory_space<hbm>>) target_semaphore(%run_scoped3A : memref<!tpu.dma_semaphore, #tpu.memory_space<semaphore_mem>>)
            %dma_wait3A = arith.constant 0 : i32
            %dma_wait3A_185 = tpu.memref_slice %arg5[%add3A_116, %dma_wait3A] : memref<8192x1024xf32, #tpu.memory_space<hbm>> -> memref<512x1024xf32, #tpu.memory_space<hbm>>
            %dma_wait3A_186 = arith.constant 0 : i32
            %dma_wait3A_187 = arith.constant 0 : i32
            %dma_wait3A_188 = tpu.memref_slice %arg7[%cond3A_15, %dma_wait3A_186, %dma_wait3A_187] : memref<3x512x1024xf32, #tpu.memory_space<vmem_shared>> -> memref<1x512x1024xf32, #tpu.memory_space<vmem_shared>>
            %dma_wait3A_189 = tpu.memref_squeeze %dma_wait3A_188 : memref<1x512x1024xf32, #tpu.memory_space<vmem_shared>> -> memref<512x1024xf32, #tpu.memory_space<vmem_shared>>
            tpu.wait_dma2 semaphore(%run_scoped3A : memref<!tpu.dma_semaphore, #tpu.memory_space<semaphore_mem>>) src(%dma_wait3A_189 : memref<512x1024xf32, #tpu.memory_space<vmem_shared>>) dst(%dma_wait3A_185 : memref<512x1024xf32, #tpu.memory_space<hbm>>)
            tpu.yield
          }) : () -> ()
        } else {
        }
        %add3A_135 = arith.constant 3072 : i32
        %add3A_136 = arith.addi %mul3A_0, %add3A_135 : i32
        %add3A_137 = arith.constant 512 : i32
        %add3A_138 = arith.addi %add3A_136, %add3A_137 : i32
        %le3A_139 = arith.cmpi sle, %add3A_138, %squeeze3A : i32
        %convert_element_type3A_140 = arith.extui %le3A_139 : i1 to i32
        %cond3A_141 = arith.constant 0 : i32
        %cond3A_142 = arith.cmpi ne, %convert_element_type3A_140, %cond3A_141 : i32
        scf.if %cond3A_142 {
          "tpu.region"() ({
            %run_scoped3A = tpu.sem_alloc : memref<!tpu.dma_semaphore, #tpu.memory_space<semaphore_mem>>
            %dma_start3A = arith.constant 0 : i32
            %dma_start3A_175 = arith.constant 0 : i32
            %dma_start3A_176 = tpu.memref_slice %arg7[%cond3A_15, %dma_start3A, %dma_start3A_175] : memref<3x512x1024xf32, #tpu.memory_space<vmem_shared>> -> memref<1x512x1024xf32, #tpu.memory_space<vmem_shared>>
            %dma_start3A_177 = tpu.memref_squeeze %dma_start3A_176 : memref<1x512x1024xf32, #tpu.memory_space<vmem_shared>> -> memref<512x1024xf32, #tpu.memory_space<vmem_shared>>
            %dma_start3A_178 = arith.constant 0 : i32
            %dma_start3A_179 = tpu.memref_slice %arg3[%add3A_136, %dma_start3A_178] : memref<8192x1024xf32, #tpu.memory_space<hbm>> -> memref<512x1024xf32, #tpu.memory_space<hbm>>
            tpu.enqueue_dma source(%dma_start3A_179 : memref<512x1024xf32, #tpu.memory_space<hbm>>) target(%dma_start3A_177 : memref<512x1024xf32, #tpu.memory_space<vmem_shared>>) target_semaphore(%run_scoped3A : memref<!tpu.dma_semaphore, #tpu.memory_space<semaphore_mem>>)
            %dma_wait3A = arith.constant 0 : i32
            %dma_wait3A_180 = arith.constant 0 : i32
            %dma_wait3A_181 = tpu.memref_slice %arg7[%cond3A_15, %dma_wait3A, %dma_wait3A_180] : memref<3x512x1024xf32, #tpu.memory_space<vmem_shared>> -> memref<1x512x1024xf32, #tpu.memory_space<vmem_shared>>
            %dma_wait3A_182 = tpu.memref_squeeze %dma_wait3A_181 : memref<1x512x1024xf32, #tpu.memory_space<vmem_shared>> -> memref<512x1024xf32, #tpu.memory_space<vmem_shared>>
            %dma_wait3A_183 = arith.constant 0 : i32
            %dma_wait3A_184 = tpu.memref_slice %arg3[%add3A_136, %dma_wait3A_183] : memref<8192x1024xf32, #tpu.memory_space<hbm>> -> memref<512x1024xf32, #tpu.memory_space<hbm>>
            tpu.wait_dma2 semaphore(%run_scoped3A : memref<!tpu.dma_semaphore, #tpu.memory_space<semaphore_mem>>) src(%dma_wait3A_184 : memref<512x1024xf32, #tpu.memory_space<hbm>>) dst(%dma_wait3A_182 : memref<512x1024xf32, #tpu.memory_space<vmem_shared>>)
            tpu.yield
          }) : () -> ()
          "tpu.region"() ({
            %run_scoped3A = tpu.sem_alloc : memref<!tpu.dma_semaphore, #tpu.memory_space<semaphore_mem>>
            %dma_start3A = arith.constant 0 : i32
            %dma_start3A_175 = tpu.memref_slice %arg5[%add3A_136, %dma_start3A] : memref<8192x1024xf32, #tpu.memory_space<hbm>> -> memref<512x1024xf32, #tpu.memory_space<hbm>>
            %dma_start3A_176 = arith.constant 0 : i32
            %dma_start3A_177 = arith.constant 0 : i32
            %dma_start3A_178 = tpu.memref_slice %arg7[%cond3A_15, %dma_start3A_176, %dma_start3A_177] : memref<3x512x1024xf32, #tpu.memory_space<vmem_shared>> -> memref<1x512x1024xf32, #tpu.memory_space<vmem_shared>>
            %dma_start3A_179 = tpu.memref_squeeze %dma_start3A_178 : memref<1x512x1024xf32, #tpu.memory_space<vmem_shared>> -> memref<512x1024xf32, #tpu.memory_space<vmem_shared>>
            tpu.enqueue_dma source(%dma_start3A_179 : memref<512x1024xf32, #tpu.memory_space<vmem_shared>>) target(%dma_start3A_175 : memref<512x1024xf32, #tpu.memory_space<hbm>>) target_semaphore(%run_scoped3A : memref<!tpu.dma_semaphore, #tpu.memory_space<semaphore_mem>>)
            %dma_wait3A = arith.constant 0 : i32
            %dma_wait3A_180 = tpu.memref_slice %arg5[%add3A_136, %dma_wait3A] : memref<8192x1024xf32, #tpu.memory_space<hbm>> -> memref<512x1024xf32, #tpu.memory_space<hbm>>
            %dma_wait3A_181 = arith.constant 0 : i32
            %dma_wait3A_182 = arith.constant 0 : i32
            %dma_wait3A_183 = tpu.memref_slice %arg7[%cond3A_15, %dma_wait3A_181, %dma_wait3A_182] : memref<3x512x1024xf32, #tpu.memory_space<vmem_shared>> -> memref<1x512x1024xf32, #tpu.memory_space<vmem_shared>>
            %dma_wait3A_184 = tpu.memref_squeeze %dma_wait3A_183 : memref<1x512x1024xf32, #tpu.memory_space<vmem_shared>> -> memref<512x1024xf32, #tpu.memory_space<vmem_shared>>
            tpu.wait_dma2 semaphore(%run_scoped3A : memref<!tpu.dma_semaphore, #tpu.memory_space<semaphore_mem>>) src(%dma_wait3A_184 : memref<512x1024xf32, #tpu.memory_space<vmem_shared>>) dst(%dma_wait3A_180 : memref<512x1024xf32, #tpu.memory_space<hbm>>)
            tpu.yield
          }) : () -> ()
        } else {
        }
        %ge3A_143 = arith.cmpi sge, %add3A_136, %squeeze3A : i32
        %convert_element_type3A_144 = arith.extui %ge3A_143 : i1 to i32
        %cond3A_145 = arith.constant 0 : i32
        %cond3A_146 = arith.cmpi ne, %convert_element_type3A_144, %cond3A_145 : i32
        scf.if %cond3A_146 {
          "tpu.region"() ({
            %run_scoped3A = tpu.sem_alloc : memref<!tpu.dma_semaphore, #tpu.memory_space<semaphore_mem>>
            %dma_start3A = arith.constant 0 : i32
            %dma_start3A_175 = arith.constant 0 : i32
            %dma_start3A_176 = tpu.memref_slice %arg7[%cond3A_15, %dma_start3A, %dma_start3A_175] : memref<3x512x1024xf32, #tpu.memory_space<vmem_shared>> -> memref<1x512x1024xf32, #tpu.memory_space<vmem_shared>>
            %dma_start3A_177 = tpu.memref_squeeze %dma_start3A_176 : memref<1x512x1024xf32, #tpu.memory_space<vmem_shared>> -> memref<512x1024xf32, #tpu.memory_space<vmem_shared>>
            tpu.enqueue_dma source(%arg4 : memref<512x1024xf32, #tpu.memory_space<hbm>>) target(%dma_start3A_177 : memref<512x1024xf32, #tpu.memory_space<vmem_shared>>) target_semaphore(%run_scoped3A : memref<!tpu.dma_semaphore, #tpu.memory_space<semaphore_mem>>)
            %dma_wait3A = arith.constant 0 : i32
            %dma_wait3A_178 = arith.constant 0 : i32
            %dma_wait3A_179 = tpu.memref_slice %arg7[%cond3A_15, %dma_wait3A, %dma_wait3A_178] : memref<3x512x1024xf32, #tpu.memory_space<vmem_shared>> -> memref<1x512x1024xf32, #tpu.memory_space<vmem_shared>>
            %dma_wait3A_180 = tpu.memref_squeeze %dma_wait3A_179 : memref<1x512x1024xf32, #tpu.memory_space<vmem_shared>> -> memref<512x1024xf32, #tpu.memory_space<vmem_shared>>
            tpu.wait_dma2 semaphore(%run_scoped3A : memref<!tpu.dma_semaphore, #tpu.memory_space<semaphore_mem>>) src(%arg4 : memref<512x1024xf32, #tpu.memory_space<hbm>>) dst(%dma_wait3A_180 : memref<512x1024xf32, #tpu.memory_space<vmem_shared>>)
            tpu.yield
          }) : () -> ()
          "tpu.region"() ({
            %run_scoped3A = tpu.sem_alloc : memref<!tpu.dma_semaphore, #tpu.memory_space<semaphore_mem>>
            %dma_start3A = arith.constant 0 : i32
            %dma_start3A_175 = tpu.memref_slice %arg5[%add3A_136, %dma_start3A] : memref<8192x1024xf32, #tpu.memory_space<hbm>> -> memref<512x1024xf32, #tpu.memory_space<hbm>>
            %dma_start3A_176 = arith.constant 0 : i32
            %dma_start3A_177 = arith.constant 0 : i32
            %dma_start3A_178 = tpu.memref_slice %arg7[%cond3A_15, %dma_start3A_176, %dma_start3A_177] : memref<3x512x1024xf32, #tpu.memory_space<vmem_shared>> -> memref<1x512x1024xf32, #tpu.memory_space<vmem_shared>>
            %dma_start3A_179 = tpu.memref_squeeze %dma_start3A_178 : memref<1x512x1024xf32, #tpu.memory_space<vmem_shared>> -> memref<512x1024xf32, #tpu.memory_space<vmem_shared>>
            tpu.enqueue_dma source(%dma_start3A_179 : memref<512x1024xf32, #tpu.memory_space<vmem_shared>>) target(%dma_start3A_175 : memref<512x1024xf32, #tpu.memory_space<hbm>>) target_semaphore(%run_scoped3A : memref<!tpu.dma_semaphore, #tpu.memory_space<semaphore_mem>>)
            %dma_wait3A = arith.constant 0 : i32
            %dma_wait3A_180 = tpu.memref_slice %arg5[%add3A_136, %dma_wait3A] : memref<8192x1024xf32, #tpu.memory_space<hbm>> -> memref<512x1024xf32, #tpu.memory_space<hbm>>
            %dma_wait3A_181 = arith.constant 0 : i32
            %dma_wait3A_182 = arith.constant 0 : i32
            %dma_wait3A_183 = tpu.memref_slice %arg7[%cond3A_15, %dma_wait3A_181, %dma_wait3A_182] : memref<3x512x1024xf32, #tpu.memory_space<vmem_shared>> -> memref<1x512x1024xf32, #tpu.memory_space<vmem_shared>>
            %dma_wait3A_184 = tpu.memref_squeeze %dma_wait3A_183 : memref<1x512x1024xf32, #tpu.memory_space<vmem_shared>> -> memref<512x1024xf32, #tpu.memory_space<vmem_shared>>
            tpu.wait_dma2 semaphore(%run_scoped3A : memref<!tpu.dma_semaphore, #tpu.memory_space<semaphore_mem>>) src(%dma_wait3A_184 : memref<512x1024xf32, #tpu.memory_space<vmem_shared>>) dst(%dma_wait3A_180 : memref<512x1024xf32, #tpu.memory_space<hbm>>)
            tpu.yield
          }) : () -> ()
        } else {
        }
        %lt3A_147 = arith.cmpi slt, %add3A_136, %squeeze3A : i32
        %add3A_148 = arith.constant 512 : i32
        %add3A_149 = arith.addi %add3A_136, %add3A_148 : i32
        %gt3A_150 = arith.cmpi sgt, %add3A_149, %squeeze3A : i32
        %and3A_151 = arith.andi %lt3A_147, %gt3A_150 : i1
        %convert_element_type3A_152 = arith.extui %and3A_151 : i1 to i32
        %cond3A_153 = arith.constant 0 : i32
        %cond3A_154 = arith.cmpi ne, %convert_element_type3A_152, %cond3A_153 : i32
        scf.if %cond3A_154 {
          "tpu.region"() ({
            %run_scoped3A = tpu.sem_alloc : memref<!tpu.dma_semaphore, #tpu.memory_space<semaphore_mem>>
            %dma_start3A = arith.constant 0 : i32
            %dma_start3A_180 = arith.constant 0 : i32
            %dma_start3A_181 = tpu.memref_slice %arg7[%cond3A_15, %dma_start3A, %dma_start3A_180] : memref<3x512x1024xf32, #tpu.memory_space<vmem_shared>> -> memref<1x512x1024xf32, #tpu.memory_space<vmem_shared>>
            %dma_start3A_182 = tpu.memref_squeeze %dma_start3A_181 : memref<1x512x1024xf32, #tpu.memory_space<vmem_shared>> -> memref<512x1024xf32, #tpu.memory_space<vmem_shared>>
            %dma_start3A_183 = arith.constant 0 : i32
            %dma_start3A_184 = tpu.memref_slice %arg3[%add3A_136, %dma_start3A_183] : memref<8192x1024xf32, #tpu.memory_space<hbm>> -> memref<512x1024xf32, #tpu.memory_space<hbm>>
            tpu.enqueue_dma source(%dma_start3A_184 : memref<512x1024xf32, #tpu.memory_space<hbm>>) target(%dma_start3A_182 : memref<512x1024xf32, #tpu.memory_space<vmem_shared>>) target_semaphore(%run_scoped3A : memref<!tpu.dma_semaphore, #tpu.memory_space<semaphore_mem>>)
            %dma_wait3A = arith.constant 0 : i32
            %dma_wait3A_185 = arith.constant 0 : i32
            %dma_wait3A_186 = tpu.memref_slice %arg7[%cond3A_15, %dma_wait3A, %dma_wait3A_185] : memref<3x512x1024xf32, #tpu.memory_space<vmem_shared>> -> memref<1x512x1024xf32, #tpu.memory_space<vmem_shared>>
            %dma_wait3A_187 = tpu.memref_squeeze %dma_wait3A_186 : memref<1x512x1024xf32, #tpu.memory_space<vmem_shared>> -> memref<512x1024xf32, #tpu.memory_space<vmem_shared>>
            %dma_wait3A_188 = arith.constant 0 : i32
            %dma_wait3A_189 = tpu.memref_slice %arg3[%add3A_136, %dma_wait3A_188] : memref<8192x1024xf32, #tpu.memory_space<hbm>> -> memref<512x1024xf32, #tpu.memory_space<hbm>>
            tpu.wait_dma2 semaphore(%run_scoped3A : memref<!tpu.dma_semaphore, #tpu.memory_space<semaphore_mem>>) src(%dma_wait3A_189 : memref<512x1024xf32, #tpu.memory_space<hbm>>) dst(%dma_wait3A_187 : memref<512x1024xf32, #tpu.memory_space<vmem_shared>>)
            tpu.yield
          }) : () -> ()
          %scan3A = arith.constant 0 : i32
          %scan3A_175 = arith.constant 0 : i32
          %scan3A_176 = arith.constant 512 : i32
          %scan3A_177 = arith.addi %scan3A_175, %scan3A_176 : i32
          %scan3A_178 = arith.constant 1 : i32
          scf.for %scan3A_180 = %scan3A_175 to %scan3A_177 step %scan3A_178  : i32 {
            %add3A_181 = arith.addi %add3A_136, %scan3A_180 : i32
            %ge3A_182 = arith.cmpi sge, %add3A_181, %squeeze3A : i32
            %convert_element_type3A_183 = arith.extui %ge3A_182 : i1 to i32
            %cond3A_184 = arith.constant 0 : i32
            %cond3A_185 = arith.cmpi ne, %convert_element_type3A_183, %cond3A_184 : i32
            scf.if %cond3A_185 {
              %run_scoped3A = arith.constant 0 : i32
              "tpu.region"() ({
                %run_scoped3A_186 = tpu.sem_alloc : memref<!tpu.dma_semaphore, #tpu.memory_space<semaphore_mem>>
                %dma_start3A = arith.constant 0 : i32
                %dma_start3A_187 = arith.constant 0 : i32
                %dma_start3A_188 = tpu.memref_slice %arg7[%cond3A_15, %dma_start3A, %dma_start3A_187] : memref<3x512x1024xf32, #tpu.memory_space<vmem_shared>> -> memref<1x512x1024xf32, #tpu.memory_space<vmem_shared>>
                %dma_start3A_189 = tpu.memref_squeeze %dma_start3A_188 : memref<1x512x1024xf32, #tpu.memory_space<vmem_shared>> -> memref<512x1024xf32, #tpu.memory_space<vmem_shared>>
                %dma_start3A_190 = arith.constant 0 : i32
                %dma_start3A_191 = tpu.memref_slice %dma_start3A_189[%scan3A_180, %dma_start3A_190] : memref<512x1024xf32, #tpu.memory_space<vmem_shared>> -> memref<1x1024xf32, #tpu.memory_space<vmem_shared>>
                %dma_start3A_192 = tpu.memref_squeeze %dma_start3A_191 : memref<1x1024xf32, #tpu.memory_space<vmem_shared>> -> memref<1024xf32, #tpu.memory_space<vmem_shared>>
                %dma_start3A_193 = arith.constant 0 : i32
                %dma_start3A_194 = tpu.memref_slice %arg4[%run_scoped3A, %dma_start3A_193] : memref<512x1024xf32, #tpu.memory_space<hbm>> -> memref<1x1024xf32, #tpu.memory_space<hbm>>
                %dma_start3A_195 = tpu.memref_squeeze %dma_start3A_194 : memref<1x1024xf32, #tpu.memory_space<hbm>> -> memref<1024xf32, #tpu.memory_space<hbm>>
                tpu.enqueue_dma source(%dma_start3A_195 : memref<1024xf32, #tpu.memory_space<hbm>>) target(%dma_start3A_192 : memref<1024xf32, #tpu.memory_space<vmem_shared>>) target_semaphore(%run_scoped3A_186 : memref<!tpu.dma_semaphore, #tpu.memory_space<semaphore_mem>>)
                %dma_wait3A = arith.constant 0 : i32
                %dma_wait3A_196 = arith.constant 0 : i32
                %dma_wait3A_197 = tpu.memref_slice %arg7[%cond3A_15, %dma_wait3A, %dma_wait3A_196] : memref<3x512x1024xf32, #tpu.memory_space<vmem_shared>> -> memref<1x512x1024xf32, #tpu.memory_space<vmem_shared>>
                %dma_wait3A_198 = tpu.memref_squeeze %dma_wait3A_197 : memref<1x512x1024xf32, #tpu.memory_space<vmem_shared>> -> memref<512x1024xf32, #tpu.memory_space<vmem_shared>>
                %dma_wait3A_199 = arith.constant 0 : i32
                %dma_wait3A_200 = tpu.memref_slice %dma_wait3A_198[%scan3A_180, %dma_wait3A_199] : memref<512x1024xf32, #tpu.memory_space<vmem_shared>> -> memref<1x1024xf32, #tpu.memory_space<vmem_shared>>
                %dma_wait3A_201 = tpu.memref_squeeze %dma_wait3A_200 : memref<1x1024xf32, #tpu.memory_space<vmem_shared>> -> memref<1024xf32, #tpu.memory_space<vmem_shared>>
                %dma_wait3A_202 = arith.constant 0 : i32
                %dma_wait3A_203 = tpu.memref_slice %arg4[%run_scoped3A, %dma_wait3A_202] : memref<512x1024xf32, #tpu.memory_space<hbm>> -> memref<1x1024xf32, #tpu.memory_space<hbm>>
                %dma_wait3A_204 = tpu.memref_squeeze %dma_wait3A_203 : memref<1x1024xf32, #tpu.memory_space<hbm>> -> memref<1024xf32, #tpu.memory_space<hbm>>
                tpu.wait_dma2 semaphore(%run_scoped3A_186 : memref<!tpu.dma_semaphore, #tpu.memory_space<semaphore_mem>>) src(%dma_wait3A_204 : memref<1024xf32, #tpu.memory_space<hbm>>) dst(%dma_wait3A_201 : memref<1024xf32, #tpu.memory_space<vmem_shared>>)
                tpu.yield
              }) : () -> ()
            } else {
            }
          }
          %scan3A_179 = arith.constant 512 : i32
          "tpu.region"() ({
            %run_scoped3A = tpu.sem_alloc : memref<!tpu.dma_semaphore, #tpu.memory_space<semaphore_mem>>
            %dma_start3A = arith.constant 0 : i32
            %dma_start3A_180 = tpu.memref_slice %arg5[%add3A_136, %dma_start3A] : memref<8192x1024xf32, #tpu.memory_space<hbm>> -> memref<512x1024xf32, #tpu.memory_space<hbm>>
            %dma_start3A_181 = arith.constant 0 : i32
            %dma_start3A_182 = arith.constant 0 : i32
            %dma_start3A_183 = tpu.memref_slice %arg7[%cond3A_15, %dma_start3A_181, %dma_start3A_182] : memref<3x512x1024xf32, #tpu.memory_space<vmem_shared>> -> memref<1x512x1024xf32, #tpu.memory_space<vmem_shared>>
            %dma_start3A_184 = tpu.memref_squeeze %dma_start3A_183 : memref<1x512x1024xf32, #tpu.memory_space<vmem_shared>> -> memref<512x1024xf32, #tpu.memory_space<vmem_shared>>
            tpu.enqueue_dma source(%dma_start3A_184 : memref<512x1024xf32, #tpu.memory_space<vmem_shared>>) target(%dma_start3A_180 : memref<512x1024xf32, #tpu.memory_space<hbm>>) target_semaphore(%run_scoped3A : memref<!tpu.dma_semaphore, #tpu.memory_space<semaphore_mem>>)
            %dma_wait3A = arith.constant 0 : i32
            %dma_wait3A_185 = tpu.memref_slice %arg5[%add3A_136, %dma_wait3A] : memref<8192x1024xf32, #tpu.memory_space<hbm>> -> memref<512x1024xf32, #tpu.memory_space<hbm>>
            %dma_wait3A_186 = arith.constant 0 : i32
            %dma_wait3A_187 = arith.constant 0 : i32
            %dma_wait3A_188 = tpu.memref_slice %arg7[%cond3A_15, %dma_wait3A_186, %dma_wait3A_187] : memref<3x512x1024xf32, #tpu.memory_space<vmem_shared>> -> memref<1x512x1024xf32, #tpu.memory_space<vmem_shared>>
            %dma_wait3A_189 = tpu.memref_squeeze %dma_wait3A_188 : memref<1x512x1024xf32, #tpu.memory_space<vmem_shared>> -> memref<512x1024xf32, #tpu.memory_space<vmem_shared>>
            tpu.wait_dma2 semaphore(%run_scoped3A : memref<!tpu.dma_semaphore, #tpu.memory_space<semaphore_mem>>) src(%dma_wait3A_189 : memref<512x1024xf32, #tpu.memory_space<vmem_shared>>) dst(%dma_wait3A_185 : memref<512x1024xf32, #tpu.memory_space<hbm>>)
            tpu.yield
          }) : () -> ()
        } else {
        }
        %add3A_155 = arith.constant 3584 : i32
        %add3A_156 = arith.addi %mul3A_0, %add3A_155 : i32
        %add3A_157 = arith.constant 512 : i32
        %add3A_158 = arith.addi %add3A_156, %add3A_157 : i32
        %le3A_159 = arith.cmpi sle, %add3A_158, %squeeze3A : i32
        %convert_element_type3A_160 = arith.extui %le3A_159 : i1 to i32
        %cond3A_161 = arith.constant 0 : i32
        %cond3A_162 = arith.cmpi ne, %convert_element_type3A_160, %cond3A_161 : i32
        scf.if %cond3A_162 {
          "tpu.region"() ({
            %run_scoped3A = tpu.sem_alloc : memref<!tpu.dma_semaphore, #tpu.memory_space<semaphore_mem>>
            %dma_start3A = arith.constant 0 : i32
            %dma_start3A_175 = arith.constant 0 : i32
            %dma_start3A_176 = tpu.memref_slice %arg7[%cond3A_15, %dma_start3A, %dma_start3A_175] : memref<3x512x1024xf32, #tpu.memory_space<vmem_shared>> -> memref<1x512x1024xf32, #tpu.memory_space<vmem_shared>>
            %dma_start3A_177 = tpu.memref_squeeze %dma_start3A_176 : memref<1x512x1024xf32, #tpu.memory_space<vmem_shared>> -> memref<512x1024xf32, #tpu.memory_space<vmem_shared>>
            %dma_start3A_178 = arith.constant 0 : i32
            %dma_start3A_179 = tpu.memref_slice %arg3[%add3A_156, %dma_start3A_178] : memref<8192x1024xf32, #tpu.memory_space<hbm>> -> memref<512x1024xf32, #tpu.memory_space<hbm>>
            tpu.enqueue_dma source(%dma_start3A_179 : memref<512x1024xf32, #tpu.memory_space<hbm>>) target(%dma_start3A_177 : memref<512x1024xf32, #tpu.memory_space<vmem_shared>>) target_semaphore(%run_scoped3A : memref<!tpu.dma_semaphore, #tpu.memory_space<semaphore_mem>>)
            %dma_wait3A = arith.constant 0 : i32
            %dma_wait3A_180 = arith.constant 0 : i32
            %dma_wait3A_181 = tpu.memref_slice %arg7[%cond3A_15, %dma_wait3A, %dma_wait3A_180] : memref<3x512x1024xf32, #tpu.memory_space<vmem_shared>> -> memref<1x512x1024xf32, #tpu.memory_space<vmem_shared>>
            %dma_wait3A_182 = tpu.memref_squeeze %dma_wait3A_181 : memref<1x512x1024xf32, #tpu.memory_space<vmem_shared>> -> memref<512x1024xf32, #tpu.memory_space<vmem_shared>>
            %dma_wait3A_183 = arith.constant 0 : i32
            %dma_wait3A_184 = tpu.memref_slice %arg3[%add3A_156, %dma_wait3A_183] : memref<8192x1024xf32, #tpu.memory_space<hbm>> -> memref<512x1024xf32, #tpu.memory_space<hbm>>
            tpu.wait_dma2 semaphore(%run_scoped3A : memref<!tpu.dma_semaphore, #tpu.memory_space<semaphore_mem>>) src(%dma_wait3A_184 : memref<512x1024xf32, #tpu.memory_space<hbm>>) dst(%dma_wait3A_182 : memref<512x1024xf32, #tpu.memory_space<vmem_shared>>)
            tpu.yield
          }) : () -> ()
          "tpu.region"() ({
            %run_scoped3A = tpu.sem_alloc : memref<!tpu.dma_semaphore, #tpu.memory_space<semaphore_mem>>
            %dma_start3A = arith.constant 0 : i32
            %dma_start3A_175 = tpu.memref_slice %arg5[%add3A_156, %dma_start3A] : memref<8192x1024xf32, #tpu.memory_space<hbm>> -> memref<512x1024xf32, #tpu.memory_space<hbm>>
            %dma_start3A_176 = arith.constant 0 : i32
            %dma_start3A_177 = arith.constant 0 : i32
            %dma_start3A_178 = tpu.memref_slice %arg7[%cond3A_15, %dma_start3A_176, %dma_start3A_177] : memref<3x512x1024xf32, #tpu.memory_space<vmem_shared>> -> memref<1x512x1024xf32, #tpu.memory_space<vmem_shared>>
            %dma_start3A_179 = tpu.memref_squeeze %dma_start3A_178 : memref<1x512x1024xf32, #tpu.memory_space<vmem_shared>> -> memref<512x1024xf32, #tpu.memory_space<vmem_shared>>
            tpu.enqueue_dma source(%dma_start3A_179 : memref<512x1024xf32, #tpu.memory_space<vmem_shared>>) target(%dma_start3A_175 : memref<512x1024xf32, #tpu.memory_space<hbm>>) target_semaphore(%run_scoped3A : memref<!tpu.dma_semaphore, #tpu.memory_space<semaphore_mem>>)
            %dma_wait3A = arith.constant 0 : i32
            %dma_wait3A_180 = tpu.memref_slice %arg5[%add3A_156, %dma_wait3A] : memref<8192x1024xf32, #tpu.memory_space<hbm>> -> memref<512x1024xf32, #tpu.memory_space<hbm>>
            %dma_wait3A_181 = arith.constant 0 : i32
            %dma_wait3A_182 = arith.constant 0 : i32
            %dma_wait3A_183 = tpu.memref_slice %arg7[%cond3A_15, %dma_wait3A_181, %dma_wait3A_182] : memref<3x512x1024xf32, #tpu.memory_space<vmem_shared>> -> memref<1x512x1024xf32, #tpu.memory_space<vmem_shared>>
            %dma_wait3A_184 = tpu.memref_squeeze %dma_wait3A_183 : memref<1x512x1024xf32, #tpu.memory_space<vmem_shared>> -> memref<512x1024xf32, #tpu.memory_space<vmem_shared>>
            tpu.wait_dma2 semaphore(%run_scoped3A : memref<!tpu.dma_semaphore, #tpu.memory_space<semaphore_mem>>) src(%dma_wait3A_184 : memref<512x1024xf32, #tpu.memory_space<vmem_shared>>) dst(%dma_wait3A_180 : memref<512x1024xf32, #tpu.memory_space<hbm>>)
            tpu.yield
          }) : () -> ()
        } else {
        }
        %ge3A_163 = arith.cmpi sge, %add3A_156, %squeeze3A : i32
        %convert_element_type3A_164 = arith.extui %ge3A_163 : i1 to i32
        %cond3A_165 = arith.constant 0 : i32
        %cond3A_166 = arith.cmpi ne, %convert_element_type3A_164, %cond3A_165 : i32
        scf.if %cond3A_166 {
          "tpu.region"() ({
            %run_scoped3A = tpu.sem_alloc : memref<!tpu.dma_semaphore, #tpu.memory_space<semaphore_mem>>
            %dma_start3A = arith.constant 0 : i32
            %dma_start3A_175 = arith.constant 0 : i32
            %dma_start3A_176 = tpu.memref_slice %arg7[%cond3A_15, %dma_start3A, %dma_start3A_175] : memref<3x512x1024xf32, #tpu.memory_space<vmem_shared>> -> memref<1x512x1024xf32, #tpu.memory_space<vmem_shared>>
            %dma_start3A_177 = tpu.memref_squeeze %dma_start3A_176 : memref<1x512x1024xf32, #tpu.memory_space<vmem_shared>> -> memref<512x1024xf32, #tpu.memory_space<vmem_shared>>
            tpu.enqueue_dma source(%arg4 : memref<512x1024xf32, #tpu.memory_space<hbm>>) target(%dma_start3A_177 : memref<512x1024xf32, #tpu.memory_space<vmem_shared>>) target_semaphore(%run_scoped3A : memref<!tpu.dma_semaphore, #tpu.memory_space<semaphore_mem>>)
            %dma_wait3A = arith.constant 0 : i32
            %dma_wait3A_178 = arith.constant 0 : i32
            %dma_wait3A_179 = tpu.memref_slice %arg7[%cond3A_15, %dma_wait3A, %dma_wait3A_178] : memref<3x512x1024xf32, #tpu.memory_space<vmem_shared>> -> memref<1x512x1024xf32, #tpu.memory_space<vmem_shared>>
            %dma_wait3A_180 = tpu.memref_squeeze %dma_wait3A_179 : memref<1x512x1024xf32, #tpu.memory_space<vmem_shared>> -> memref<512x1024xf32, #tpu.memory_space<vmem_shared>>
            tpu.wait_dma2 semaphore(%run_scoped3A : memref<!tpu.dma_semaphore, #tpu.memory_space<semaphore_mem>>) src(%arg4 : memref<512x1024xf32, #tpu.memory_space<hbm>>) dst(%dma_wait3A_180 : memref<512x1024xf32, #tpu.memory_space<vmem_shared>>)
            tpu.yield
          }) : () -> ()
          "tpu.region"() ({
            %run_scoped3A = tpu.sem_alloc : memref<!tpu.dma_semaphore, #tpu.memory_space<semaphore_mem>>
            %dma_start3A = arith.constant 0 : i32
            %dma_start3A_175 = tpu.memref_slice %arg5[%add3A_156, %dma_start3A] : memref<8192x1024xf32, #tpu.memory_space<hbm>> -> memref<512x1024xf32, #tpu.memory_space<hbm>>
            %dma_start3A_176 = arith.constant 0 : i32
            %dma_start3A_177 = arith.constant 0 : i32
            %dma_start3A_178 = tpu.memref_slice %arg7[%cond3A_15, %dma_start3A_176, %dma_start3A_177] : memref<3x512x1024xf32, #tpu.memory_space<vmem_shared>> -> memref<1x512x1024xf32, #tpu.memory_space<vmem_shared>>
            %dma_start3A_179 = tpu.memref_squeeze %dma_start3A_178 : memref<1x512x1024xf32, #tpu.memory_space<vmem_shared>> -> memref<512x1024xf32, #tpu.memory_space<vmem_shared>>
            tpu.enqueue_dma source(%dma_start3A_179 : memref<512x1024xf32, #tpu.memory_space<vmem_shared>>) target(%dma_start3A_175 : memref<512x1024xf32, #tpu.memory_space<hbm>>) target_semaphore(%run_scoped3A : memref<!tpu.dma_semaphore, #tpu.memory_space<semaphore_mem>>)
            %dma_wait3A = arith.constant 0 : i32
            %dma_wait3A_180 = tpu.memref_slice %arg5[%add3A_156, %dma_wait3A] : memref<8192x1024xf32, #tpu.memory_space<hbm>> -> memref<512x1024xf32, #tpu.memory_space<hbm>>
            %dma_wait3A_181 = arith.constant 0 : i32
            %dma_wait3A_182 = arith.constant 0 : i32
            %dma_wait3A_183 = tpu.memref_slice %arg7[%cond3A_15, %dma_wait3A_181, %dma_wait3A_182] : memref<3x512x1024xf32, #tpu.memory_space<vmem_shared>> -> memref<1x512x1024xf32, #tpu.memory_space<vmem_shared>>
            %dma_wait3A_184 = tpu.memref_squeeze %dma_wait3A_183 : memref<1x512x1024xf32, #tpu.memory_space<vmem_shared>> -> memref<512x1024xf32, #tpu.memory_space<vmem_shared>>
            tpu.wait_dma2 semaphore(%run_scoped3A : memref<!tpu.dma_semaphore, #tpu.memory_space<semaphore_mem>>) src(%dma_wait3A_184 : memref<512x1024xf32, #tpu.memory_space<vmem_shared>>) dst(%dma_wait3A_180 : memref<512x1024xf32, #tpu.memory_space<hbm>>)
            tpu.yield
          }) : () -> ()
        } else {
        }
        %lt3A_167 = arith.cmpi slt, %add3A_156, %squeeze3A : i32
        %add3A_168 = arith.constant 512 : i32
        %add3A_169 = arith.addi %add3A_156, %add3A_168 : i32
        %gt3A_170 = arith.cmpi sgt, %add3A_169, %squeeze3A : i32
        %and3A_171 = arith.andi %lt3A_167, %gt3A_170 : i1
        %convert_element_type3A_172 = arith.extui %and3A_171 : i1 to i32
        %cond3A_173 = arith.constant 0 : i32
        %cond3A_174 = arith.cmpi ne, %convert_element_type3A_172, %cond3A_173 : i32
        scf.if %cond3A_174 {
          "tpu.region"() ({
            %run_scoped3A = tpu.sem_alloc : memref<!tpu.dma_semaphore, #tpu.memory_space<semaphore_mem>>
            %dma_start3A = arith.constant 0 : i32
            %dma_start3A_180 = arith.constant 0 : i32
            %dma_start3A_181 = tpu.memref_slice %arg7[%cond3A_15, %dma_start3A, %dma_start3A_180] : memref<3x512x1024xf32, #tpu.memory_space<vmem_shared>> -> memref<1x512x1024xf32, #tpu.memory_space<vmem_shared>>
            %dma_start3A_182 = tpu.memref_squeeze %dma_start3A_181 : memref<1x512x1024xf32, #tpu.memory_space<vmem_shared>> -> memref<512x1024xf32, #tpu.memory_space<vmem_shared>>
            %dma_start3A_183 = arith.constant 0 : i32
            %dma_start3A_184 = tpu.memref_slice %arg3[%add3A_156, %dma_start3A_183] : memref<8192x1024xf32, #tpu.memory_space<hbm>> -> memref<512x1024xf32, #tpu.memory_space<hbm>>
            tpu.enqueue_dma source(%dma_start3A_184 : memref<512x1024xf32, #tpu.memory_space<hbm>>) target(%dma_start3A_182 : memref<512x1024xf32, #tpu.memory_space<vmem_shared>>) target_semaphore(%run_scoped3A : memref<!tpu.dma_semaphore, #tpu.memory_space<semaphore_mem>>)
            %dma_wait3A = arith.constant 0 : i32
            %dma_wait3A_185 = arith.constant 0 : i32
            %dma_wait3A_186 = tpu.memref_slice %arg7[%cond3A_15, %dma_wait3A, %dma_wait3A_185] : memref<3x512x1024xf32, #tpu.memory_space<vmem_shared>> -> memref<1x512x1024xf32, #tpu.memory_space<vmem_shared>>
            %dma_wait3A_187 = tpu.memref_squeeze %dma_wait3A_186 : memref<1x512x1024xf32, #tpu.memory_space<vmem_shared>> -> memref<512x1024xf32, #tpu.memory_space<vmem_shared>>
            %dma_wait3A_188 = arith.constant 0 : i32
            %dma_wait3A_189 = tpu.memref_slice %arg3[%add3A_156, %dma_wait3A_188] : memref<8192x1024xf32, #tpu.memory_space<hbm>> -> memref<512x1024xf32, #tpu.memory_space<hbm>>
            tpu.wait_dma2 semaphore(%run_scoped3A : memref<!tpu.dma_semaphore, #tpu.memory_space<semaphore_mem>>) src(%dma_wait3A_189 : memref<512x1024xf32, #tpu.memory_space<hbm>>) dst(%dma_wait3A_187 : memref<512x1024xf32, #tpu.memory_space<vmem_shared>>)
            tpu.yield
          }) : () -> ()
          %scan3A = arith.constant 0 : i32
          %scan3A_175 = arith.constant 0 : i32
          %scan3A_176 = arith.constant 512 : i32
          %scan3A_177 = arith.addi %scan3A_175, %scan3A_176 : i32
          %scan3A_178 = arith.constant 1 : i32
          scf.for %scan3A_180 = %scan3A_175 to %scan3A_177 step %scan3A_178  : i32 {
            %add3A_181 = arith.addi %add3A_156, %scan3A_180 : i32
            %ge3A_182 = arith.cmpi sge, %add3A_181, %squeeze3A : i32
            %convert_element_type3A_183 = arith.extui %ge3A_182 : i1 to i32
            %cond3A_184 = arith.constant 0 : i32
            %cond3A_185 = arith.cmpi ne, %convert_element_type3A_183, %cond3A_184 : i32
            scf.if %cond3A_185 {
              %run_scoped3A = arith.constant 0 : i32
              "tpu.region"() ({
                %run_scoped3A_186 = tpu.sem_alloc : memref<!tpu.dma_semaphore, #tpu.memory_space<semaphore_mem>>
                %dma_start3A = arith.constant 0 : i32
                %dma_start3A_187 = arith.constant 0 : i32
                %dma_start3A_188 = tpu.memref_slice %arg7[%cond3A_15, %dma_start3A, %dma_start3A_187] : memref<3x512x1024xf32, #tpu.memory_space<vmem_shared>> -> memref<1x512x1024xf32, #tpu.memory_space<vmem_shared>>
                %dma_start3A_189 = tpu.memref_squeeze %dma_start3A_188 : memref<1x512x1024xf32, #tpu.memory_space<vmem_shared>> -> memref<512x1024xf32, #tpu.memory_space<vmem_shared>>
                %dma_start3A_190 = arith.constant 0 : i32
                %dma_start3A_191 = tpu.memref_slice %dma_start3A_189[%scan3A_180, %dma_start3A_190] : memref<512x1024xf32, #tpu.memory_space<vmem_shared>> -> memref<1x1024xf32, #tpu.memory_space<vmem_shared>>
                %dma_start3A_192 = tpu.memref_squeeze %dma_start3A_191 : memref<1x1024xf32, #tpu.memory_space<vmem_shared>> -> memref<1024xf32, #tpu.memory_space<vmem_shared>>
                %dma_start3A_193 = arith.constant 0 : i32
                %dma_start3A_194 = tpu.memref_slice %arg4[%run_scoped3A, %dma_start3A_193] : memref<512x1024xf32, #tpu.memory_space<hbm>> -> memref<1x1024xf32, #tpu.memory_space<hbm>>
                %dma_start3A_195 = tpu.memref_squeeze %dma_start3A_194 : memref<1x1024xf32, #tpu.memory_space<hbm>> -> memref<1024xf32, #tpu.memory_space<hbm>>
                tpu.enqueue_dma source(%dma_start3A_195 : memref<1024xf32, #tpu.memory_space<hbm>>) target(%dma_start3A_192 : memref<1024xf32, #tpu.memory_space<vmem_shared>>) target_semaphore(%run_scoped3A_186 : memref<!tpu.dma_semaphore, #tpu.memory_space<semaphore_mem>>)
                %dma_wait3A = arith.constant 0 : i32
                %dma_wait3A_196 = arith.constant 0 : i32
                %dma_wait3A_197 = tpu.memref_slice %arg7[%cond3A_15, %dma_wait3A, %dma_wait3A_196] : memref<3x512x1024xf32, #tpu.memory_space<vmem_shared>> -> memref<1x512x1024xf32, #tpu.memory_space<vmem_shared>>
                %dma_wait3A_198 = tpu.memref_squeeze %dma_wait3A_197 : memref<1x512x1024xf32, #tpu.memory_space<vmem_shared>> -> memref<512x1024xf32, #tpu.memory_space<vmem_shared>>
                %dma_wait3A_199 = arith.constant 0 : i32
                %dma_wait3A_200 = tpu.memref_slice %dma_wait3A_198[%scan3A_180, %dma_wait3A_199] : memref<512x1024xf32, #tpu.memory_space<vmem_shared>> -> memref<1x1024xf32, #tpu.memory_space<vmem_shared>>
                %dma_wait3A_201 = tpu.memref_squeeze %dma_wait3A_200 : memref<1x1024xf32, #tpu.memory_space<vmem_shared>> -> memref<1024xf32, #tpu.memory_space<vmem_shared>>
                %dma_wait3A_202 = arith.constant 0 : i32
                %dma_wait3A_203 = tpu.memref_slice %arg4[%run_scoped3A, %dma_wait3A_202] : memref<512x1024xf32, #tpu.memory_space<hbm>> -> memref<1x1024xf32, #tpu.memory_space<hbm>>
                %dma_wait3A_204 = tpu.memref_squeeze %dma_wait3A_203 : memref<1x1024xf32, #tpu.memory_space<hbm>> -> memref<1024xf32, #tpu.memory_space<hbm>>
                tpu.wait_dma2 semaphore(%run_scoped3A_186 : memref<!tpu.dma_semaphore, #tpu.memory_space<semaphore_mem>>) src(%dma_wait3A_204 : memref<1024xf32, #tpu.memory_space<hbm>>) dst(%dma_wait3A_201 : memref<1024xf32, #tpu.memory_space<vmem_shared>>)
                tpu.yield
              }) : () -> ()
            } else {
            }
          }
          %scan3A_179 = arith.constant 512 : i32
          "tpu.region"() ({
            %run_scoped3A = tpu.sem_alloc : memref<!tpu.dma_semaphore, #tpu.memory_space<semaphore_mem>>
            %dma_start3A = arith.constant 0 : i32
            %dma_start3A_180 = tpu.memref_slice %arg5[%add3A_156, %dma_start3A] : memref<8192x1024xf32, #tpu.memory_space<hbm>> -> memref<512x1024xf32, #tpu.memory_space<hbm>>
            %dma_start3A_181 = arith.constant 0 : i32
            %dma_start3A_182 = arith.constant 0 : i32
            %dma_start3A_183 = tpu.memref_slice %arg7[%cond3A_15, %dma_start3A_181, %dma_start3A_182] : memref<3x512x1024xf32, #tpu.memory_space<vmem_shared>> -> memref<1x512x1024xf32, #tpu.memory_space<vmem_shared>>
            %dma_start3A_184 = tpu.memref_squeeze %dma_start3A_183 : memref<1x512x1024xf32, #tpu.memory_space<vmem_shared>> -> memref<512x1024xf32, #tpu.memory_space<vmem_shared>>
            tpu.enqueue_dma source(%dma_start3A_184 : memref<512x1024xf32, #tpu.memory_space<vmem_shared>>) target(%dma_start3A_180 : memref<512x1024xf32, #tpu.memory_space<hbm>>) target_semaphore(%run_scoped3A : memref<!tpu.dma_semaphore, #tpu.memory_space<semaphore_mem>>)
            %dma_wait3A = arith.constant 0 : i32
            %dma_wait3A_185 = tpu.memref_slice %arg5[%add3A_156, %dma_wait3A] : memref<8192x1024xf32, #tpu.memory_space<hbm>> -> memref<512x1024xf32, #tpu.memory_space<hbm>>
            %dma_wait3A_186 = arith.constant 0 : i32
            %dma_wait3A_187 = arith.constant 0 : i32
            %dma_wait3A_188 = tpu.memref_slice %arg7[%cond3A_15, %dma_wait3A_186, %dma_wait3A_187] : memref<3x512x1024xf32, #tpu.memory_space<vmem_shared>> -> memref<1x512x1024xf32, #tpu.memory_space<vmem_shared>>
            %dma_wait3A_189 = tpu.memref_squeeze %dma_wait3A_188 : memref<1x512x1024xf32, #tpu.memory_space<vmem_shared>> -> memref<512x1024xf32, #tpu.memory_space<vmem_shared>>
            tpu.wait_dma2 semaphore(%run_scoped3A : memref<!tpu.dma_semaphore, #tpu.memory_space<semaphore_mem>>) src(%dma_wait3A_189 : memref<512x1024xf32, #tpu.memory_space<vmem_shared>>) dst(%dma_wait3A_185 : memref<512x1024xf32, #tpu.memory_space<hbm>>)
            tpu.yield
          }) : () -> ()
        } else {
        }
      } else {
      }
    } else {
    }
    return
  }
}

</mosaic_0001>

<sc_bundles>
// kernel: kernel.3.cloned.1.call-start
scs
__scs_entry_jumppad:
0x0: {  	(pc) =	sbr.rel $0x88, $3  }
0x1: {  	(tag) =	ssettag $0x0;
	lr =	simm.s32 $0x1  }
0x2: {  	[smem:$0x3F9F] =	sst lr;
	_ =	strace $0xD0000000  }
0x3: {  	_ = 	snop  }
0x4: {  	_ = 	snop  }
0x5: {  	_ = 	snop  }
0x6: {  	_ = 	snop  }
0x7: {  	_ = 	snop  }
__scs_overlays_trampoline_lowered:
0x8: {  	[smem:$0x3FAE] =	sst s0  }
0x9: {  	[smem:$0x3FAF] =	sst s1  }
0xa: {  	[smem:$0x3FB0] =	sst s2  }
0xb: {  	[smem:$0x3FB1] =	sst s3  }
0xc: {  	[smem:$0x3FB2] =	sst s4  }
0xd: {  	[smem:$0x3FB3] =	sst s5  }
0xe: {  	[smem:$0x3FB4] =	sst s6  }
0xf: {  	[smem:$0x3FB5] =	sst s7  }
0x10: {  	[smem:$0x3FB6] =	sst s8  }
0x11: {  	[smem:$0x3FB7] =	sst s9;
	s0 =	simm.s32 @!p0 $0x0  }
0x12: {  	s1 =	sld [smem:$0x3F9D];
	s0 =	simm.s32 @p0 $0x1  }
0x13: {  	[smem:$0x3FB8] =	sst s0;
	s0 =	simm.s32 @!p1 $0x0  }
0x14: {  	s2 =	sld [smem:$0x3F9C];
	s0 =	simm.s32 @p1 $0x1  }
0x15: {  	[smem:$0x3FB9] =	sst s0;
	s0 =	simm.s32 @!p2 $0x0  }
0x16: {  	s3 =	sld [smem:$0x3FDB];
	s0 =	simm.s32 @p2 $0x1  }
0x17: {  	s4 =	simm.s32 $0x1BF5;
	[smem:$0x3FBB] =	sst s0  }
0x18: {  	s0 =	sld [smem:$0x3F9E];
	_ =	swait.ge [sflag:s4], $0x0  }
0x19: {  	s7 =	sld [smem:$0x3F9F]  }
0x1a: {  	s8 =	sadd.s32 $0xFFFFE003, lr  }
0x1b: {  	s9 =	sadd.s32 $0xFFFFFEF7, lr;
	s5 =	simm.s32 $0xFFFFFFFF;
	p2 =	slt.u32 s8, $0xFFFFF086  }
0x1c: {  	p1 =	slt.u32 s9, $0xF7A;
	s5 =	simm.s32 @!p2 $0x0  }
0x1d: {  	s5 =	simm.s32 @p1 $0x1;
	p0 =	seq.s32 s7, s2  }
0x1e: {  	s7 =	smul.u32 @!p0 $0xF7A, s2;
	p2 =	seq.s32 @!p0 s5, $0x0  }
0x1f: {  	s9 =	smul.u32 $0xF7A, s1;
	s8 =	simm.s32 @!p0 $0x1BF5;
	p2 =	por !p2, p0  }
0x20: {  	[sflag:s8] =	ssyncset.s32 @!p0 $0xFFFFF086;
	s6 =	sadd.s32 @!p0 s3, s7;
	s7 =	simm.s32 @!p0 $0x108  }
0x21: {  	s3 =	sadd.s32 s3, s9;
	s6 =	sadd.s32 @!p0 $0x88, s6;
	s7 =	simm.s32 @p2 $0x1082  }
0x22: {  	[simem:s7], [sflag:s8] =	dma.local @!p0 [hbm:s6], $0xF7A  }
0x23: {  	s9 =	sor.u32 $0xD0000000, s2;
	s6 =	simm.s32 $0x108;
	_ =	swait.ge @!p0 [sflag:s8], $0x0  }
0x24: {  	s3 =	sadd.s32 $0x88, s3;
	s6 =	simm.s32 @!p1 $0x1082;
	[sflag:s4] =	ssyncset.s32 $0xFFFFF086  }
0x25: {  	[simem:s6], [sflag:s4] =	dma.local [hbm:s3], $0xF7A  }
0x26: {  	[smem:$0x3F9F] =	sst s1;
	(tag) =	ssettag s2;
	_ =	strace s9  }
0x27: {  	s1 =	sld [smem:$0x3FAF]  }
0x28: {  	s2 =	sld [smem:$0x3FB0]  }
0x29: {  	s4 =	sld [smem:$0x3FB2]  }
0x2a: {  	p0 =	seq.s32 s5, $0x0;
	s5 =	sld [smem:$0x3FB3]  }
0x2b: {  	s6 =	sld [smem:$0x3FB4]  }
0x2c: {  	s7 =	sld [smem:$0x3FB5]  }
0x2d: {  	s3 =	simm.s32 $0x108;
	s8 =	sld [smem:$0x3FB6]  }
0x2e: {  	s3 =	simm.s32 @!p0 $0x1082;
	s9 =	sld [smem:$0x3FB7]  }
0x2f: {  	lr =	sadd.s32 s0, s3;
	s0 =	sld [smem:$0x3FAE]  }
0x30: {  	s3 =	sld [smem:$0x3FB1]  }
0x31: {  	[smem:$0x3FBA] =	sst s10  }
0x32: {  	s10 =	sld [smem:$0x3FB8];
	_ =	sdelay $0x3  }
0x33: {  	p0 =	seq.s32 s10, $0x1;
	s10 =	sld [smem:$0x3FBA];
	_ =	sdelay $0x3  }
0x34: {  	[smem:$0x3FBA] =	sst s10  }
0x35: {  	s10 =	sld [smem:$0x3FB9];
	_ =	sdelay $0x3  }
0x36: {  	p1 =	seq.s32 s10, $0x1;
	s10 =	sld [smem:$0x3FBA];
	_ =	sdelay $0x3  }
0x37: {  	[smem:$0x3FBA] =	sst s10  }
0x38: {  	s10 =	sld [smem:$0x3FBB]  }
0x39: {  	_ = 	snop;
	(pc) =	sbr.ind lr, $3  }
0x3a: {  	_ = 	snop  }
0x3b: {  	_ = 	snop  }
0x3c: {  	p2 =	seq.s32 s10, $0x1;
	s10 =	sld [smem:$0x3FBA]  }
0x3d: {  	_ =	shalt  }
0x3e: {  	_ =	shalt  }
0x3f: {  	_ =	shalt  }
0x40: {  	_ =	shalt  }
0x41: {  	_ =	shalt  }
0x42: {  	_ =	shalt  }
0x43: {  	_ =	shalt  }
0x44: {  	_ =	shalt  }
0x45: {  	_ =	shalt  }
0x46: {  	_ =	shalt  }
0x47: {  	_ =	shalt  }
0x48: {  	_ =	shalt  }
0x49: {  	_ =	shalt  }
0x4a: {  	_ =	shalt  }
0x4b: {  	_ =	shalt  }
0x4c: {  	_ =	shalt  }
0x4d: {  	_ =	shalt  }
0x4e: {  	_ =	shalt  }
0x4f: {  	_ =	shalt  }
0x50: {  	_ =	shalt  }
0x51: {  	_ =	shalt  }
0x52: {  	_ =	shalt  }
0x53: {  	_ =	shalt  }
0x54: {  	_ =	shalt  }
0x55: {  	_ =	shalt  }
0x56: {  	_ =	shalt  }
0x57: {  	_ =	shalt  }
0x58: {  	_ =	shalt  }
0x59: {  	_ =	shalt  }
0x5a: {  	_ =	shalt  }
0x5b: {  	_ =	shalt  }
0x5c: {  	_ =	shalt  }
0x5d: {  	_ =	shalt  }
0x5e: {  	_ =	shalt  }
0x5f: {  	_ =	shalt  }
0x60: {  	_ =	shalt  }
0x61: {  	_ =	shalt  }
0x62: {  	_ =	shalt  }
0x63: {  	_ =	shalt  }
0x64: {  	_ =	shalt  }
0x65: {  	_ =	shalt  }
0x66: {  	_ =	shalt  }
0x67: {  	_ =	shalt  }
0x68: {  	_ =	shalt  }
0x69: {  	_ =	shalt  }
0x6a: {  	_ =	shalt  }
0x6b: {  	_ =	shalt  }
0x6c: {  	_ =	shalt  }
0x6d: {  	_ =	shalt  }
0x6e: {  	_ =	shalt  }
0x6f: {  	_ =	shalt  }
0x70: {  	_ =	shalt  }
0x71: {  	_ =	shalt  }
0x72: {  	_ =	shalt  }
0x73: {  	_ =	shalt  }
0x74: {  	_ =	shalt  }
0x75: {  	_ =	shalt  }
0x76: {  	_ =	shalt  }
0x77: {  	_ =	shalt  }
0x78: {  	_ =	shalt  }
0x79: {  	_ =	shalt  }
0x7a: {  	_ =	shalt  }
0x7b: {  	_ =	shalt  }
0x7c: {  	_ =	shalt  }
0x7d: {  	_ =	shalt  }
0x7e: {  	_ =	shalt  }
0x7f: {  	_ =	shalt  }
0x80: {  	_ =	shalt  }
0x81: {  	_ =	shalt  }
0x82: {  	_ =	shalt  }
0x83: {  	_ =	shalt  }
0x84: {  	_ =	shalt  }
0x85: {  	_ =	shalt  }
0x86: {  	_ =	shalt  }
0x87: {  	_ =	shalt  }
.Lfunc_end0:
.L_simem_size_0:
called_computation_lowered:
.L_overlay_start_0:
0x88: {  	s2 =	sld [smem:$0x3FD9]  }
0x89: {  	s3 =	sld [smem:$0x3FFE];
	_ =	sdelay $0x1  }
0x8a: {  	s1 =	srdreg.scid  }
0x8b: {  	s0 =	sand.u32 $0x1, s1  }
0x8c: {  	s17 =	sshll.u32 s0, $0xA;
	s2 =	sadd.s32 s3, s2  }
0x8d: {  	s2 =	sadd.s32 s2, s17  }
0x8e: {  	[smem:$0x3FC6] =	sst s2  }
0x8f: {  	_ = 	snop  }
0x90: {  	s2 =	sld [smem:$0x3FC9]  }
0x91: {  	s18 =	sld [smem:$0x3FD0];
	(tm) =	ssettm $0x1  }
0x92: {  	s4 =	sld [smem:$0x3FFB];
	_ =	sdelay $0x3  }
0x93: {  	_ =	strace s4  }
0x94: {  	s4 =	sld [smem:$0x3FFC];
	_ =	sdelay $0x3  }
0x95: {  	_ =	strace s4  }
0x96: {  	s4 =	sld [smem:$0x3FFD];
	_ =	sdelay $0x3  }
0x97: {  	_ =	strace s4  }
0x98: {  	_ =	strace $0x8FFFFFFF  }
0x99: {  	s19 =	sld [smem:$0x3FDB];
	_ =	sdelay $0x1  }
0x9a: {  	s5 =	simm.s32 $_scs_section_size  }
0x9b: {  	s6 =	simm.s32 $_size__tile_overlayer_lowered;
	s7 =	simm.s32 $_tile_overlayer_lowered  }
0x9c: {  	s22 =	simm.s32 $0x1BFF;
	s21 =	sshll.u32 s7, $0x1;
	s4 =	sadd.s32 s5, s19  }
0x9d: {  	s8 =	simm.s32 $0x0;
	s20 =	sshll.u32 s6, $0x1;
	s6 =	sadd.s32 s21, s4  }
0x9e: {  	[timem:s8], [sflag:s22] =	dma.local [hbm:s6], s20  }
0x9f: {  	_ =	swait.ge [sflag:s22], s20  }
0xa0: {  	s5 =	ssub.s32 $0x0, s20;
	[sflag:s22] =	ssyncset.done $0x0  }
0xa1: {  	[sflag:s22] =	ssyncadd.s32 s5;
	_ =	sdelay $0x1  }
0xa2: {  	s23 =	simm.s32 $0x1B8B  }
0xa3: {  	_ =	swait.ge [sflag:s23], $0x1  }
0xa4: {  	[sflag:s23] =	ssyncset.done $0x0  }
0xa5: {  	s25 =	simm.s32 $0x1B8E;
	s24 =	sld [smem:$0x3FFE];
	[sflag:s23] =	ssyncadd.s32 $0xFFFFFFFF  }
0xa6: {  	s26 =	simm.s32 $execute0_lowered;
	[smem:$0x3FD2] =	sst s25  }
0xa7: {  	s6 =	sshll.u32 s26, $0x1;
	_ =	strace $0x80000046;
	[dreg:$0x1] =	wrdreg $0xFFFFFFFF  }
0xa8: {  	s28 =	simm.s32 $_size_execute0_lowered;
	s4 =	sadd.s32 s4, s6;
	[dreg:$0x0] =	wrdreg $0x0  }
0xa9: {  	s6 =	sshll.u32 s28, $0x1;
	[dreg:$0x2] =	wrdreg s4  }
0xaa: {  	[dreg:$0x3] =	wrdreg s6  }
0xab: {  	[dreg:$0x4] =	wrdreg $0xC0  }
0xac: {  	_ =	task [dreg:s8], $0x5FFFF  }
0xad: {  	[dreg:$0x1] =	wrdreg $0xFFFFFFFF  }
0xae: {  	[dreg:$0x0] =	wrdreg $0x60  }
0xaf: {  	[dreg:$0x2] =	wrdreg s24  }
0xb0: {  	[dreg:$0x3] =	wrdreg s2  }
0xb1: {  	[dreg:$0x4] =	wrdreg s18  }
0xb2: {  	[dreg:$0x5] =	wrdreg $0x800  }
0xb3: {  	[dreg:$0x6] =	wrdreg $0x9  }
0xb4: {  	_ =	task.clear_ibuf [dreg:s8], $0x7FFFF;
	_ =	strace $0x90000046  }
0xb5: {  	s29 =	simm.s32 $0x9;
	_ =	strace $0x80000048  }
0xb6: {  	_ =	swait.ge [sflag:s29], $0x1  }
0xb7: {  	[sflag:s29] =	ssyncadd.s32 $0xFFFFFFFF  }
0xb8: {  	_ =	strace $0x90000048  }
0xb9: {  	_ =	sfence  }
0xba: {  	s30 =	sld [smem:$0x0];
	_ =	sdelay $0x2  }
0xbb: {  	s31 =	sshll.u32 s1, $0xD;
	s1 =	sshrl.u32 s1, $0x2  }
0xbc: {  	s3 =	sand.u32 $0x4000, s31;
	s1 =	sadd.s32 s1, s30  }
0xbd: {  	s0 =	sor.u32 s3, s0;
	s1 =	sshll.u32 s1, $0x11  }
0xbe: {  	s0 =	sor.u32 s1, s0  }
0xbf: {  	s0 =	sadd.s32 $0x8F2B, s0  }
0xc0: {  	[sflag:s0] =	ssyncadd.remote.s32 $0x1  }
0xc1: {  	_ =	sfence.sel $0xFFFF  }
0xc2: {  	[dreg:$0x0] =	wrdreg $0xFFFFFFFF;
	(pc) =	sbr.abs _section_cstart, $3  }
0xc3: {  	[dreg:$0x1] =	wrdreg $0xFFFFFFFF  }
0xc4: {  	_ =	task.clear_ibuf [dreg:s8], $0x2FFFF;
	_ =	strace $0x9FFFFFFF  }
0xc5: {  	(tm) =	ssettm $0x7FFFFFFF  }
tec
execute0_lowered:
.L_overlay_start_1:
0x0: {  	(tag) =	ssettag $0x1  }
0x1: {  	s3 =	stileid.u32  }
0x2: {  	p0 =	sne.s32 s3, $0x0  }
.Ltmp0:
0x3: {  	s0 =	rddreg [dreg:$0x0];
	(pc) =	sbr.rel @!p0 .LBB2_1-.Ltmp0, $4  }
0x4: {  	s2 =	rddreg [dreg:$0x1]  }
0x5: {  	s7 =	rddreg [dreg:$0x2];
	s4 =	simm.s32 $0x0  }
0x6: {  	[smem:$0x7FF] =	sst s4  }
0x7: {  	s1 =	rddreg [dreg:$0x3];
	_ =	strace $0x80000047  }
.LBB2_66:
0x8: {  	_ =	sfence.sel $0x180000  }
0x9: {  	[bflag:$0x0] =	sbarrier.arrive $0xFFFF  }
0xa: {  	_ =	strace $0x90000047  }
0xb: {  	[bflag:$0x2] =	sbarrier.arrive $0xFFFF  }
0xc: {  	s0 =	rddreg [dreg:$0x4]  }
0xd: {  	s0 =	sadd.s32 @!p0 $0x100000, s0  }
0xe: {  	[sflag:s0] =	ssyncadd.tile.s32 @!p0 $0x1;
	_ =	shalt  }
.LBB2_1:
0xf: {  	s3 =	srdreg.scid  }
0x10: {  	s5 =	sand.u32 $0x1, s3  }
0x11: {  	s8 =	sshll.u32 s5, $0x13  }
0x12: {  	s4 =	sadd.s32 s2, s8;
	s9 =	sor.u32 $0x10000, s8  }
0x13: {  	s10 =	sor.u32 $0x20000, s8;
	[dreg:$0x5] =	wrdreg s4;
	s11 =	sadd.s32 s2, s9  }
0x14: {  	s12 =	sadd.s32 s2, s10;
	[dreg:$0x6] =	wrdreg s11  }
0x15: {  	s14 =	sor.u32 $0x30000, s8;
	s13 =	sadd.s32 s7, s9;
	[dreg:$0x7] =	wrdreg s12  }
0x16: {  	s15 =	sadd.s32 s2, s14;
	[dreg:$0x8] =	wrdreg s13  }
0x17: {  	s17 =	sor.u32 $0x40000, s8;
	s16 =	sadd.s32 s7, s10;
	[dreg:$0x9] =	wrdreg s15  }
0x18: {  	s18 =	sadd.s32 s2, s17;
	[dreg:$0xa] =	wrdreg s16  }
0x19: {  	s20 =	sor.u32 $0x50000, s8;
	s19 =	sadd.s32 s7, s14;
	[dreg:$0xb] =	wrdreg s18  }
0x1a: {  	s21 =	sadd.s32 s2, s20;
	[dreg:$0xc] =	wrdreg s19  }
0x1b: {  	s23 =	sor.u32 $0x60000, s8;
	s22 =	sadd.s32 s7, s17;
	[dreg:$0xd] =	wrdreg s21  }
0x1c: {  	s6 =	sadd.s32 s7, s8;
	s24 =	sadd.s32 s2, s23;
	[dreg:$0xe] =	wrdreg s22  }
0x1d: {  	s8 =	sor.u32 $0x70000, s8;
	s25 =	sadd.s32 s7, s20;
	[dreg:$0xf] =	wrdreg s24  }
0x1e: {  	s26 =	sadd.s32 s2, s8;
	[dreg:$0x10] =	wrdreg s25  }
0x1f: {  	s30 =	simm.s32 $0x6;
	s9 =	sadd.s32 s7, s23;
	[dreg:$0x11] =	wrdreg s26  }
0x20: {  	s3 =	sshll.u32 s5, $0xC;
	s8 =	sadd.s32 s7, s8;
	[dreg:$0x12] =	wrdreg s9  }
0x21: {  	s5 =	ssub.s32 $0x2, s5;
	s10 =	sor.u32 $0x200, s3;
	[dreg:$0x14] =	wrdreg s8  }
0x22: {  	s11 =	sor.u32 $0x400, s3;
	[dreg:$0x13] =	wrdreg s10;
	s12 =	sshll.u32 s10, $0x7  }
0x23: {  	s23 =	sor.u32 $0x600, s3;
	s4 =	sadd.s32 s2, s12;
	[dreg:$0x15] =	wrdreg s11  }
0x24: {  	s15 =	sshll.u32 s23, $0x7;
	s13 =	sadd.s32 s7, s12;
	[dreg:$0x16] =	wrdreg s4  }
0x25: {  	s28 =	sor.u32 $0x800, s3;
	s17 =	sadd.s32 s2, s15;
	[dreg:$0x17] =	wrdreg s13  }
0x26: {  	s19 =	sshll.u32 s28, $0x7;
	s18 =	sadd.s32 s7, s15;
	[dreg:$0x1a] =	wrdreg s17  }
0x27: {  	s31 =	sor.u32 $0xA00, s3;
	s20 =	sadd.s32 s2, s19;
	[dreg:$0x1b] =	wrdreg s18  }
0x28: {  	s21 =	sshll.u32 s31, $0x7;
	s24 =	sadd.s32 s7, s19;
	[dreg:$0x1c] =	wrdreg s20  }
0x29: {  	s29 =	sor.u32 $0xE00, s3;
	s25 =	sadd.s32 s2, s21;
	[dreg:$0x1d] =	wrdreg s24  }
0x2a: {  	s9 =	sshll.u32 s11, $0x7;
	s19 =	sadd.s32 $0x400, s3;
	[dreg:$0x1e] =	wrdreg s25  }
0x2b: {  	s22 =	sor.u32 $0xC00, s3;
	s14 =	sadd.s32 s2, s9;
	[smem:$0x7F8] =	sst s19  }
0x2c: {  	s8 =	sadd.s32 $0x400, s0;
	s16 =	sadd.s32 s7, s9;
	[dreg:$0x18] =	wrdreg s14  }
0x2d: {  	s26 =	sshll.u32 s22, $0x7;
	s9 =	sadd.s32 s7, s21;
	[dreg:$0x19] =	wrdreg s16  }
0x2e: {  	s12 =	sshll.u32 s29, $0x7;
	s10 =	sadd.s32 s2, s26;
	[dreg:$0x1f] =	wrdreg s9  }
0x2f: {  	s15 =	sshrl.u32 s5, $0x1;
	s11 =	sadd.s32 s7, s26;
	[smem:$0x7F3] =	sst s10  }
0x30: {  	s13 =	sadd.s32 s7, s12;
	s17 =	sadd.s32 $0x100000, s1;
	[smem:$0x7F4] =	sst s11  }
0x31: {  	s18 =	sadd.s32 $0x200, s3;
	s20 =	sadd.s32 $0x600, s3;
	[smem:$0x7F5] =	sst s13  }
0x32: {  	s21 =	sadd.s32 $0x800, s3;
	s24 =	sadd.s32 $0xA00, s3;
	[smem:$0x7F7] =	sst s18  }
0x33: {  	s25 =	sadd.s32 $0xC00, s3;
	s26 =	sadd.s32 $0xE00, s3;
	[smem:$0x7F9] =	sst s20  }
0x34: {  	s14 =	sadd.s32 s2, s12;
	s2 =	ssub.s32 s5, s15;
	[smem:$0x7FA] =	sst s21  }
0x35: {  	s9 =	sadd.s32 $0x600, s0;
	s16 =	sadd.s32 $0x80000, s1;
	[smem:$0x7FB] =	sst s24  }
.Ltmp1:
0x36: {  	s12 =	sshrl.u32 s17, $0x3;
	[smem:$0x7FC] =	sst s25;
	(pc) =	sbr.rel .LBB2_2-.Ltmp1, $4  }
0x37: {  	s13 =	sadd.s32 $0x1000, s3;
	[smem:$0x7FD] =	sst s26;
	s15 =	simm.s32 $0x7  }
0x38: {  	s20 =	simm.s32 $0x1;
	s24 =	simm.s32 $0x4;
	s26 =	simm.s32 $0x3  }
0x39: {  	s25 =	simm.s32 $0x0;
	[smem:$0x7F6] =	sst s14;
	s10 =	smax.u32 s2, $0x1  }
0x3a: {  	s11 =	sshrl.u32 s16, $0x3;
	s16 =	simm.s32 $0x1C07;
	s2 =	simm.s32 $0x2  }
.LBB2_3:
0x3b: {  	s5 =	sshrl.u32 s1, $0x3;
	s0 =	rddreg [dreg:$0x5];
	s7 =	simm.s32 $0x1C01  }
0x3c: {  	[spmem:s5], [sflag:s7] =	dma.local [hbm:s0], $0x10000  }
0x3d: {  	s14 =	simm.s32 $0x1C02;
	s0 =	rddreg [dreg:$0x6]  }
0x3e: {  	[spmem:s11], [sflag:s14] =	dma.local [hbm:s0], $0x10000  }
0x3f: {  	_ =	swait.ge [sflag:s20], $0x10000  }
0x40: {  	[sflag:s20] =	ssyncset.done $0x0  }
0x41: {  	s17 =	simm.s32 $0x1C04;
	[sflag:s20] =	ssyncadd.s32 $0xFFFF0000  }
0x42: {  	[hbm:s6], [sflag:s17] =	dma.local [spmem:s5], $0x10000  }
0x43: {  	s18 =	simm.s32 $0x1C03;
	s21 =	rddreg [dreg:$0x7]  }
0x44: {  	[spmem:s12], [sflag:s18] =	dma.local [hbm:s21], $0x10000  }
0x45: {  	_ =	swait.ge [sflag:s2], $0x10000  }
0x46: {  	[sflag:s2] =	ssyncset.done $0x0  }
0x47: {  	s19 =	simm.s32 $0x1C05;
	s4 =	rddreg [dreg:$0x8];
	[sflag:s2] =	ssyncadd.s32 $0xFFFF0000  }
0x48: {  	[hbm:s4], [sflag:s19] =	dma.local [spmem:s11], $0x10000  }
0x49: {  	_ =	swait.ge [sflag:s24], $0x10000  }
0x4a: {  	[sflag:s24] =	ssyncset.done $0x0  }
0x4b: {  	s21 =	rddreg [dreg:$0x9];
	[sflag:s24] =	ssyncadd.s32 $0xFFFF0000  }
0x4c: {  	[spmem:s5], [sflag:s7] =	dma.local [hbm:s21], $0x10000  }
0x4d: {  	_ =	swait.ge [sflag:s26], $0x10000  }
0x4e: {  	s0 =	simm.s32 $0x5;
	[sflag:s26] =	ssyncset.done $0x0  }
0x4f: {  	s21 =	simm.s32 $0x1C06;
	s4 =	rddreg [dreg:$0xa];
	[sflag:s26] =	ssyncadd.s32 $0xFFFF0000  }
0x50: {  	[hbm:s4], [sflag:s21] =	dma.local [spmem:s12], $0x10000  }
0x51: {  	_ =	swait.ge [sflag:s0], $0x10000  }
0x52: {  	[sflag:s0] =	ssyncset.done $0x0  }
0x53: {  	s4 =	rddreg [dreg:$0xb];
	[sflag:s0] =	ssyncadd.s32 $0xFFFF0000  }
0x54: {  	[spmem:s11], [sflag:s14] =	dma.local [hbm:s4], $0x10000  }
0x55: {  	_ =	swait.ge [sflag:s20], $0x10000  }
0x56: {  	[sflag:s20] =	ssyncset.done $0x0  }
0x57: {  	s4 =	rddreg [dreg:$0xc];
	[sflag:s20] =	ssyncadd.s32 $0xFFFF0000  }
0x58: {  	[hbm:s4], [sflag:s17] =	dma.local [spmem:s5], $0x10000  }
0x59: {  	_ =	swait.ge [sflag:s30], $0x10000  }
0x5a: {  	[sflag:s30] =	ssyncset.done $0x0  }
0x5b: {  	s4 =	rddreg [dreg:$0xd];
	[sflag:s30] =	ssyncadd.s32 $0xFFFF0000  }
0x5c: {  	[spmem:s12], [sflag:s18] =	dma.local [hbm:s4], $0x10000  }
0x5d: {  	_ =	swait.ge [sflag:s2], $0x10000  }
0x5e: {  	[sflag:s2] =	ssyncset.done $0x0  }
0x5f: {  	s18 =	rddreg [dreg:$0xe];
	[sflag:s2] =	ssyncadd.s32 $0xFFFF0000  }
0x60: {  	[hbm:s18], [sflag:s19] =	dma.local [spmem:s11], $0x10000  }
0x61: {  	_ =	swait.ge [sflag:s24], $0x10000  }
0x62: {  	[sflag:s24] =	ssyncset.done $0x0  }
0x63: {  	s18 =	rddreg [dreg:$0xf];
	[sflag:s24] =	ssyncadd.s32 $0xFFFF0000  }
0x64: {  	[spmem:s5], [sflag:s7] =	dma.local [hbm:s18], $0x10000  }
0x65: {  	_ =	swait.ge [sflag:s26], $0x10000  }
0x66: {  	[sflag:s26] =	ssyncset.done $0x0  }
0x67: {  	s18 =	rddreg [dreg:$0x10];
	[sflag:s26] =	ssyncadd.s32 $0xFFFF0000  }
0x68: {  	[hbm:s18], [sflag:s21] =	dma.local [spmem:s12], $0x10000  }
0x69: {  	_ =	swait.ge [sflag:s0], $0x10000  }
0x6a: {  	[sflag:s0] =	ssyncset.done $0x0  }
0x6b: {  	s7 =	rddreg [dreg:$0x11];
	[sflag:s0] =	ssyncadd.s32 $0xFFFF0000  }
0x6c: {  	[spmem:s11], [sflag:s14] =	dma.local [hbm:s7], $0x10000  }
0x6d: {  	_ =	swait.ge [sflag:s20], $0x10000  }
0x6e: {  	[sflag:s20] =	ssyncset.done $0x0  }
0x6f: {  	s18 =	rddreg [dreg:$0x12];
	[sflag:s20] =	ssyncadd.s32 $0xFFFF0000  }
0x70: {  	[hbm:s18], [sflag:s17] =	dma.local [spmem:s5], $0x10000  }
0x71: {  	_ =	swait.ge [sflag:s2], $0x10000  }
0x72: {  	[sflag:s2] =	ssyncset.done $0x0  }
0x73: {  	s21 =	rddreg [dreg:$0x14];
	[sflag:s2] =	ssyncadd.s32 $0xFFFF0000  }
0x74: {  	[hbm:s21], [sflag:s19] =	dma.local [spmem:s11], $0x10000  }
0x75: {  	_ =	swait.ge [sflag:s30], $0x10000  }
0x76: {  	[sflag:s30] =	ssyncset.done $0x0  }
0x77: {  	[sflag:s30] =	ssyncadd.s32 $0xFFFF0000  }
0x78: {  	_ =	swait.ge [sflag:s24], $0x10000  }
0x79: {  	[sflag:s24] =	ssyncset.done $0x0  }
0x7a: {  	[sflag:s24] =	ssyncadd.s32 $0xFFFF0000  }
.LBB2_65:
0x7b: {  	s25 =	sadd.s32 $0x1, s25  }
0x7c: {  	p1 =	sne.s32 s25, s10  }
.Ltmp2:
0x7d: {  	_ = 	snop;
	(pc) =	sbr.rel @!p1 .LBB2_66-.Ltmp2, $4  }
0x7e: {  	_ = 	snop  }
0x7f: {  	_ =	swait.ge [sflag:s0], $0x10000  }
0x80: {  	[sflag:s0] =	ssyncset.done $0x0  }
0x81: {  	[sflag:s0] =	ssyncadd.s32 $0xFFFF0000  }
.LBB2_2:
0x82: {  	s0 =	simm.s32 $0x0  }
0x83: {  	[tilespmem:s0], [sflag:$0x7] =	stream.linear.gather [hbm4b:s8+s0], $0x80, $0x38;
	[tilespmem:$0x18080] =	vst v63  }
0x84: {  	_ =	swait.ge [sflag:s15], $0x80  }
0x85: {  	[sflag:s15] =	ssyncset.done $0x0  }
0x86: {  	[sflag:s15] =	ssyncadd.s32 $0xFFFFFF80  }
0x87: {  	v0 =	vld [tilespmem:$0x0];
	_ =	sdelay $0x4  }
0x88: {  	(v2sf) =	vpush v0, $0x0;
	_ =	sdelay $0xe  }
0x89: {  	s0 =	spop (v2sf)  }
0x8a: {  	p1 =	sgt.s32 s13, s0  }
.Ltmp3:
0x8b: {  	_ = 	snop;
	(pc) =	sbr.rel @!p1 .LBB2_3-.Ltmp3, $1  }
0x8c: {  	_ =	sdelay $0x3  }
0x8d: {  	s4 =	rddreg [dreg:$0x13]  }
0x8e: {  	p2 =	sle.s32 s4, s0  }
.Ltmp4:
0x8f: {  	_ = 	snop;
	(pc) =	sbr.rel @p2 .LBB2_9-.Ltmp4, $2  }
0x90: {  	_ =	sdelay $0x2  }
0x91: {  	p1 =	slt.s32 s3, s0  }
.Ltmp5:
0x92: {  	(pc) =	sbr.rel @!p1 .LBB2_10-.Ltmp5, $1  }
0x93: {  	_ =	sdelay $0x3  }
0x94: {  	s5 =	simm.s32 $0x1C07  }
0x95: {  	s7 =	sshrl.u32 s1, $0x3;
	s4 =	rddreg [dreg:$0x5];
	s17 =	simm.s32 $0x0  }
0x96: {  	[spmem:s7], [sflag:s5] =	dma.local [hbm:s4], $0x10000  }
0x97: {  	s7 =	sand.u32 @!p1 $0x7E000, s17  }
0x98: {  	s18 =	sand.u32 @!p1 $0x380, s17;
	_ =	swait.ge [sflag:s15], $0x10000;
	s7 =	sadd.s32 @!p1 s7, s1  }
0x99: {  	s14 =	simm.s32 @!p1 $0x80;
	[sflag:s15] =	ssyncset.done $0x0;
	s7 =	sadd.s32 @!p1 s18, s7  }
0x9a: {  	s18 =	simm.s32 @!p1 $0x1;
	[sflag:s15] =	ssyncadd.s32 $0xFFFF0000;
	s7 =	sshrl.u32 @!p1 s7, $0x3  }
0x9b: {  	[spmem:s7@s14], [sflag:s5] =	dma.strided @!p1 [hbm:s9@s14], $0x80, s18, $0x10   }
0x9c: {  	s18 =	simm.s32 $0x80;
	s7 =	sadd.s32 $0x1, s3;
	p1 =	por p1, p1  }
.LBB2_7:
0x9d: {  	p2 =	slt.s32 s7, s0;
	s14 =	simm.s32 @!p1 $0x7;
	s17 =	sadd.s32 $0x400, s17  }
0x9e: {  	s4 =	sand.u32 @!p2 $0x7E000, s17;
	s21 =	sand.u32 @!p2 $0x380, s18;
	s18 =	sadd.s32 $0x80, s18  }
0x9f: {  	s19 =	simm.s32 @!p2 $0x1;
	_ =	swait.ge @!p1 [sflag:s14], $0x80;
	p3 =	sne.s32 s18, $0x10000  }
.Ltmp6:
0xa0: {  	s4 =	sadd.s32 @!p2 s4, s1;
	[sflag:s14] =	ssyncset.done @!p1 $0x0;
	(pc) =	sbr.rel @p3 .LBB2_7-.Ltmp6, $4  }
0xa1: {  	s4 =	sadd.s32 @!p2 s21, s4;
	[sflag:s14] =	ssyncadd.s32 @!p1 $0xFFFFFF80  }
0xa2: {  	s14 =	simm.s32 @!p2 $0x80;
	s4 =	sshrl.u32 @!p2 s4, $0x3  }
0xa3: {  	[spmem:s4@s14], [sflag:s5] =	dma.strided @!p2 [hbm:s9@s14], $0x80, s19, $0x10   }
0xa4: {  	s7 =	sadd.s32 $0x1, s7;
	p1 =	por p2, p2  }
.Ltmp7:
0xa5: {  	(pc) =	sbr.rel .LBB2_11-.Ltmp7, $4  }
0xa6: {  	s4 =	simm.s32 @!p1 $0x7  }
0xa7: {  	_ =	swait.ge @!p1 [sflag:s4], $0x80  }
0xa8: {  	[sflag:s4] =	ssyncset.done @!p1 $0x0  }
0xa9: {  	[sflag:s4] =	ssyncadd.s32 @!p1 $0xFFFFFF80  }
.LBB2_9:
0xaa: {  	s5 =	sshrl.u32 s1, $0x3;
	s4 =	rddreg [dreg:$0x5]  }
0xab: {  	[spmem:s5], [sflag:s16] =	dma.local [hbm:s4], $0x10000  }
0xac: {  	_ =	swait.ge [sflag:s15], $0x10000  }
0xad: {  	[sflag:s15] =	ssyncset.done $0x0  }
.Ltmp8:
0xae: {  	[sflag:s15] =	ssyncadd.s32 $0xFFFF0000;
	(pc) =	sbr.rel @p1 .LBB2_12-.Ltmp8, $4  }
0xaf: {  	[hbm:s6], [sflag:s16] =	dma.local [spmem:s5], $0x10000  }
0xb0: {  	_ =	swait.ge [sflag:s15], $0x10000  }
0xb1: {  	[sflag:s15] =	ssyncset.done $0x0  }
0xb2: {  	[sflag:s15] =	ssyncadd.s32 $0xFFFF0000  }
.LBB2_10:
0xb3: {  	s5 =	simm.s32 $0x1C07;
	s7 =	sshrl.u32 s1, $0x3  }
0xb4: {  	[spmem:s7], [sflag:s5] =	dma.local [hbm:s9], $0x10000  }
0xb5: {  	_ =	swait.ge [sflag:s15], $0x10000  }
0xb6: {  	[sflag:s15] =	ssyncset.done $0x0  }
0xb7: {  	[sflag:s15] =	ssyncadd.s32 $0xFFFF0000  }
.LBB2_11:
0xb8: {  	s4 =	sshrl.u32 s1, $0x3  }
0xb9: {  	[hbm:s6], [sflag:s5] =	dma.local [spmem:s4], $0x10000  }
0xba: {  	_ =	swait.ge [sflag:s15], $0x10000  }
0xbb: {  	[sflag:s15] =	ssyncset.done $0x0  }
0xbc: {  	[sflag:s15] =	ssyncadd.s32 $0xFFFF0000  }
.LBB2_12:
0xbd: {  	s4 =	rddreg [dreg:$0x15]  }
0xbe: {  	p2 =	sle.s32 s4, s0  }
.Ltmp9:
0xbf: {  	_ = 	snop;
	(pc) =	sbr.rel @p2 .LBB2_17-.Ltmp9, $3  }
0xc0: {  	_ =	sdelay $0x1  }
0xc1: {  	s21 =	rddreg [dreg:$0x13]  }
0xc2: {  	p1 =	slt.s32 s21, s0  }
.Ltmp10:
0xc3: {  	(pc) =	sbr.rel @!p1 .LBB2_18-.Ltmp10, $1  }
0xc4: {  	_ =	sdelay $0x3  }
0xc5: {  	s5 =	simm.s32 $0x1C07;
	s4 =	sshrl.u32 s1, $0x3;
	s7 =	rddreg [dreg:$0x16]  }
0xc6: {  	[spmem:s4], [sflag:s5] =	dma.local [hbm:s7], $0x10000  }
0xc7: {  	s19 =	sld [smem:$0x7F7];
	_ =	sdelay $0x2  }
0xc8: {  	s17 =	simm.s32 $0x0;
	p1 =	slt.s32 s19, s0  }
0xc9: {  	_ =	swait.ge [sflag:s15], $0x10000;
	s4 =	sand.u32 @!p1 $0x7E000, s17  }
0xca: {  	[sflag:s15] =	ssyncset.done $0x0;
	s7 =	sand.u32 @!p1 $0x380, s17;
	s4 =	sadd.s32 @!p1 s4, s1  }
0xcb: {  	[sflag:s15] =	ssyncadd.s32 $0xFFFF0000;
	s4 =	sadd.s32 @!p1 s7, s4  }
0xcc: {  	s14 =	simm.s32 @!p1 $0x80;
	s7 =	simm.s32 @!p1 $0x1;
	s4 =	sshrl.u32 @!p1 s4, $0x3  }
0xcd: {  	[spmem:s4@s14], [sflag:s5] =	dma.strided @!p1 [hbm:s9@s14], $0x80, s7, $0x10   }
0xce: {  	s18 =	simm.s32 $0x80;
	s7 =	sadd.s32 $0x1, s19;
	p1 =	por p1, p1  }
.LBB2_15:
0xcf: {  	p2 =	slt.s32 s7, s0;
	s4 =	simm.s32 @!p1 $0x7;
	s17 =	sadd.s32 $0x400, s17  }
0xd0: {  	s14 =	sand.u32 @!p2 $0x7E000, s17;
	s21 =	sand.u32 @!p2 $0x380, s18;
	s18 =	sadd.s32 $0x80, s18  }
0xd1: {  	s19 =	simm.s32 @!p2 $0x1;
	_ =	swait.ge @!p1 [sflag:s4], $0x80;
	p3 =	sne.s32 s18, $0x10000  }
.Ltmp11:
0xd2: {  	s14 =	sadd.s32 @!p2 s14, s1;
	[sflag:s4] =	ssyncset.done @!p1 $0x0;
	(pc) =	sbr.rel @p3 .LBB2_15-.Ltmp11, $4  }
0xd3: {  	s14 =	sadd.s32 @!p2 s21, s14;
	[sflag:s4] =	ssyncadd.s32 @!p1 $0xFFFFFF80  }
0xd4: {  	s4 =	sshrl.u32 @!p2 s14, $0x3;
	s14 =	simm.s32 @!p2 $0x80  }
0xd5: {  	[spmem:s4@s14], [sflag:s5] =	dma.strided @!p2 [hbm:s9@s14], $0x80, s19, $0x10   }
0xd6: {  	s7 =	sadd.s32 $0x1, s7;
	p1 =	por p2, p2  }
.Ltmp12:
0xd7: {  	(pc) =	sbr.rel .LBB2_19-.Ltmp12, $4  }
0xd8: {  	s4 =	simm.s32 @!p1 $0x7  }
0xd9: {  	_ =	swait.ge @!p1 [sflag:s4], $0x80  }
0xda: {  	[sflag:s4] =	ssyncset.done @!p1 $0x0  }
0xdb: {  	[sflag:s4] =	ssyncadd.s32 @!p1 $0xFFFFFF80  }
.LBB2_17:
0xdc: {  	s4 =	sshrl.u32 s1, $0x3;
	s5 =	rddreg [dreg:$0x16]  }
0xdd: {  	[spmem:s4], [sflag:s16] =	dma.local [hbm:s5], $0x10000  }
0xde: {  	_ =	swait.ge [sflag:s15], $0x10000  }
0xdf: {  	[sflag:s15] =	ssyncset.done $0x0  }
.Ltmp13:
0xe0: {  	s21 =	rddreg [dreg:$0x17];
	[sflag:s15] =	ssyncadd.s32 $0xFFFF0000;
	(pc) =	sbr.rel @p1 .LBB2_20-.Ltmp13, $4  }
0xe1: {  	[hbm:s21], [sflag:s16] =	dma.local [spmem:s4], $0x10000  }
0xe2: {  	_ =	swait.ge [sflag:s15], $0x10000  }
0xe3: {  	[sflag:s15] =	ssyncset.done $0x0  }
0xe4: {  	[sflag:s15] =	ssyncadd.s32 $0xFFFF0000  }
.LBB2_18:
0xe5: {  	s5 =	simm.s32 $0x1C07;
	s4 =	sshrl.u32 s1, $0x3  }
0xe6: {  	[spmem:s4], [sflag:s5] =	dma.local [hbm:s9], $0x10000  }
0xe7: {  	_ =	swait.ge [sflag:s15], $0x10000  }
0xe8: {  	[sflag:s15] =	ssyncset.done $0x0  }
0xe9: {  	[sflag:s15] =	ssyncadd.s32 $0xFFFF0000  }
.LBB2_19:
0xea: {  	s4 =	sshrl.u32 s1, $0x3;
	s7 =	rddreg [dreg:$0x17]  }
0xeb: {  	[hbm:s7], [sflag:s5] =	dma.local [spmem:s4], $0x10000  }
0xec: {  	_ =	swait.ge [sflag:s15], $0x10000  }
0xed: {  	[sflag:s15] =	ssyncset.done $0x0  }
0xee: {  	[sflag:s15] =	ssyncadd.s32 $0xFFFF0000  }
.LBB2_20:
0xef: {  	p2 =	sle.s32 s23, s0  }
.Ltmp14:
0xf0: {  	_ = 	snop;
	(pc) =	sbr.rel @p2 .LBB2_25-.Ltmp14, $3  }
0xf1: {  	_ =	sdelay $0x1  }
0xf2: {  	s4 =	rddreg [dreg:$0x15]  }
0xf3: {  	p1 =	slt.s32 s4, s0  }
.Ltmp15:
0xf4: {  	(pc) =	sbr.rel @!p1 .LBB2_26-.Ltmp15, $1  }
0xf5: {  	_ =	sdelay $0x3  }
0xf6: {  	s5 =	simm.s32 $0x1C07;
	s4 =	sshrl.u32 s1, $0x3;
	s7 =	rddreg [dreg:$0x18]  }
0xf7: {  	[spmem:s4], [sflag:s5] =	dma.local [hbm:s7], $0x10000  }
0xf8: {  	s19 =	sld [smem:$0x7F8];
	_ =	sdelay $0x2  }
0xf9: {  	s17 =	simm.s32 $0x0;
	p1 =	slt.s32 s19, s0  }
0xfa: {  	_ =	swait.ge [sflag:s15], $0x10000;
	s4 =	sand.u32 @!p1 $0x7E000, s17  }
0xfb: {  	[sflag:s15] =	ssyncset.done $0x0;
	s7 =	sand.u32 @!p1 $0x380, s17;
	s4 =	sadd.s32 @!p1 s4, s1  }
0xfc: {  	[sflag:s15] =	ssyncadd.s32 $0xFFFF0000;
	s4 =	sadd.s32 @!p1 s7, s4  }
0xfd: {  	s14 =	simm.s32 @!p1 $0x80;
	s7 =	simm.s32 @!p1 $0x1;
	s4 =	sshrl.u32 @!p1 s4, $0x3  }
0xfe: {  	[spmem:s4@s14], [sflag:s5] =	dma.strided @!p1 [hbm:s9@s14], $0x80, s7, $0x10   }
0xff: {  	s18 =	simm.s32 $0x80;
	s7 =	sadd.s32 $0x1, s19;
	p1 =	por p1, p1  }
.LBB2_23:
0x100: {  	p2 =	slt.s32 s7, s0;
	s4 =	simm.s32 @!p1 $0x7;
	s17 =	sadd.s32 $0x400, s17  }
0x101: {  	s14 =	sand.u32 @!p2 $0x7E000, s17;
	s21 =	sand.u32 @!p2 $0x380, s18;
	s18 =	sadd.s32 $0x80, s18  }
0x102: {  	s19 =	simm.s32 @!p2 $0x1;
	_ =	swait.ge @!p1 [sflag:s4], $0x80;
	p3 =	sne.s32 s18, $0x10000  }
.Ltmp16:
0x103: {  	s14 =	sadd.s32 @!p2 s14, s1;
	[sflag:s4] =	ssyncset.done @!p1 $0x0;
	(pc) =	sbr.rel @p3 .LBB2_23-.Ltmp16, $4  }
0x104: {  	s14 =	sadd.s32 @!p2 s21, s14;
	[sflag:s4] =	ssyncadd.s32 @!p1 $0xFFFFFF80  }
0x105: {  	s4 =	sshrl.u32 @!p2 s14, $0x3;
	s14 =	simm.s32 @!p2 $0x80  }
0x106: {  	[spmem:s4@s14], [sflag:s5] =	dma.strided @!p2 [hbm:s9@s14], $0x80, s19, $0x10   }
0x107: {  	s7 =	sadd.s32 $0x1, s7;
	p1 =	por p2, p2  }
.Ltmp17:
0x108: {  	(pc) =	sbr.rel .LBB2_27-.Ltmp17, $4  }
0x109: {  	s4 =	simm.s32 @!p1 $0x7  }
0x10a: {  	_ =	swait.ge @!p1 [sflag:s4], $0x80  }
0x10b: {  	[sflag:s4] =	ssyncset.done @!p1 $0x0  }
0x10c: {  	[sflag:s4] =	ssyncadd.s32 @!p1 $0xFFFFFF80  }
.LBB2_25:
0x10d: {  	s4 =	sshrl.u32 s1, $0x3;
	s5 =	rddreg [dreg:$0x18]  }
0x10e: {  	[spmem:s4], [sflag:s16] =	dma.local [hbm:s5], $0x10000  }
0x10f: {  	_ =	swait.ge [sflag:s15], $0x10000  }
0x110: {  	[sflag:s15] =	ssyncset.done $0x0  }
.Ltmp18:
0x111: {  	s21 =	rddreg [dreg:$0x19];
	[sflag:s15] =	ssyncadd.s32 $0xFFFF0000;
	(pc) =	sbr.rel @p1 .LBB2_28-.Ltmp18, $4  }
0x112: {  	[hbm:s21], [sflag:s16] =	dma.local [spmem:s4], $0x10000  }
0x113: {  	_ =	swait.ge [sflag:s15], $0x10000  }
0x114: {  	[sflag:s15] =	ssyncset.done $0x0  }
0x115: {  	[sflag:s15] =	ssyncadd.s32 $0xFFFF0000  }
.LBB2_26:
0x116: {  	s5 =	simm.s32 $0x1C07;
	s4 =	sshrl.u32 s1, $0x3  }
0x117: {  	[spmem:s4], [sflag:s5] =	dma.local [hbm:s9], $0x10000  }
0x118: {  	_ =	swait.ge [sflag:s15], $0x10000  }
0x119: {  	[sflag:s15] =	ssyncset.done $0x0  }
0x11a: {  	[sflag:s15] =	ssyncadd.s32 $0xFFFF0000  }
.LBB2_27:
0x11b: {  	s4 =	sshrl.u32 s1, $0x3;
	s7 =	rddreg [dreg:$0x19]  }
0x11c: {  	[hbm:s7], [sflag:s5] =	dma.local [spmem:s4], $0x10000  }
0x11d: {  	_ =	swait.ge [sflag:s15], $0x10000  }
0x11e: {  	[sflag:s15] =	ssyncset.done $0x0  }
0x11f: {  	[sflag:s15] =	ssyncadd.s32 $0xFFFF0000  }
.LBB2_28:
0x120: {  	p2 =	sle.s32 s28, s0  }
.Ltmp19:
0x121: {  	_ = 	snop;
	(pc) =	sbr.rel @p2 .LBB2_33-.Ltmp19, $2  }
0x122: {  	_ =	sdelay $0x2  }
0x123: {  	p1 =	slt.s32 s23, s0  }
.Ltmp20:
0x124: {  	(pc) =	sbr.rel @!p1 .LBB2_34-.Ltmp20, $1  }
0x125: {  	_ =	sdelay $0x3  }
0x126: {  	s5 =	simm.s32 $0x1C07;
	s4 =	sshrl.u32 s1, $0x3;
	s7 =	rddreg [dreg:$0x1a]  }
0x127: {  	[spmem:s4], [sflag:s5] =	dma.local [hbm:s7], $0x10000  }
0x128: {  	s19 =	sld [smem:$0x7F9];
	_ =	sdelay $0x2  }
0x129: {  	s17 =	simm.s32 $0x0;
	p1 =	slt.s32 s19, s0  }
0x12a: {  	_ =	swait.ge [sflag:s15], $0x10000;
	s4 =	sand.u32 @!p1 $0x7E000, s17  }
0x12b: {  	[sflag:s15] =	ssyncset.done $0x0;
	s7 =	sand.u32 @!p1 $0x380, s17;
	s4 =	sadd.s32 @!p1 s4, s1  }
0x12c: {  	[sflag:s15] =	ssyncadd.s32 $0xFFFF0000;
	s4 =	sadd.s32 @!p1 s7, s4  }
0x12d: {  	s14 =	simm.s32 @!p1 $0x80;
	s7 =	simm.s32 @!p1 $0x1;
	s4 =	sshrl.u32 @!p1 s4, $0x3  }
0x12e: {  	[spmem:s4@s14], [sflag:s5] =	dma.strided @!p1 [hbm:s9@s14], $0x80, s7, $0x10   }
0x12f: {  	s18 =	simm.s32 $0x80;
	s7 =	sadd.s32 $0x1, s19;
	p1 =	por p1, p1  }
.LBB2_31:
0x130: {  	p2 =	slt.s32 s7, s0;
	s4 =	simm.s32 @!p1 $0x7;
	s17 =	sadd.s32 $0x400, s17  }
0x131: {  	s14 =	sand.u32 @!p2 $0x7E000, s17;
	s21 =	sand.u32 @!p2 $0x380, s18;
	s18 =	sadd.s32 $0x80, s18  }
0x132: {  	s19 =	simm.s32 @!p2 $0x1;
	_ =	swait.ge @!p1 [sflag:s4], $0x80;
	p3 =	sne.s32 s18, $0x10000  }
.Ltmp21:
0x133: {  	s14 =	sadd.s32 @!p2 s14, s1;
	[sflag:s4] =	ssyncset.done @!p1 $0x0;
	(pc) =	sbr.rel @p3 .LBB2_31-.Ltmp21, $4  }
0x134: {  	s14 =	sadd.s32 @!p2 s21, s14;
	[sflag:s4] =	ssyncadd.s32 @!p1 $0xFFFFFF80  }
0x135: {  	s4 =	sshrl.u32 @!p2 s14, $0x3;
	s14 =	simm.s32 @!p2 $0x80  }
0x136: {  	[spmem:s4@s14], [sflag:s5] =	dma.strided @!p2 [hbm:s9@s14], $0x80, s19, $0x10   }
0x137: {  	s7 =	sadd.s32 $0x1, s7;
	p1 =	por p2, p2  }
.Ltmp22:
0x138: {  	(pc) =	sbr.rel .LBB2_35-.Ltmp22, $4  }
0x139: {  	s4 =	simm.s32 @!p1 $0x7  }
0x13a: {  	_ =	swait.ge @!p1 [sflag:s4], $0x80  }
0x13b: {  	[sflag:s4] =	ssyncset.done @!p1 $0x0  }
0x13c: {  	[sflag:s4] =	ssyncadd.s32 @!p1 $0xFFFFFF80  }
.LBB2_33:
0x13d: {  	s4 =	sshrl.u32 s1, $0x3;
	s5 =	rddreg [dreg:$0x1a]  }
0x13e: {  	[spmem:s4], [sflag:s16] =	dma.local [hbm:s5], $0x10000  }
0x13f: {  	_ =	swait.ge [sflag:s15], $0x10000  }
0x140: {  	[sflag:s15] =	ssyncset.done $0x0  }
.Ltmp23:
0x141: {  	s21 =	rddreg [dreg:$0x1b];
	[sflag:s15] =	ssyncadd.s32 $0xFFFF0000;
	(pc) =	sbr.rel @p1 .LBB2_36-.Ltmp23, $4  }
0x142: {  	[hbm:s21], [sflag:s16] =	dma.local [spmem:s4], $0x10000  }
0x143: {  	_ =	swait.ge [sflag:s15], $0x10000  }
0x144: {  	[sflag:s15] =	ssyncset.done $0x0  }
0x145: {  	[sflag:s15] =	ssyncadd.s32 $0xFFFF0000  }
.LBB2_34:
0x146: {  	s5 =	simm.s32 $0x1C07;
	s4 =	sshrl.u32 s1, $0x3  }
0x147: {  	[spmem:s4], [sflag:s5] =	dma.local [hbm:s9], $0x10000  }
0x148: {  	_ =	swait.ge [sflag:s15], $0x10000  }
0x149: {  	[sflag:s15] =	ssyncset.done $0x0  }
0x14a: {  	[sflag:s15] =	ssyncadd.s32 $0xFFFF0000  }
.LBB2_35:
0x14b: {  	s4 =	sshrl.u32 s1, $0x3;
	s7 =	rddreg [dreg:$0x1b]  }
0x14c: {  	[hbm:s7], [sflag:s5] =	dma.local [spmem:s4], $0x10000  }
0x14d: {  	_ =	swait.ge [sflag:s15], $0x10000  }
0x14e: {  	[sflag:s15] =	ssyncset.done $0x0  }
0x14f: {  	[sflag:s15] =	ssyncadd.s32 $0xFFFF0000  }
.LBB2_36:
0x150: {  	p2 =	sle.s32 s31, s0  }
.Ltmp24:
0x151: {  	_ = 	snop;
	(pc) =	sbr.rel @p2 .LBB2_41-.Ltmp24, $2  }
0x152: {  	_ =	sdelay $0x2  }
0x153: {  	p1 =	slt.s32 s28, s0  }
.Ltmp25:
0x154: {  	(pc) =	sbr.rel @!p1 .LBB2_42-.Ltmp25, $1  }
0x155: {  	_ =	sdelay $0x3  }
0x156: {  	s5 =	simm.s32 $0x1C07;
	s4 =	sshrl.u32 s1, $0x3;
	s7 =	rddreg [dreg:$0x1c]  }
0x157: {  	[spmem:s4], [sflag:s5] =	dma.local [hbm:s7], $0x10000  }
0x158: {  	s19 =	sld [smem:$0x7FA];
	_ =	sdelay $0x2  }
0x159: {  	s17 =	simm.s32 $0x0;
	p1 =	slt.s32 s19, s0  }
0x15a: {  	_ =	swait.ge [sflag:s15], $0x10000;
	s4 =	sand.u32 @!p1 $0x7E000, s17  }
0x15b: {  	[sflag:s15] =	ssyncset.done $0x0;
	s7 =	sand.u32 @!p1 $0x380, s17;
	s4 =	sadd.s32 @!p1 s4, s1  }
0x15c: {  	[sflag:s15] =	ssyncadd.s32 $0xFFFF0000;
	s4 =	sadd.s32 @!p1 s7, s4  }
0x15d: {  	s14 =	simm.s32 @!p1 $0x80;
	s7 =	simm.s32 @!p1 $0x1;
	s4 =	sshrl.u32 @!p1 s4, $0x3  }
0x15e: {  	[spmem:s4@s14], [sflag:s5] =	dma.strided @!p1 [hbm:s9@s14], $0x80, s7, $0x10   }
0x15f: {  	s18 =	simm.s32 $0x80;
	s7 =	sadd.s32 $0x1, s19;
	p1 =	por p1, p1  }
.LBB2_39:
0x160: {  	p2 =	slt.s32 s7, s0;
	s4 =	simm.s32 @!p1 $0x7;
	s17 =	sadd.s32 $0x400, s17  }
0x161: {  	s14 =	sand.u32 @!p2 $0x7E000, s17;
	s21 =	sand.u32 @!p2 $0x380, s18;
	s18 =	sadd.s32 $0x80, s18  }
0x162: {  	s19 =	simm.s32 @!p2 $0x1;
	_ =	swait.ge @!p1 [sflag:s4], $0x80;
	p3 =	sne.s32 s18, $0x10000  }
.Ltmp26:
0x163: {  	s14 =	sadd.s32 @!p2 s14, s1;
	[sflag:s4] =	ssyncset.done @!p1 $0x0;
	(pc) =	sbr.rel @p3 .LBB2_39-.Ltmp26, $4  }
0x164: {  	s14 =	sadd.s32 @!p2 s21, s14;
	[sflag:s4] =	ssyncadd.s32 @!p1 $0xFFFFFF80  }
0x165: {  	s4 =	sshrl.u32 @!p2 s14, $0x3;
	s14 =	simm.s32 @!p2 $0x80  }
0x166: {  	[spmem:s4@s14], [sflag:s5] =	dma.strided @!p2 [hbm:s9@s14], $0x80, s19, $0x10   }
0x167: {  	s7 =	sadd.s32 $0x1, s7;
	p1 =	por p2, p2  }
.Ltmp27:
0x168: {  	(pc) =	sbr.rel .LBB2_43-.Ltmp27, $4  }
0x169: {  	s4 =	simm.s32 @!p1 $0x7  }
0x16a: {  	_ =	swait.ge @!p1 [sflag:s4], $0x80  }
0x16b: {  	[sflag:s4] =	ssyncset.done @!p1 $0x0  }
0x16c: {  	[sflag:s4] =	ssyncadd.s32 @!p1 $0xFFFFFF80  }
.LBB2_41:
0x16d: {  	s4 =	sshrl.u32 s1, $0x3;
	s5 =	rddreg [dreg:$0x1c]  }
0x16e: {  	[spmem:s4], [sflag:s16] =	dma.local [hbm:s5], $0x10000  }
0x16f: {  	_ =	swait.ge [sflag:s15], $0x10000  }
0x170: {  	[sflag:s15] =	ssyncset.done $0x0  }
.Ltmp28:
0x171: {  	s21 =	rddreg [dreg:$0x1d];
	[sflag:s15] =	ssyncadd.s32 $0xFFFF0000;
	(pc) =	sbr.rel @p1 .LBB2_44-.Ltmp28, $4  }
0x172: {  	[hbm:s21], [sflag:s16] =	dma.local [spmem:s4], $0x10000  }
0x173: {  	_ =	swait.ge [sflag:s15], $0x10000  }
0x174: {  	[sflag:s15] =	ssyncset.done $0x0  }
0x175: {  	[sflag:s15] =	ssyncadd.s32 $0xFFFF0000  }
.LBB2_42:
0x176: {  	s5 =	simm.s32 $0x1C07;
	s4 =	sshrl.u32 s1, $0x3  }
0x177: {  	[spmem:s4], [sflag:s5] =	dma.local [hbm:s9], $0x10000  }
0x178: {  	_ =	swait.ge [sflag:s15], $0x10000  }
0x179: {  	[sflag:s15] =	ssyncset.done $0x0  }
0x17a: {  	[sflag:s15] =	ssyncadd.s32 $0xFFFF0000  }
.LBB2_43:
0x17b: {  	s4 =	sshrl.u32 s1, $0x3;
	s7 =	rddreg [dreg:$0x1d]  }
0x17c: {  	[hbm:s7], [sflag:s5] =	dma.local [spmem:s4], $0x10000  }
0x17d: {  	_ =	swait.ge [sflag:s15], $0x10000  }
0x17e: {  	[sflag:s15] =	ssyncset.done $0x0  }
0x17f: {  	[sflag:s15] =	ssyncadd.s32 $0xFFFF0000  }
.LBB2_44:
0x180: {  	p2 =	sle.s32 s22, s0  }
.Ltmp29:
0x181: {  	_ = 	snop;
	(pc) =	sbr.rel @p2 .LBB2_49-.Ltmp29, $2  }
0x182: {  	_ =	sdelay $0x2  }
0x183: {  	p1 =	slt.s32 s31, s0  }
.Ltmp30:
0x184: {  	(pc) =	sbr.rel @!p1 .LBB2_50-.Ltmp30, $1  }
0x185: {  	_ =	sdelay $0x3  }
0x186: {  	s5 =	simm.s32 $0x1C07;
	s4 =	sshrl.u32 s1, $0x3;
	s7 =	rddreg [dreg:$0x1e]  }
0x187: {  	[spmem:s4], [sflag:s5] =	dma.local [hbm:s7], $0x10000  }
0x188: {  	s19 =	sld [smem:$0x7FB];
	_ =	sdelay $0x2  }
0x189: {  	s17 =	simm.s32 $0x0;
	p1 =	slt.s32 s19, s0  }
0x18a: {  	_ =	swait.ge [sflag:s15], $0x10000;
	s4 =	sand.u32 @!p1 $0x7E000, s17  }
0x18b: {  	[sflag:s15] =	ssyncset.done $0x0;
	s7 =	sand.u32 @!p1 $0x380, s17;
	s4 =	sadd.s32 @!p1 s4, s1  }
0x18c: {  	[sflag:s15] =	ssyncadd.s32 $0xFFFF0000;
	s4 =	sadd.s32 @!p1 s7, s4  }
0x18d: {  	s14 =	simm.s32 @!p1 $0x80;
	s7 =	simm.s32 @!p1 $0x1;
	s4 =	sshrl.u32 @!p1 s4, $0x3  }
0x18e: {  	[spmem:s4@s14], [sflag:s5] =	dma.strided @!p1 [hbm:s9@s14], $0x80, s7, $0x10   }
0x18f: {  	s18 =	simm.s32 $0x80;
	s7 =	sadd.s32 $0x1, s19;
	p1 =	por p1, p1  }
.LBB2_47:
0x190: {  	p2 =	slt.s32 s7, s0;
	s4 =	simm.s32 @!p1 $0x7;
	s17 =	sadd.s32 $0x400, s17  }
0x191: {  	s14 =	sand.u32 @!p2 $0x7E000, s17;
	s21 =	sand.u32 @!p2 $0x380, s18;
	s18 =	sadd.s32 $0x80, s18  }
0x192: {  	s19 =	simm.s32 @!p2 $0x1;
	_ =	swait.ge @!p1 [sflag:s4], $0x80;
	p3 =	sne.s32 s18, $0x10000  }
.Ltmp31:
0x193: {  	s14 =	sadd.s32 @!p2 s14, s1;
	[sflag:s4] =	ssyncset.done @!p1 $0x0;
	(pc) =	sbr.rel @p3 .LBB2_47-.Ltmp31, $4  }
0x194: {  	s14 =	sadd.s32 @!p2 s21, s14;
	[sflag:s4] =	ssyncadd.s32 @!p1 $0xFFFFFF80  }
0x195: {  	s4 =	sshrl.u32 @!p2 s14, $0x3;
	s14 =	simm.s32 @!p2 $0x80  }
0x196: {  	[spmem:s4@s14], [sflag:s5] =	dma.strided @!p2 [hbm:s9@s14], $0x80, s19, $0x10   }
0x197: {  	s7 =	sadd.s32 $0x1, s7;
	p1 =	por p2, p2  }
.Ltmp32:
0x198: {  	(pc) =	sbr.rel .LBB2_51-.Ltmp32, $4  }
0x199: {  	s4 =	simm.s32 @!p1 $0x7  }
0x19a: {  	_ =	swait.ge @!p1 [sflag:s4], $0x80  }
0x19b: {  	[sflag:s4] =	ssyncset.done @!p1 $0x0  }
0x19c: {  	[sflag:s4] =	ssyncadd.s32 @!p1 $0xFFFFFF80  }
.LBB2_49:
0x19d: {  	s4 =	sshrl.u32 s1, $0x3;
	s5 =	rddreg [dreg:$0x1e]  }
0x19e: {  	[spmem:s4], [sflag:s16] =	dma.local [hbm:s5], $0x10000  }
0x19f: {  	_ =	swait.ge [sflag:s15], $0x10000  }
0x1a0: {  	[sflag:s15] =	ssyncset.done $0x0  }
.Ltmp33:
0x1a1: {  	s21 =	rddreg [dreg:$0x1f];
	[sflag:s15] =	ssyncadd.s32 $0xFFFF0000;
	(pc) =	sbr.rel @p1 .LBB2_52-.Ltmp33, $4  }
0x1a2: {  	[hbm:s21], [sflag:s16] =	dma.local [spmem:s4], $0x10000  }
0x1a3: {  	_ =	swait.ge [sflag:s15], $0x10000  }
0x1a4: {  	[sflag:s15] =	ssyncset.done $0x0  }
0x1a5: {  	[sflag:s15] =	ssyncadd.s32 $0xFFFF0000  }
.LBB2_50:
0x1a6: {  	s5 =	simm.s32 $0x1C07;
	s4 =	sshrl.u32 s1, $0x3  }
0x1a7: {  	[spmem:s4], [sflag:s5] =	dma.local [hbm:s9], $0x10000  }
0x1a8: {  	_ =	swait.ge [sflag:s15], $0x10000  }
0x1a9: {  	[sflag:s15] =	ssyncset.done $0x0  }
0x1aa: {  	[sflag:s15] =	ssyncadd.s32 $0xFFFF0000  }
.LBB2_51:
0x1ab: {  	s4 =	sshrl.u32 s1, $0x3;
	s7 =	rddreg [dreg:$0x1f]  }
0x1ac: {  	[hbm:s7], [sflag:s5] =	dma.local [spmem:s4], $0x10000  }
0x1ad: {  	_ =	swait.ge [sflag:s15], $0x10000  }
0x1ae: {  	[sflag:s15] =	ssyncset.done $0x0  }
0x1af: {  	[sflag:s15] =	ssyncadd.s32 $0xFFFF0000  }
.LBB2_52:
0x1b0: {  	p2 =	sle.s32 s29, s0  }
.Ltmp34:
0x1b1: {  	_ = 	snop;
	(pc) =	sbr.rel @p2 .LBB2_57-.Ltmp34, $2  }
0x1b2: {  	_ =	sdelay $0x2  }
0x1b3: {  	p1 =	slt.s32 s22, s0  }
.Ltmp35:
0x1b4: {  	(pc) =	sbr.rel @!p1 .LBB2_58-.Ltmp35, $1  }
0x1b5: {  	_ =	sdelay $0x3  }
0x1b6: {  	s7 =	sld [smem:$0x7F3];
	_ =	sdelay $0x1  }
0x1b7: {  	s5 =	simm.s32 $0x1C07;
	s4 =	sshrl.u32 s1, $0x3  }
0x1b8: {  	[spmem:s4], [sflag:s5] =	dma.local [hbm:s7], $0x10000  }
0x1b9: {  	s19 =	sld [smem:$0x7FC];
	_ =	sdelay $0x2  }
0x1ba: {  	s17 =	simm.s32 $0x0;
	p1 =	slt.s32 s19, s0  }
0x1bb: {  	_ =	swait.ge [sflag:s15], $0x10000;
	s4 =	sand.u32 @!p1 $0x7E000, s17  }
0x1bc: {  	[sflag:s15] =	ssyncset.done $0x0;
	s7 =	sand.u32 @!p1 $0x380, s17;
	s4 =	sadd.s32 @!p1 s4, s1  }
0x1bd: {  	[sflag:s15] =	ssyncadd.s32 $0xFFFF0000;
	s4 =	sadd.s32 @!p1 s7, s4  }
0x1be: {  	s14 =	simm.s32 @!p1 $0x80;
	s7 =	simm.s32 @!p1 $0x1;
	s4 =	sshrl.u32 @!p1 s4, $0x3  }
0x1bf: {  	[spmem:s4@s14], [sflag:s5] =	dma.strided @!p1 [hbm:s9@s14], $0x80, s7, $0x10   }
0x1c0: {  	s18 =	simm.s32 $0x80;
	s7 =	sadd.s32 $0x1, s19;
	p1 =	por p1, p1  }
.LBB2_55:
0x1c1: {  	p2 =	slt.s32 s7, s0;
	s4 =	simm.s32 @!p1 $0x7;
	s17 =	sadd.s32 $0x400, s17  }
0x1c2: {  	s14 =	sand.u32 @!p2 $0x7E000, s17;
	s21 =	sand.u32 @!p2 $0x380, s18;
	s18 =	sadd.s32 $0x80, s18  }
0x1c3: {  	s19 =	simm.s32 @!p2 $0x1;
	_ =	swait.ge @!p1 [sflag:s4], $0x80;
	p3 =	sne.s32 s18, $0x10000  }
.Ltmp36:
0x1c4: {  	s14 =	sadd.s32 @!p2 s14, s1;
	[sflag:s4] =	ssyncset.done @!p1 $0x0;
	(pc) =	sbr.rel @p3 .LBB2_55-.Ltmp36, $4  }
0x1c5: {  	s14 =	sadd.s32 @!p2 s21, s14;
	[sflag:s4] =	ssyncadd.s32 @!p1 $0xFFFFFF80  }
0x1c6: {  	s4 =	sshrl.u32 @!p2 s14, $0x3;
	s14 =	simm.s32 @!p2 $0x80  }
0x1c7: {  	[spmem:s4@s14], [sflag:s5] =	dma.strided @!p2 [hbm:s9@s14], $0x80, s19, $0x10   }
0x1c8: {  	s7 =	sadd.s32 $0x1, s7;
	p1 =	por p2, p2  }
.Ltmp37:
0x1c9: {  	(pc) =	sbr.rel .LBB2_59-.Ltmp37, $4  }
0x1ca: {  	s4 =	simm.s32 @!p1 $0x7  }
0x1cb: {  	_ =	swait.ge @!p1 [sflag:s4], $0x80  }
0x1cc: {  	[sflag:s4] =	ssyncset.done @!p1 $0x0  }
0x1cd: {  	[sflag:s4] =	ssyncadd.s32 @!p1 $0xFFFFFF80  }
.LBB2_57:
0x1ce: {  	s5 =	sld [smem:$0x7F3];
	_ =	sdelay $0x1  }
0x1cf: {  	s4 =	sshrl.u32 s1, $0x3  }
0x1d0: {  	[spmem:s4], [sflag:s16] =	dma.local [hbm:s5], $0x10000  }
0x1d1: {  	_ =	swait.ge [sflag:s15], $0x10000  }
0x1d2: {  	s21 =	sld [smem:$0x7F4]  }
0x1d3: {  	[sflag:s15] =	ssyncset.done $0x0  }
.Ltmp38:
0x1d4: {  	[sflag:s15] =	ssyncadd.s32 $0xFFFF0000;
	(pc) =	sbr.rel @p1 .LBB2_60-.Ltmp38, $4  }
0x1d5: {  	[hbm:s21], [sflag:s16] =	dma.local [spmem:s4], $0x10000  }
0x1d6: {  	_ =	swait.ge [sflag:s15], $0x10000  }
0x1d7: {  	[sflag:s15] =	ssyncset.done $0x0  }
0x1d8: {  	[sflag:s15] =	ssyncadd.s32 $0xFFFF0000  }
.LBB2_58:
0x1d9: {  	s5 =	simm.s32 $0x1C07;
	s4 =	sshrl.u32 s1, $0x3  }
0x1da: {  	[spmem:s4], [sflag:s5] =	dma.local [hbm:s9], $0x10000  }
0x1db: {  	_ =	swait.ge [sflag:s15], $0x10000  }
0x1dc: {  	[sflag:s15] =	ssyncset.done $0x0  }
0x1dd: {  	[sflag:s15] =	ssyncadd.s32 $0xFFFF0000  }
.LBB2_59:
0x1de: {  	s7 =	sld [smem:$0x7F4];
	_ =	sdelay $0x1  }
0x1df: {  	s4 =	sshrl.u32 s1, $0x3  }
0x1e0: {  	[hbm:s7], [sflag:s5] =	dma.local [spmem:s4], $0x10000  }
0x1e1: {  	_ =	swait.ge [sflag:s15], $0x10000  }
0x1e2: {  	[sflag:s15] =	ssyncset.done $0x0  }
0x1e3: {  	[sflag:s15] =	ssyncadd.s32 $0xFFFF0000  }
.LBB2_60:
0x1e4: {  	p1 =	slt.s32 s29, s0  }
.Ltmp39:
0x1e5: {  	_ = 	snop;
	(pc) =	sbr.rel @!p1 .LBB2_61-.Ltmp39, $1  }
0x1e6: {  	_ =	sdelay $0x3  }
0x1e7: {  	s4 =	sld [smem:$0x7F6];
	_ =	sdelay $0x1  }
0x1e8: {  	s5 =	sshrl.u32 s1, $0x3  }
0x1e9: {  	[spmem:s5], [sflag:s16] =	dma.local [hbm:s4], $0x10000  }
0x1ea: {  	s19 =	sld [smem:$0x7FD];
	_ =	sdelay $0x2  }
0x1eb: {  	s17 =	simm.s32 $0x0;
	p1 =	slt.s32 s19, s0  }
0x1ec: {  	_ =	swait.ge [sflag:s15], $0x10000;
	s4 =	sand.u32 @!p1 $0x7E000, s17  }
0x1ed: {  	[sflag:s15] =	ssyncset.done $0x0;
	s7 =	sand.u32 @!p1 $0x380, s17;
	s4 =	sadd.s32 @!p1 s4, s1  }
0x1ee: {  	[sflag:s15] =	ssyncadd.s32 $0xFFFF0000;
	s4 =	sadd.s32 @!p1 s7, s4  }
0x1ef: {  	s14 =	simm.s32 @!p1 $0x80;
	s7 =	simm.s32 @!p1 $0x1;
	s4 =	sshrl.u32 @!p1 s4, $0x3  }
0x1f0: {  	[spmem:s4@s14], [sflag:s16] =	dma.strided @!p1 [hbm:s9@s14], $0x80, s7, $0x10   }
0x1f1: {  	s18 =	simm.s32 $0x80;
	s7 =	sadd.s32 $0x1, s19;
	p1 =	por p1, p1  }
.LBB2_63:
0x1f2: {  	p2 =	slt.s32 s7, s0;
	s4 =	simm.s32 @!p1 $0x7;
	s17 =	sadd.s32 $0x400, s17  }
0x1f3: {  	s14 =	sand.u32 @!p2 $0x7E000, s17;
	s21 =	sand.u32 @!p2 $0x380, s18;
	s18 =	sadd.s32 $0x80, s18  }
0x1f4: {  	s19 =	simm.s32 @!p2 $0x1;
	_ =	swait.ge @!p1 [sflag:s4], $0x80;
	p3 =	sne.s32 s18, $0x10000  }
.Ltmp40:
0x1f5: {  	s14 =	sadd.s32 @!p2 s14, s1;
	[sflag:s4] =	ssyncset.done @!p1 $0x0;
	(pc) =	sbr.rel @p3 .LBB2_63-.Ltmp40, $4  }
0x1f6: {  	s14 =	sadd.s32 @!p2 s21, s14;
	[sflag:s4] =	ssyncadd.s32 @!p1 $0xFFFFFF80  }
0x1f7: {  	s4 =	sshrl.u32 @!p2 s14, $0x3;
	s14 =	simm.s32 @!p2 $0x80  }
0x1f8: {  	[spmem:s4@s14], [sflag:s16] =	dma.strided @!p2 [hbm:s9@s14], $0x80, s19, $0x10   }
0x1f9: {  	s7 =	sadd.s32 $0x1, s7;
	p1 =	por p2, p2  }
0x1fa: {  	s0 =	simm.s32 @!p1 $0x7  }
.Ltmp41:
0x1fb: {  	_ =	swait.ge @!p1 [sflag:s0], $0x80;
	(pc) =	sbr.rel .LBB2_65-.Ltmp41, $4  }
0x1fc: {  	s21 =	sld [smem:$0x7F5]  }
0x1fd: {  	[sflag:s0] =	ssyncset.done @!p1 $0x0  }
0x1fe: {  	[sflag:s0] =	ssyncadd.s32 @!p1 $0xFFFFFF80;
	s0 =	simm.s32 $0x7  }
0x1ff: {  	[hbm:s21], [sflag:s16] =	dma.local [spmem:s5], $0x10000  }
.LBB2_61:
0x200: {  	s4 =	sshrl.u32 s1, $0x3;
	s0 =	simm.s32 $0x7  }
0x201: {  	[spmem:s4], [sflag:s16] =	dma.local [hbm:s9], $0x10000  }
.Ltmp42:
0x202: {  	_ =	swait.ge [sflag:s0], $0x10000;
	(pc) =	sbr.rel .LBB2_65-.Ltmp42, $4  }
0x203: {  	s5 =	sld [smem:$0x7F5]  }
0x204: {  	[sflag:s0] =	ssyncset.done $0x0  }
0x205: {  	[sflag:s0] =	ssyncadd.s32 $0xFFFF0000  }
0x206: {  	[hbm:s5], [sflag:s16] =	dma.local [spmem:s4], $0x10000  }
.Lfunc_end2:
_tile_overlayer_lowered:
.L_overlay_start_2:
0x207: {  	(tag) =	ssettag $0x2  }
0x208: {  	s0 =	rddreg [dreg:$0x0];
	s2 =	stileid.u32  }
0x209: {  	s1 =	rddreg [dreg:$0x1];
	p0 =	sne.s32 s2, $0x0  }
0x20a: {  	s3 =	rddreg [dreg:$0x2];
	[bflag:$0x3] =	sbarrier.arrive $0xFFFF;
	s2 =	simm.s32 @!p0 $0x1C07  }
0x20b: {  	[timem:s3], [sflag:s2] =	dma.local @!p0 [hbm:s0], s1  }
0x20c: {  	s0 =	simm.s32 @!p0 $0x7  }
0x20d: {  	_ =	swait.ge @!p0 [sflag:s0], s1  }
0x20e: {  	s1 =	ssub.s32 @!p0 $0x0, s1;
	[sflag:s0] =	ssyncset.done @!p0 $0x0  }
0x20f: {  	[sflag:s0] =	ssyncadd.s32 @!p0 s1  }
0x210: {  	[bflag:$0x3] =	sbarrier.arrive $0xFFFF  }
0x211: {  	_ =	shalt  }

</sc_bundles>
